<compile_context>
chip_gen: v7x
topology: tpu7x:2x2x1
jax: 0.10.2.dev20260603
libtpu: 0.0.44.dev20260713+nightly
codegen_flags: <defaults>
</compile_context>

<pallas_src>
import functools

import jax
import jax.numpy as jnp
from jax import lax
from jax.experimental import pallas as pl
from jax.experimental.pallas import tpu as pltpu
from jax.experimental.pallas import tpu_sc as plsc

N = 10000
D = 128
NC = 2
NS = 16
NW = NC * NS
CHUNK = 128
WIN = 6
N_PAD = 10240
ROWS_PER_SUB = N_PAD // NS
NB = N_PAD // D


def _sc_segment_sum(x, edg, base, extra):
    nwin = base // WIN
    mesh = plsc.VectorSubcoreMesh(
        core_axis_name="c", subcore_axis_name="s", num_cores=NC,
        num_subcores=NS)

    @functools.partial(
        pl.kernel,
        out_type=(
            jax.ShapeDtypeStruct((NC, N_PAD, D), jnp.float32),
            jax.ShapeDtypeStruct((NC, N_PAD), jnp.float32),
        ),
        mesh=mesh,
        scratch_types=[
            pltpu.VMEM((WIN, 2, CHUNK), jnp.int32),
            pltpu.VMEM((WIN, 2, CHUNK), jnp.int32),
            pltpu.VMEM((CHUNK, D), jnp.float32),
            pltpu.VMEM((CHUNK, D), jnp.float32),
            pltpu.VMEM((CHUNK,), jnp.float32),
            pltpu.VMEM((CHUNK,), jnp.float32),
            pltpu.VMEM_SHARED((N_PAD, D), jnp.float32),
            pltpu.VMEM_SHARED((N_PAD,), jnp.float32),
            pltpu.SemaphoreType.DMA,
            pltpu.SemaphoreType.DMA,
            pltpu.SemaphoreType.DMA,
            pltpu.SemaphoreType.DMA,
        ],
    )
    def k(x_hbm, edg_hbm, agg_out, deg_out,
          idx0_v, idx1_v, rows0_v, rows1_v, ones_v, zed_v,
          agg_sh, deg_sh, sem0, sem1, semi0, semi1):
        idxb = (idx0_v, idx1_v)
        rows = (rows1_v, rows0_v)
        sems = (sem1, sem0)
        semi = (semi0, semi1)
        c = lax.axis_index("c")
        s = lax.axis_index("s")
        wid = c * NS + s
        row0 = s * ROWS_PER_SUB
        c0 = wid * base + jnp.minimum(wid, extra)

        pltpu.sync_copy(edg_hbm.at[pl.ds(c0, WIN)], idx0_v)
        pltpu.async_copy(x_hbm.at[idx0_v.at[0, 0]], rows[0], sems[0])

        z16 = jnp.zeros((16,), jnp.float32)
        o16 = jnp.ones((16,), jnp.float32)
        for j in range(CHUNK // 16):
            ones_v[pl.ds(j * 16, 16)] = o16
            zed_v[pl.ds(j * 16, 16)] = z16

        def zrow(i, carry):
            for j in range(D // 16):
                rows0_v[i, pl.ds(j * 16, 16)] = z16
            return carry
        lax.fori_loop(0, CHUNK, zrow, 0)

        for kk in range(ROWS_PER_SUB // CHUNK):
            pltpu.sync_copy(rows0_v, agg_sh.at[pl.ds(row0 + kk * CHUNK, CHUNK)])
            pltpu.sync_copy(zed_v, deg_sh.at[pl.ds(row0 + kk * CHUNK, CHUNK)])
        plsc.subcore_barrier()

        def window(w, q):
            @pl.when(w + 1 < nwin)
            def _():
                pltpu.async_copy(edg_hbm.at[pl.ds(c0 + (w + 1) * WIN, WIN)],
                                 idxb[1 - q], semi[1 - q])

            def body(p, carry):
                for t in range(2):
                    lj = p * 2 + t
                    nxt = lj + 1

                    @pl.when(nxt < WIN)
                    def _():
                        pltpu.async_copy(x_hbm.at[idxb[q].at[nxt, 0]],
                                         rows[1 - t], sems[1 - t])

                    @pl.when(jnp.logical_and(nxt == WIN, w + 1 < nwin))
                    def _():
                        pltpu.make_async_copy(
                            edg_hbm.at[pl.ds(c0 + (w + 1) * WIN, WIN)],
                            idxb[1 - q], semi[1 - q]).wait()
                        pltpu.async_copy(x_hbm.at[idxb[1 - q].at[0, 0]],
                                         rows[1 - t], sems[1 - t])

                    pltpu.sync_copy(ones_v, deg_sh.at[idxb[q].at[lj, 1]],
                                    add=True)
                    pltpu.make_async_copy(x_hbm.at[idxb[q].at[lj, 0]],
                                          rows[t], sems[t]).wait()
                    pltpu.sync_copy(rows[t], agg_sh.at[idxb[q].at[lj, 1]],
                                    add=True)
                return carry
            lax.fori_loop(0, WIN // 2, body, 0)

        def wpair(w2, carry):
            window(w2 * 2, 0)
            window(w2 * 2 + 1, 1)
            return carry
        lax.fori_loop(0, nwin // 2, wpair, 0)
        if nwin % 2:
            window(nwin - 1, 0)

        if extra:
            @pl.when(wid < extra)
            def _():
                tq = nwin % 2
                pltpu.sync_copy(edg_hbm.at[pl.ds(c0 + base, 1)],
                                idxb[tq].at[pl.ds(0, 1)])
                pltpu.async_copy(x_hbm.at[idxb[tq].at[0, 0]],
                                 rows0_v, sem0).wait()
                pltpu.sync_copy(rows0_v, agg_sh.at[idxb[tq].at[0, 1]],
                                add=True)
                pltpu.sync_copy(ones_v, deg_sh.at[idxb[tq].at[0, 1]],
                                add=True)

        plsc.subcore_barrier()

        pltpu.sync_copy(agg_sh.at[pl.ds(row0, ROWS_PER_SUB)],
                        agg_out.at[c, pl.ds(row0, ROWS_PER_SUB)])
        pltpu.sync_copy(deg_sh.at[pl.ds(row0, ROWS_PER_SUB)],
                        deg_out.at[c, pl.ds(row0, ROWS_PER_SUB)])

    return k(x, edg)


def _tc_finale(agg, degb, x, W, b, gamma, beta):
    def body(agg_ref, deg_ref, x_ref, w_ref, b_ref, g_ref, be_ref, o_ref):
        av = agg_ref[...]
        a = av[0] + av[1]
        db = deg_ref[...]
        recip = 1.0 / jnp.maximum(db[:, 0] + db[:, 1], 1.0)
        rt = jnp.transpose(recip)
        m = jnp.concatenate(
            [a[i * 128:(i + 1) * 128] * lax.slice(rt, (0, i), (128, i + 1))
             for i in range(NB)], axis=0)
        o = jnp.dot(m, w_ref[...], preferred_element_type=jnp.float32)
        o = o[:N] + b_ref[...]
        mu = jnp.mean(o, axis=0, keepdims=True)
        var = jnp.mean((o - mu) * (o - mu), axis=0, keepdims=True)
        o = (o - mu) * lax.rsqrt(var + 1e-5) * g_ref[...] + be_ref[...]
        o = jnp.where(o > 0.0, o, jnp.exp(jnp.minimum(o, 0.0)) - 1.0)
        o_ref[...] = x_ref[...] + o

    return pl.pallas_call(
        body,
        out_shape=jax.ShapeDtypeStruct((N, D), jnp.float32),
    )(agg, degb, x, W, b, gamma, beta)


def kernel(x, edges, W, b, gamma, beta):
    E = edges.shape[1]
    assert E % CHUNK == 0
    nchunks = E // CHUNK
    base = nchunks // NW
    base -= base % WIN
    extra = nchunks - base * NW
    assert 0 <= extra < NW or base == 0

    edg = edges.astype(jnp.int32).reshape(2, nchunks, CHUNK)
    edg = edg.transpose(1, 0, 2)

    agg, deg = _sc_segment_sum(x, edg, base, extra)

    degb = deg.reshape(NC, NB, 128).transpose(1, 0, 2)

    return _tc_finale(
        agg, degb, x, W,
        b.reshape(1, D), gamma.reshape(1, D), beta.reshape(1, D),
    )

# --- scband reference (transcript-rebuilt; emitter-appended) ---
"""Pipeline reference for scband-graph-resnet-block-13795434955523 (READ-ONLY COPY).

The authoritative reference and input builder live on the scoring server;
editing this copy changes nothing except your own understanding.
"""

import jax, jax.numpy as jnp
import numpy as np

N_NODES = 10000
N_EDGES = 320000
D_IN = 128
D_OUT = 128


def setup_inputs(seed: int = 0) -> dict:
    key = jax.random.key(seed)
    k1, k2, k3 = jax.random.split(key, 3)
    x = jax.random.normal(k1, (N_NODES, D_IN), dtype=jnp.float32)
    edges = jax.random.randint(k2, (2, N_EDGES), 0, N_NODES, dtype=jnp.int64)
    # GCN filter (linear transform + mean aggregation) parameters
    W = jax.random.normal(k3, (D_IN, D_OUT), dtype=jnp.float32) * (1.0 / np.sqrt(D_IN))
    b = jnp.zeros((D_OUT,), dtype=jnp.float32)
    # BatchNorm (training-mode) affine parameters
    gamma = jnp.ones((D_OUT,), dtype=jnp.float32)
    beta = jnp.zeros((D_OUT,), dtype=jnp.float32)
    return {"x": x, "edges": edges, "W": W, "b": b, "gamma": gamma, "beta": beta}


def reference(x, edges, W, b, gamma, beta):
    # --- first_filter: GCN-style message passing (linear then mean-aggregate over incoming edges) ---
    h = x @ W + b                                  # [N, D_OUT]
    src = edges[0]
    dst = edges[1]
    msgs = jnp.take(h, src, axis=0)                # gather  [E, D_OUT]
    agg = jax.ops.segment_sum(msgs, dst, num_segments=N_NODES)          # scatter-add
    deg = jax.ops.segment_sum(jnp.ones((N_EDGES,), dtype=jnp.float32), dst, num_segments=N_NODES)
    out = agg / jnp.clip(deg, 1.0, None)[:, None]  # mean aggregation
    # --- first_norm: BatchNorm1d over the node dimension (training mode, batch=None) ---
    mean = jnp.mean(out, axis=0)
    var = jnp.var(out, axis=0)
    out = (out - mean) / jnp.sqrt(var + 1e-5) * gamma + beta
    # --- activation: ELU ---
    out = jax.nn.elu(out)
    # dim_in == dim_out -> identity shortcut
    return x + out

if __name__ == "__main__":
    import jax
    _d = setup_inputs()
    print(jax.jit(kernel)(*tuple(_d.values())))

</pallas_src>

<mosaic_0001>
#map = affine_map<(d0, d1) -> (0, 0)>
#map1 = affine_map<(d0, d1) -> (0, 0, 0)>
module attributes {stable_mosaic.version = 14 : i64} {
  func.func @k(%arg0: i32, %arg1: i32, %arg2: memref<10000x128xf32, #tpu.memory_space<hbm>>, %arg3: memref<2500x2x128xi32, #tpu.memory_space<hbm>>, %arg4: memref<2x10240x128xf32, #tpu.memory_space<hbm>>, %arg5: memref<2x10240xf32, #tpu.memory_space<hbm>>, %arg6: memref<6x2x128xi32, #tpu.memory_space<vmem>>, %arg7: memref<6x2x128xi32, #tpu.memory_space<vmem>>, %arg8: memref<128x128xf32, #tpu.memory_space<vmem>>, %arg9: memref<128x128xf32, #tpu.memory_space<vmem>>, %arg10: memref<128xf32, #tpu.memory_space<vmem>>, %arg11: memref<128xf32, #tpu.memory_space<vmem>>, %arg12: memref<10240x128xf32, #tpu.memory_space<vmem_shared>>, %arg13: memref<10240xf32, #tpu.memory_space<vmem_shared>>, %arg14: memref<!tpu.dma_semaphore, #tpu.memory_space<semaphore_mem>>, %arg15: memref<!tpu.dma_semaphore, #tpu.memory_space<semaphore_mem>>, %arg16: memref<!tpu.dma_semaphore, #tpu.memory_space<semaphore_mem>>, %arg17: memref<!tpu.dma_semaphore, #tpu.memory_space<semaphore_mem>>) attributes {dimension_semantics = [#tpu.dimension_semantics<core_parallel>, #tpu.dimension_semantics<subcore_parallel>], iteration_bounds = array<i64: 2, 16>, scalar_prefetch = 0 : i64, scratch_operands = 12 : i64, tpu.core_type = #tpu.core_type<sc_vector_subcore>, window_params = [{transform_indices = #map}, {transform_indices = #map1}, {transform_indices = #map1}, {transform_indices = #map}]} {
    %mul3A = arith.constant 16 : i32
    %mul3A_0 = arith.muli %arg0, %mul3A : i32
    %add3A = arith.addi %mul3A_0, %arg1 : i32
    %mul3A_1 = arith.constant 640 : i32
    %mul3A_2 = arith.muli %arg1, %mul3A_1 : i32
    %mul3A_3 = arith.constant 78 : i32
    %mul3A_4 = arith.muli %add3A, %mul3A_3 : i32
    %min3A = arith.constant 4 : i32
    %min3A_5 = arith.minsi %add3A, %min3A : i32
    %add3A_6 = arith.addi %mul3A_4, %min3A_5 : i32
    "tpu.region"() ({
      %run_scoped3A = tpu.sem_alloc : memref<!tpu.dma_semaphore, #tpu.memory_space<semaphore_mem>>
      %dma_start3A_120 = arith.constant 0 : i32
      %dma_start3A_121 = arith.constant 0 : i32
      %dma_start3A_122 = tpu.memref_slice %arg3[%add3A_6, %dma_start3A_120, %dma_start3A_121] : memref<2500x2x128xi32, #tpu.memory_space<hbm>> -> memref<6x2x128xi32, #tpu.memory_space<hbm>>
      %dma_start3A_123 = arith.constant 0 : i32
      %dma_start3A_124 = arith.constant 0 : i32
      %dma_start3A_125 = tpu.memref_slice %arg3[%add3A_6, %dma_start3A_123, %dma_start3A_124] : memref<2500x2x128xi32, #tpu.memory_space<hbm>> -> memref<6x2x128xi32, #tpu.memory_space<hbm>>
      tpu.enqueue_dma source(%dma_start3A_125 : memref<6x2x128xi32, #tpu.memory_space<hbm>>) target(%arg6 : memref<6x2x128xi32, #tpu.memory_space<vmem>>) target_semaphore(%run_scoped3A : memref<!tpu.dma_semaphore, #tpu.memory_space<semaphore_mem>>)
      %dma_wait3A = arith.constant 0 : i32
      %dma_wait3A_126 = arith.constant 0 : i32
      %dma_wait3A_127 = tpu.memref_slice %arg3[%add3A_6, %dma_wait3A, %dma_wait3A_126] : memref<2500x2x128xi32, #tpu.memory_space<hbm>> -> memref<6x2x128xi32, #tpu.memory_space<hbm>>
      %dma_wait3A_128 = arith.constant 0 : i32
      %dma_wait3A_129 = arith.constant 0 : i32
      %dma_wait3A_130 = tpu.memref_slice %arg3[%add3A_6, %dma_wait3A_128, %dma_wait3A_129] : memref<2500x2x128xi32, #tpu.memory_space<hbm>> -> memref<6x2x128xi32, #tpu.memory_space<hbm>>
      tpu.wait_dma2 semaphore(%run_scoped3A : memref<!tpu.dma_semaphore, #tpu.memory_space<semaphore_mem>>) src(%dma_wait3A_130 : memref<6x2x128xi32, #tpu.memory_space<hbm>>) dst(%arg6 : memref<6x2x128xi32, #tpu.memory_space<vmem>>)
      tpu.yield
    }) : () -> ()
    %dma_start3A = arith.constant 0 : i32
    %dma_start3A_7 = arith.constant 0 : i32
    %dma_start3A_8 = arith.constant 0 : i32
    %dma_start3A_9 = tpu.memref_slice %arg6[%dma_start3A, %dma_start3A_7, %dma_start3A_8] : memref<6x2x128xi32, #tpu.memory_space<vmem>> -> memref<1x1x128xi32, #tpu.memory_space<vmem>>
    %dma_start3A_10 = tpu.memref_squeeze %dma_start3A_9 : memref<1x1x128xi32, #tpu.memory_space<vmem>> -> memref<128xi32, #tpu.memory_space<vmem>>
    %dma_start3A_11 = arith.constant 0 : i32
    %dma_start3A_12 = arith.constant 0 : i32
    %dma_start3A_13 = tpu.memref_slice %arg2[%dma_start3A_11, %dma_start3A_12] : memref<10000x128xf32, #tpu.memory_space<hbm>> -> memref<10000x128xf32, #tpu.memory_space<hbm>>
    tpu.enqueue_indirect_dma source(%dma_start3A_13 : memref<10000x128xf32, #tpu.memory_space<hbm>>) target(%arg9 : memref<128x128xf32, #tpu.memory_space<vmem>>) offsets(%dma_start3A_10 : memref<128xi32, #tpu.memory_space<vmem>>) semaphore(%arg15 : memref<!tpu.dma_semaphore, #tpu.memory_space<semaphore_mem>>)
    %broadcast_in_dim3A = arith.constant 0.000000e+00 : f32
    %broadcast_in_dim3A_14 = vector.broadcast %broadcast_in_dim3A : f32 to vector<16xf32>
    %broadcast_in_dim3A_15 = arith.constant 1.000000e+00 : f32
    %broadcast_in_dim3A_16 = vector.broadcast %broadcast_in_dim3A_15 : f32 to vector<16xf32>
    %swap3A = arith.constant 0 : index
    %swap3A_17 = tpu.vector_load %arg10[%swap3A] {strides = array<i32>} : memref<128xf32, #tpu.memory_space<vmem>>, vector<16xf32>,
    %swap3A_18 = vector.shape_cast %swap3A_17 : vector<16xf32> to vector<16xf32>
    %swap3A_19 = vector.shape_cast %broadcast_in_dim3A_16 : vector<16xf32> to vector<16xf32>
    tpu.vector_store %arg10[%swap3A], %swap3A_19 {strides = array<i32>} : memref<128xf32, #tpu.memory_space<vmem>>, vector<16xf32>,
    %swap3A_20 = arith.constant 0 : index
    %swap3A_21 = tpu.vector_load %arg11[%swap3A_20] {strides = array<i32>} : memref<128xf32, #tpu.memory_space<vmem>>, vector<16xf32>,
    %swap3A_22 = vector.shape_cast %swap3A_21 : vector<16xf32> to vector<16xf32>
    %swap3A_23 = vector.shape_cast %broadcast_in_dim3A_14 : vector<16xf32> to vector<16xf32>
    tpu.vector_store %arg11[%swap3A_20], %swap3A_23 {strides = array<i32>} : memref<128xf32, #tpu.memory_space<vmem>>, vector<16xf32>,
    %swap3A_24 = arith.constant 16 : index
    %swap3A_25 = tpu.vector_load %arg10[%swap3A_24] {strides = array<i32>} : memref<128xf32, #tpu.memory_space<vmem>>, vector<16xf32>,
    %swap3A_26 = vector.shape_cast %swap3A_25 : vector<16xf32> to vector<16xf32>
    %swap3A_27 = vector.shape_cast %broadcast_in_dim3A_16 : vector<16xf32> to vector<16xf32>
    tpu.vector_store %arg10[%swap3A_24], %swap3A_27 {strides = array<i32>} : memref<128xf32, #tpu.memory_space<vmem>>, vector<16xf32>,
    %swap3A_28 = arith.constant 16 : index
    %swap3A_29 = tpu.vector_load %arg11[%swap3A_28] {strides = array<i32>} : memref<128xf32, #tpu.memory_space<vmem>>, vector<16xf32>,
    %swap3A_30 = vector.shape_cast %swap3A_29 : vector<16xf32> to vector<16xf32>
    %swap3A_31 = vector.shape_cast %broadcast_in_dim3A_14 : vector<16xf32> to vector<16xf32>
    tpu.vector_store %arg11[%swap3A_28], %swap3A_31 {strides = array<i32>} : memref<128xf32, #tpu.memory_space<vmem>>, vector<16xf32>,
    %swap3A_32 = arith.constant 32 : index
    %swap3A_33 = tpu.vector_load %arg10[%swap3A_32] {strides = array<i32>} : memref<128xf32, #tpu.memory_space<vmem>>, vector<16xf32>,
    %swap3A_34 = vector.shape_cast %swap3A_33 : vector<16xf32> to vector<16xf32>
    %swap3A_35 = vector.shape_cast %broadcast_in_dim3A_16 : vector<16xf32> to vector<16xf32>
    tpu.vector_store %arg10[%swap3A_32], %swap3A_35 {strides = array<i32>} : memref<128xf32, #tpu.memory_space<vmem>>, vector<16xf32>,
    %swap3A_36 = arith.constant 32 : index
    %swap3A_37 = tpu.vector_load %arg11[%swap3A_36] {strides = array<i32>} : memref<128xf32, #tpu.memory_space<vmem>>, vector<16xf32>,
    %swap3A_38 = vector.shape_cast %swap3A_37 : vector<16xf32> to vector<16xf32>
    %swap3A_39 = vector.shape_cast %broadcast_in_dim3A_14 : vector<16xf32> to vector<16xf32>
    tpu.vector_store %arg11[%swap3A_36], %swap3A_39 {strides = array<i32>} : memref<128xf32, #tpu.memory_space<vmem>>, vector<16xf32>,
    %swap3A_40 = arith.constant 48 : index
    %swap3A_41 = tpu.vector_load %arg10[%swap3A_40] {strides = array<i32>} : memref<128xf32, #tpu.memory_space<vmem>>, vector<16xf32>,
    %swap3A_42 = vector.shape_cast %swap3A_41 : vector<16xf32> to vector<16xf32>
    %swap3A_43 = vector.shape_cast %broadcast_in_dim3A_16 : vector<16xf32> to vector<16xf32>
    tpu.vector_store %arg10[%swap3A_40], %swap3A_43 {strides = array<i32>} : memref<128xf32, #tpu.memory_space<vmem>>, vector<16xf32>,
    %swap3A_44 = arith.constant 48 : index
    %swap3A_45 = tpu.vector_load %arg11[%swap3A_44] {strides = array<i32>} : memref<128xf32, #tpu.memory_space<vmem>>, vector<16xf32>,
    %swap3A_46 = vector.shape_cast %swap3A_45 : vector<16xf32> to vector<16xf32>
    %swap3A_47 = vector.shape_cast %broadcast_in_dim3A_14 : vector<16xf32> to vector<16xf32>
    tpu.vector_store %arg11[%swap3A_44], %swap3A_47 {strides = array<i32>} : memref<128xf32, #tpu.memory_space<vmem>>, vector<16xf32>,
    %swap3A_48 = arith.constant 64 : index
    %swap3A_49 = tpu.vector_load %arg10[%swap3A_48] {strides = array<i32>} : memref<128xf32, #tpu.memory_space<vmem>>, vector<16xf32>,
    %swap3A_50 = vector.shape_cast %swap3A_49 : vector<16xf32> to vector<16xf32>
    %swap3A_51 = vector.shape_cast %broadcast_in_dim3A_16 : vector<16xf32> to vector<16xf32>
    tpu.vector_store %arg10[%swap3A_48], %swap3A_51 {strides = array<i32>} : memref<128xf32, #tpu.memory_space<vmem>>, vector<16xf32>,
    %swap3A_52 = arith.constant 64 : index
    %swap3A_53 = tpu.vector_load %arg11[%swap3A_52] {strides = array<i32>} : memref<128xf32, #tpu.memory_space<vmem>>, vector<16xf32>,
    %swap3A_54 = vector.shape_cast %swap3A_53 : vector<16xf32> to vector<16xf32>
    %swap3A_55 = vector.shape_cast %broadcast_in_dim3A_14 : vector<16xf32> to vector<16xf32>
    tpu.vector_store %arg11[%swap3A_52], %swap3A_55 {strides = array<i32>} : memref<128xf32, #tpu.memory_space<vmem>>, vector<16xf32>,
    %swap3A_56 = arith.constant 80 : index
    %swap3A_57 = tpu.vector_load %arg10[%swap3A_56] {strides = array<i32>} : memref<128xf32, #tpu.memory_space<vmem>>, vector<16xf32>,
    %swap3A_58 = vector.shape_cast %swap3A_57 : vector<16xf32> to vector<16xf32>
    %swap3A_59 = vector.shape_cast %broadcast_in_dim3A_16 : vector<16xf32> to vector<16xf32>
    tpu.vector_store %arg10[%swap3A_56], %swap3A_59 {strides = array<i32>} : memref<128xf32, #tpu.memory_space<vmem>>, vector<16xf32>,
    %swap3A_60 = arith.constant 80 : index
    %swap3A_61 = tpu.vector_load %arg11[%swap3A_60] {strides = array<i32>} : memref<128xf32, #tpu.memory_space<vmem>>, vector<16xf32>,
    %swap3A_62 = vector.shape_cast %swap3A_61 : vector<16xf32> to vector<16xf32>
    %swap3A_63 = vector.shape_cast %broadcast_in_dim3A_14 : vector<16xf32> to vector<16xf32>
    tpu.vector_store %arg11[%swap3A_60], %swap3A_63 {strides = array<i32>} : memref<128xf32, #tpu.memory_space<vmem>>, vector<16xf32>,
    %swap3A_64 = arith.constant 96 : index
    %swap3A_65 = tpu.vector_load %arg10[%swap3A_64] {strides = array<i32>} : memref<128xf32, #tpu.memory_space<vmem>>, vector<16xf32>,
    %swap3A_66 = vector.shape_cast %swap3A_65 : vector<16xf32> to vector<16xf32>
    %swap3A_67 = vector.shape_cast %broadcast_in_dim3A_16 : vector<16xf32> to vector<16xf32>
    tpu.vector_store %arg10[%swap3A_64], %swap3A_67 {strides = array<i32>} : memref<128xf32, #tpu.memory_space<vmem>>, vector<16xf32>,
    %swap3A_68 = arith.constant 96 : index
    %swap3A_69 = tpu.vector_load %arg11[%swap3A_68] {strides = array<i32>} : memref<128xf32, #tpu.memory_space<vmem>>, vector<16xf32>,
    %swap3A_70 = vector.shape_cast %swap3A_69 : vector<16xf32> to vector<16xf32>
    %swap3A_71 = vector.shape_cast %broadcast_in_dim3A_14 : vector<16xf32> to vector<16xf32>
    tpu.vector_store %arg11[%swap3A_68], %swap3A_71 {strides = array<i32>} : memref<128xf32, #tpu.memory_space<vmem>>, vector<16xf32>,
    %swap3A_72 = arith.constant 112 : index
    %swap3A_73 = tpu.vector_load %arg10[%swap3A_72] {strides = array<i32>} : memref<128xf32, #tpu.memory_space<vmem>>, vector<16xf32>,
    %swap3A_74 = vector.shape_cast %swap3A_73 : vector<16xf32> to vector<16xf32>
    %swap3A_75 = vector.shape_cast %broadcast_in_dim3A_16 : vector<16xf32> to vector<16xf32>
    tpu.vector_store %arg10[%swap3A_72], %swap3A_75 {strides = array<i32>} : memref<128xf32, #tpu.memory_space<vmem>>, vector<16xf32>,
    %swap3A_76 = arith.constant 112 : index
    %swap3A_77 = tpu.vector_load %arg11[%swap3A_76] {strides = array<i32>} : memref<128xf32, #tpu.memory_space<vmem>>, vector<16xf32>,
    %swap3A_78 = vector.shape_cast %swap3A_77 : vector<16xf32> to vector<16xf32>
    %swap3A_79 = vector.shape_cast %broadcast_in_dim3A_14 : vector<16xf32> to vector<16xf32>
    tpu.vector_store %arg11[%swap3A_76], %swap3A_79 {strides = array<i32>} : memref<128xf32, #tpu.memory_space<vmem>>, vector<16xf32>,
    %scan3A = arith.constant 0 : i32
    %scan3A_80 = arith.constant 0 : i32
    %scan3A_81 = arith.constant 128 : i32
    %scan3A_82 = arith.addi %scan3A_80, %scan3A_81 : i32
    %scan3A_83 = arith.constant 1 : i32
    scf.for %scan3A_120 = %scan3A_80 to %scan3A_82 step %scan3A_83  : i32 {
      %swap3A_121 = arith.index_cast %scan3A_120 : i32 to index
      %swap3A_122 = arith.constant 0 : index
      %swap3A_123 = tpu.vector_load %arg8[%swap3A_121, %swap3A_122] {strides = array<i32>} : memref<128x128xf32, #tpu.memory_space<vmem>>, vector<1x16xf32>,
      %swap3A_124 = vector.shape_cast %swap3A_123 : vector<1x16xf32> to vector<16xf32>
      %swap3A_125 = vector.shape_cast %broadcast_in_dim3A_14 : vector<16xf32> to vector<1x16xf32>
      tpu.vector_store %arg8[%swap3A_121, %swap3A_122], %swap3A_125 {strides = array<i32>} : memref<128x128xf32, #tpu.memory_space<vmem>>, vector<1x16xf32>,
      %swap3A_126 = arith.index_cast %scan3A_120 : i32 to index
      %swap3A_127 = arith.constant 16 : index
      %swap3A_128 = tpu.vector_load %arg8[%swap3A_126, %swap3A_127] {strides = array<i32>} : memref<128x128xf32, #tpu.memory_space<vmem>>, vector<1x16xf32>,
      %swap3A_129 = vector.shape_cast %swap3A_128 : vector<1x16xf32> to vector<16xf32>
      %swap3A_130 = vector.shape_cast %broadcast_in_dim3A_14 : vector<16xf32> to vector<1x16xf32>
      tpu.vector_store %arg8[%swap3A_126, %swap3A_127], %swap3A_130 {strides = array<i32>} : memref<128x128xf32, #tpu.memory_space<vmem>>, vector<1x16xf32>,
      %swap3A_131 = arith.index_cast %scan3A_120 : i32 to index
      %swap3A_132 = arith.constant 32 : index
      %swap3A_133 = tpu.vector_load %arg8[%swap3A_131, %swap3A_132] {strides = array<i32>} : memref<128x128xf32, #tpu.memory_space<vmem>>, vector<1x16xf32>,
      %swap3A_134 = vector.shape_cast %swap3A_133 : vector<1x16xf32> to vector<16xf32>
      %swap3A_135 = vector.shape_cast %broadcast_in_dim3A_14 : vector<16xf32> to vector<1x16xf32>
      tpu.vector_store %arg8[%swap3A_131, %swap3A_132], %swap3A_135 {strides = array<i32>} : memref<128x128xf32, #tpu.memory_space<vmem>>, vector<1x16xf32>,
      %swap3A_136 = arith.index_cast %scan3A_120 : i32 to index
      %swap3A_137 = arith.constant 48 : index
      %swap3A_138 = tpu.vector_load %arg8[%swap3A_136, %swap3A_137] {strides = array<i32>} : memref<128x128xf32, #tpu.memory_space<vmem>>, vector<1x16xf32>,
      %swap3A_139 = vector.shape_cast %swap3A_138 : vector<1x16xf32> to vector<16xf32>
      %swap3A_140 = vector.shape_cast %broadcast_in_dim3A_14 : vector<16xf32> to vector<1x16xf32>
      tpu.vector_store %arg8[%swap3A_136, %swap3A_137], %swap3A_140 {strides = array<i32>} : memref<128x128xf32, #tpu.memory_space<vmem>>, vector<1x16xf32>,
      %swap3A_141 = arith.index_cast %scan3A_120 : i32 to index
      %swap3A_142 = arith.constant 64 : index
      %swap3A_143 = tpu.vector_load %arg8[%swap3A_141, %swap3A_142] {strides = array<i32>} : memref<128x128xf32, #tpu.memory_space<vmem>>, vector<1x16xf32>,
      %swap3A_144 = vector.shape_cast %swap3A_143 : vector<1x16xf32> to vector<16xf32>
      %swap3A_145 = vector.shape_cast %broadcast_in_dim3A_14 : vector<16xf32> to vector<1x16xf32>
      tpu.vector_store %arg8[%swap3A_141, %swap3A_142], %swap3A_145 {strides = array<i32>} : memref<128x128xf32, #tpu.memory_space<vmem>>, vector<1x16xf32>,
      %swap3A_146 = arith.index_cast %scan3A_120 : i32 to index
      %swap3A_147 = arith.constant 80 : index
      %swap3A_148 = tpu.vector_load %arg8[%swap3A_146, %swap3A_147] {strides = array<i32>} : memref<128x128xf32, #tpu.memory_space<vmem>>, vector<1x16xf32>,
      %swap3A_149 = vector.shape_cast %swap3A_148 : vector<1x16xf32> to vector<16xf32>
      %swap3A_150 = vector.shape_cast %broadcast_in_dim3A_14 : vector<16xf32> to vector<1x16xf32>
      tpu.vector_store %arg8[%swap3A_146, %swap3A_147], %swap3A_150 {strides = array<i32>} : memref<128x128xf32, #tpu.memory_space<vmem>>, vector<1x16xf32>,
      %swap3A_151 = arith.index_cast %scan3A_120 : i32 to index
      %swap3A_152 = arith.constant 96 : index
      %swap3A_153 = tpu.vector_load %arg8[%swap3A_151, %swap3A_152] {strides = array<i32>} : memref<128x128xf32, #tpu.memory_space<vmem>>, vector<1x16xf32>,
      %swap3A_154 = vector.shape_cast %swap3A_153 : vector<1x16xf32> to vector<16xf32>
      %swap3A_155 = vector.shape_cast %broadcast_in_dim3A_14 : vector<16xf32> to vector<1x16xf32>
      tpu.vector_store %arg8[%swap3A_151, %swap3A_152], %swap3A_155 {strides = array<i32>} : memref<128x128xf32, #tpu.memory_space<vmem>>, vector<1x16xf32>,
      %swap3A_156 = arith.index_cast %scan3A_120 : i32 to index
      %swap3A_157 = arith.constant 112 : index
      %swap3A_158 = tpu.vector_load %arg8[%swap3A_156, %swap3A_157] {strides = array<i32>} : memref<128x128xf32, #tpu.memory_space<vmem>>, vector<1x16xf32>,
      %swap3A_159 = vector.shape_cast %swap3A_158 : vector<1x16xf32> to vector<16xf32>
      %swap3A_160 = vector.shape_cast %broadcast_in_dim3A_14 : vector<16xf32> to vector<1x16xf32>
      tpu.vector_store %arg8[%swap3A_156, %swap3A_157], %swap3A_160 {strides = array<i32>} : memref<128x128xf32, #tpu.memory_space<vmem>>, vector<1x16xf32>,
    }
    %scan3A_84 = arith.constant 128 : i32
    %add3A_85 = arith.constant 0 : i32
    %add3A_86 = arith.addi %mul3A_2, %add3A_85 : i32
    "tpu.region"() ({
      %run_scoped3A = tpu.sem_alloc : memref<!tpu.dma_semaphore, #tpu.memory_space<semaphore_mem>>
      %dma_start3A_120 = arith.constant 0 : i32
      %dma_start3A_121 = tpu.memref_slice %arg12[%add3A_86, %dma_start3A_120] : memref<10240x128xf32, #tpu.memory_space<vmem_shared>> -> memref<128x128xf32, #tpu.memory_space<vmem_shared>>
      %dma_start3A_122 = arith.constant 0 : i32
      %dma_start3A_123 = tpu.memref_slice %arg12[%add3A_86, %dma_start3A_122] : memref<10240x128xf32, #tpu.memory_space<vmem_shared>> -> memref<128x128xf32, #tpu.memory_space<vmem_shared>>
      tpu.enqueue_dma source(%arg8 : memref<128x128xf32, #tpu.memory_space<vmem>>) target(%dma_start3A_123 : memref<128x128xf32, #tpu.memory_space<vmem_shared>>) target_semaphore(%run_scoped3A : memref<!tpu.dma_semaphore, #tpu.memory_space<semaphore_mem>>)
      %dma_wait3A = arith.constant 0 : i32
      %dma_wait3A_124 = tpu.memref_slice %arg12[%add3A_86, %dma_wait3A] : memref<10240x128xf32, #tpu.memory_space<vmem_shared>> -> memref<128x128xf32, #tpu.memory_space<vmem_shared>>
      %dma_wait3A_125 = arith.constant 0 : i32
      %dma_wait3A_126 = tpu.memref_slice %arg12[%add3A_86, %dma_wait3A_125] : memref<10240x128xf32, #tpu.memory_space<vmem_shared>> -> memref<128x128xf32, #tpu.memory_space<vmem_shared>>
      tpu.wait_dma2 semaphore(%run_scoped3A : memref<!tpu.dma_semaphore, #tpu.memory_space<semaphore_mem>>) src(%arg8 : memref<128x128xf32, #tpu.memory_space<vmem>>) dst(%dma_wait3A_126 : memref<128x128xf32, #tpu.memory_space<vmem_shared>>)
      tpu.yield
    }) : () -> ()
    %add3A_87 = arith.constant 0 : i32
    %add3A_88 = arith.addi %mul3A_2, %add3A_87 : i32
    "tpu.region"() ({
      %run_scoped3A = tpu.sem_alloc : memref<!tpu.dma_semaphore, #tpu.memory_space<semaphore_mem>>
      %dma_start3A_120 = tpu.memref_slice %arg13[%add3A_88] : memref<10240xf32, #tpu.memory_space<vmem_shared>> -> memref<128xf32, #tpu.memory_space<vmem_shared>>
      %dma_start3A_121 = tpu.memref_slice %arg13[%add3A_88] : memref<10240xf32, #tpu.memory_space<vmem_shared>> -> memref<128xf32, #tpu.memory_space<vmem_shared>>
      tpu.enqueue_dma source(%arg11 : memref<128xf32, #tpu.memory_space<vmem>>) target(%dma_start3A_121 : memref<128xf32, #tpu.memory_space<vmem_shared>>) target_semaphore(%run_scoped3A : memref<!tpu.dma_semaphore, #tpu.memory_space<semaphore_mem>>)
      %dma_wait3A = tpu.memref_slice %arg13[%add3A_88] : memref<10240xf32, #tpu.memory_space<vmem_shared>> -> memref<128xf32, #tpu.memory_space<vmem_shared>>
      %dma_wait3A_122 = tpu.memref_slice %arg13[%add3A_88] : memref<10240xf32, #tpu.memory_space<vmem_shared>> -> memref<128xf32, #tpu.memory_space<vmem_shared>>
      tpu.wait_dma2 semaphore(%run_scoped3A : memref<!tpu.dma_semaphore, #tpu.memory_space<semaphore_mem>>) src(%arg11 : memref<128xf32, #tpu.memory_space<vmem>>) dst(%dma_wait3A_122 : memref<128xf32, #tpu.memory_space<vmem_shared>>)
      tpu.yield
    }) : () -> ()
    %add3A_89 = arith.constant 128 : i32
    %add3A_90 = arith.addi %mul3A_2, %add3A_89 : i32
    "tpu.region"() ({
      %run_scoped3A = tpu.sem_alloc : memref<!tpu.dma_semaphore, #tpu.memory_space<semaphore_mem>>
      %dma_start3A_120 = arith.constant 0 : i32
      %dma_start3A_121 = tpu.memref_slice %arg12[%add3A_90, %dma_start3A_120] : memref<10240x128xf32, #tpu.memory_space<vmem_shared>> -> memref<128x128xf32, #tpu.memory_space<vmem_shared>>
      %dma_start3A_122 = arith.constant 0 : i32
      %dma_start3A_123 = tpu.memref_slice %arg12[%add3A_90, %dma_start3A_122] : memref<10240x128xf32, #tpu.memory_space<vmem_shared>> -> memref<128x128xf32, #tpu.memory_space<vmem_shared>>
      tpu.enqueue_dma source(%arg8 : memref<128x128xf32, #tpu.memory_space<vmem>>) target(%dma_start3A_123 : memref<128x128xf32, #tpu.memory_space<vmem_shared>>) target_semaphore(%run_scoped3A : memref<!tpu.dma_semaphore, #tpu.memory_space<semaphore_mem>>)
      %dma_wait3A = arith.constant 0 : i32
      %dma_wait3A_124 = tpu.memref_slice %arg12[%add3A_90, %dma_wait3A] : memref<10240x128xf32, #tpu.memory_space<vmem_shared>> -> memref<128x128xf32, #tpu.memory_space<vmem_shared>>
      %dma_wait3A_125 = arith.constant 0 : i32
      %dma_wait3A_126 = tpu.memref_slice %arg12[%add3A_90, %dma_wait3A_125] : memref<10240x128xf32, #tpu.memory_space<vmem_shared>> -> memref<128x128xf32, #tpu.memory_space<vmem_shared>>
      tpu.wait_dma2 semaphore(%run_scoped3A : memref<!tpu.dma_semaphore, #tpu.memory_space<semaphore_mem>>) src(%arg8 : memref<128x128xf32, #tpu.memory_space<vmem>>) dst(%dma_wait3A_126 : memref<128x128xf32, #tpu.memory_space<vmem_shared>>)
      tpu.yield
    }) : () -> ()
    %add3A_91 = arith.constant 128 : i32
    %add3A_92 = arith.addi %mul3A_2, %add3A_91 : i32
    "tpu.region"() ({
      %run_scoped3A = tpu.sem_alloc : memref<!tpu.dma_semaphore, #tpu.memory_space<semaphore_mem>>
      %dma_start3A_120 = tpu.memref_slice %arg13[%add3A_92] : memref<10240xf32, #tpu.memory_space<vmem_shared>> -> memref<128xf32, #tpu.memory_space<vmem_shared>>
      %dma_start3A_121 = tpu.memref_slice %arg13[%add3A_92] : memref<10240xf32, #tpu.memory_space<vmem_shared>> -> memref<128xf32, #tpu.memory_space<vmem_shared>>
      tpu.enqueue_dma source(%arg11 : memref<128xf32, #tpu.memory_space<vmem>>) target(%dma_start3A_121 : memref<128xf32, #tpu.memory_space<vmem_shared>>) target_semaphore(%run_scoped3A : memref<!tpu.dma_semaphore, #tpu.memory_space<semaphore_mem>>)
      %dma_wait3A = tpu.memref_slice %arg13[%add3A_92] : memref<10240xf32, #tpu.memory_space<vmem_shared>> -> memref<128xf32, #tpu.memory_space<vmem_shared>>
      %dma_wait3A_122 = tpu.memref_slice %arg13[%add3A_92] : memref<10240xf32, #tpu.memory_space<vmem_shared>> -> memref<128xf32, #tpu.memory_space<vmem_shared>>
      tpu.wait_dma2 semaphore(%run_scoped3A : memref<!tpu.dma_semaphore, #tpu.memory_space<semaphore_mem>>) src(%arg11 : memref<128xf32, #tpu.memory_space<vmem>>) dst(%dma_wait3A_122 : memref<128xf32, #tpu.memory_space<vmem_shared>>)
      tpu.yield
    }) : () -> ()
    %add3A_93 = arith.constant 256 : i32
    %add3A_94 = arith.addi %mul3A_2, %add3A_93 : i32
    "tpu.region"() ({
      %run_scoped3A = tpu.sem_alloc : memref<!tpu.dma_semaphore, #tpu.memory_space<semaphore_mem>>
      %dma_start3A_120 = arith.constant 0 : i32
      %dma_start3A_121 = tpu.memref_slice %arg12[%add3A_94, %dma_start3A_120] : memref<10240x128xf32, #tpu.memory_space<vmem_shared>> -> memref<128x128xf32, #tpu.memory_space<vmem_shared>>
      %dma_start3A_122 = arith.constant 0 : i32
      %dma_start3A_123 = tpu.memref_slice %arg12[%add3A_94, %dma_start3A_122] : memref<10240x128xf32, #tpu.memory_space<vmem_shared>> -> memref<128x128xf32, #tpu.memory_space<vmem_shared>>
      tpu.enqueue_dma source(%arg8 : memref<128x128xf32, #tpu.memory_space<vmem>>) target(%dma_start3A_123 : memref<128x128xf32, #tpu.memory_space<vmem_shared>>) target_semaphore(%run_scoped3A : memref<!tpu.dma_semaphore, #tpu.memory_space<semaphore_mem>>)
      %dma_wait3A = arith.constant 0 : i32
      %dma_wait3A_124 = tpu.memref_slice %arg12[%add3A_94, %dma_wait3A] : memref<10240x128xf32, #tpu.memory_space<vmem_shared>> -> memref<128x128xf32, #tpu.memory_space<vmem_shared>>
      %dma_wait3A_125 = arith.constant 0 : i32
      %dma_wait3A_126 = tpu.memref_slice %arg12[%add3A_94, %dma_wait3A_125] : memref<10240x128xf32, #tpu.memory_space<vmem_shared>> -> memref<128x128xf32, #tpu.memory_space<vmem_shared>>
      tpu.wait_dma2 semaphore(%run_scoped3A : memref<!tpu.dma_semaphore, #tpu.memory_space<semaphore_mem>>) src(%arg8 : memref<128x128xf32, #tpu.memory_space<vmem>>) dst(%dma_wait3A_126 : memref<128x128xf32, #tpu.memory_space<vmem_shared>>)
      tpu.yield
    }) : () -> ()
    %add3A_95 = arith.constant 256 : i32
    %add3A_96 = arith.addi %mul3A_2, %add3A_95 : i32
    "tpu.region"() ({
      %run_scoped3A = tpu.sem_alloc : memref<!tpu.dma_semaphore, #tpu.memory_space<semaphore_mem>>
      %dma_start3A_120 = tpu.memref_slice %arg13[%add3A_96] : memref<10240xf32, #tpu.memory_space<vmem_shared>> -> memref<128xf32, #tpu.memory_space<vmem_shared>>
      %dma_start3A_121 = tpu.memref_slice %arg13[%add3A_96] : memref<10240xf32, #tpu.memory_space<vmem_shared>> -> memref<128xf32, #tpu.memory_space<vmem_shared>>
      tpu.enqueue_dma source(%arg11 : memref<128xf32, #tpu.memory_space<vmem>>) target(%dma_start3A_121 : memref<128xf32, #tpu.memory_space<vmem_shared>>) target_semaphore(%run_scoped3A : memref<!tpu.dma_semaphore, #tpu.memory_space<semaphore_mem>>)
      %dma_wait3A = tpu.memref_slice %arg13[%add3A_96] : memref<10240xf32, #tpu.memory_space<vmem_shared>> -> memref<128xf32, #tpu.memory_space<vmem_shared>>
      %dma_wait3A_122 = tpu.memref_slice %arg13[%add3A_96] : memref<10240xf32, #tpu.memory_space<vmem_shared>> -> memref<128xf32, #tpu.memory_space<vmem_shared>>
      tpu.wait_dma2 semaphore(%run_scoped3A : memref<!tpu.dma_semaphore, #tpu.memory_space<semaphore_mem>>) src(%arg11 : memref<128xf32, #tpu.memory_space<vmem>>) dst(%dma_wait3A_122 : memref<128xf32, #tpu.memory_space<vmem_shared>>)
      tpu.yield
    }) : () -> ()
    %add3A_97 = arith.constant 384 : i32
    %add3A_98 = arith.addi %mul3A_2, %add3A_97 : i32
    "tpu.region"() ({
      %run_scoped3A = tpu.sem_alloc : memref<!tpu.dma_semaphore, #tpu.memory_space<semaphore_mem>>
      %dma_start3A_120 = arith.constant 0 : i32
      %dma_start3A_121 = tpu.memref_slice %arg12[%add3A_98, %dma_start3A_120] : memref<10240x128xf32, #tpu.memory_space<vmem_shared>> -> memref<128x128xf32, #tpu.memory_space<vmem_shared>>
      %dma_start3A_122 = arith.constant 0 : i32
      %dma_start3A_123 = tpu.memref_slice %arg12[%add3A_98, %dma_start3A_122] : memref<10240x128xf32, #tpu.memory_space<vmem_shared>> -> memref<128x128xf32, #tpu.memory_space<vmem_shared>>
      tpu.enqueue_dma source(%arg8 : memref<128x128xf32, #tpu.memory_space<vmem>>) target(%dma_start3A_123 : memref<128x128xf32, #tpu.memory_space<vmem_shared>>) target_semaphore(%run_scoped3A : memref<!tpu.dma_semaphore, #tpu.memory_space<semaphore_mem>>)
      %dma_wait3A = arith.constant 0 : i32
      %dma_wait3A_124 = tpu.memref_slice %arg12[%add3A_98, %dma_wait3A] : memref<10240x128xf32, #tpu.memory_space<vmem_shared>> -> memref<128x128xf32, #tpu.memory_space<vmem_shared>>
      %dma_wait3A_125 = arith.constant 0 : i32
      %dma_wait3A_126 = tpu.memref_slice %arg12[%add3A_98, %dma_wait3A_125] : memref<10240x128xf32, #tpu.memory_space<vmem_shared>> -> memref<128x128xf32, #tpu.memory_space<vmem_shared>>
      tpu.wait_dma2 semaphore(%run_scoped3A : memref<!tpu.dma_semaphore, #tpu.memory_space<semaphore_mem>>) src(%arg8 : memref<128x128xf32, #tpu.memory_space<vmem>>) dst(%dma_wait3A_126 : memref<128x128xf32, #tpu.memory_space<vmem_shared>>)
      tpu.yield
    }) : () -> ()
    %add3A_99 = arith.constant 384 : i32
    %add3A_100 = arith.addi %mul3A_2, %add3A_99 : i32
    "tpu.region"() ({
      %run_scoped3A = tpu.sem_alloc : memref<!tpu.dma_semaphore, #tpu.memory_space<semaphore_mem>>
      %dma_start3A_120 = tpu.memref_slice %arg13[%add3A_100] : memref<10240xf32, #tpu.memory_space<vmem_shared>> -> memref<128xf32, #tpu.memory_space<vmem_shared>>
      %dma_start3A_121 = tpu.memref_slice %arg13[%add3A_100] : memref<10240xf32, #tpu.memory_space<vmem_shared>> -> memref<128xf32, #tpu.memory_space<vmem_shared>>
      tpu.enqueue_dma source(%arg11 : memref<128xf32, #tpu.memory_space<vmem>>) target(%dma_start3A_121 : memref<128xf32, #tpu.memory_space<vmem_shared>>) target_semaphore(%run_scoped3A : memref<!tpu.dma_semaphore, #tpu.memory_space<semaphore_mem>>)
      %dma_wait3A = tpu.memref_slice %arg13[%add3A_100] : memref<10240xf32, #tpu.memory_space<vmem_shared>> -> memref<128xf32, #tpu.memory_space<vmem_shared>>
      %dma_wait3A_122 = tpu.memref_slice %arg13[%add3A_100] : memref<10240xf32, #tpu.memory_space<vmem_shared>> -> memref<128xf32, #tpu.memory_space<vmem_shared>>
      tpu.wait_dma2 semaphore(%run_scoped3A : memref<!tpu.dma_semaphore, #tpu.memory_space<semaphore_mem>>) src(%arg11 : memref<128xf32, #tpu.memory_space<vmem>>) dst(%dma_wait3A_122 : memref<128xf32, #tpu.memory_space<vmem_shared>>)
      tpu.yield
    }) : () -> ()
    %add3A_101 = arith.constant 512 : i32
    %add3A_102 = arith.addi %mul3A_2, %add3A_101 : i32
    "tpu.region"() ({
      %run_scoped3A = tpu.sem_alloc : memref<!tpu.dma_semaphore, #tpu.memory_space<semaphore_mem>>
      %dma_start3A_120 = arith.constant 0 : i32
      %dma_start3A_121 = tpu.memref_slice %arg12[%add3A_102, %dma_start3A_120] : memref<10240x128xf32, #tpu.memory_space<vmem_shared>> -> memref<128x128xf32, #tpu.memory_space<vmem_shared>>
      %dma_start3A_122 = arith.constant 0 : i32
      %dma_start3A_123 = tpu.memref_slice %arg12[%add3A_102, %dma_start3A_122] : memref<10240x128xf32, #tpu.memory_space<vmem_shared>> -> memref<128x128xf32, #tpu.memory_space<vmem_shared>>
      tpu.enqueue_dma source(%arg8 : memref<128x128xf32, #tpu.memory_space<vmem>>) target(%dma_start3A_123 : memref<128x128xf32, #tpu.memory_space<vmem_shared>>) target_semaphore(%run_scoped3A : memref<!tpu.dma_semaphore, #tpu.memory_space<semaphore_mem>>)
      %dma_wait3A = arith.constant 0 : i32
      %dma_wait3A_124 = tpu.memref_slice %arg12[%add3A_102, %dma_wait3A] : memref<10240x128xf32, #tpu.memory_space<vmem_shared>> -> memref<128x128xf32, #tpu.memory_space<vmem_shared>>
      %dma_wait3A_125 = arith.constant 0 : i32
      %dma_wait3A_126 = tpu.memref_slice %arg12[%add3A_102, %dma_wait3A_125] : memref<10240x128xf32, #tpu.memory_space<vmem_shared>> -> memref<128x128xf32, #tpu.memory_space<vmem_shared>>
      tpu.wait_dma2 semaphore(%run_scoped3A : memref<!tpu.dma_semaphore, #tpu.memory_space<semaphore_mem>>) src(%arg8 : memref<128x128xf32, #tpu.memory_space<vmem>>) dst(%dma_wait3A_126 : memref<128x128xf32, #tpu.memory_space<vmem_shared>>)
      tpu.yield
    }) : () -> ()
    %add3A_103 = arith.constant 512 : i32
    %add3A_104 = arith.addi %mul3A_2, %add3A_103 : i32
    "tpu.region"() ({
      %run_scoped3A = tpu.sem_alloc : memref<!tpu.dma_semaphore, #tpu.memory_space<semaphore_mem>>
      %dma_start3A_120 = tpu.memref_slice %arg13[%add3A_104] : memref<10240xf32, #tpu.memory_space<vmem_shared>> -> memref<128xf32, #tpu.memory_space<vmem_shared>>
      %dma_start3A_121 = tpu.memref_slice %arg13[%add3A_104] : memref<10240xf32, #tpu.memory_space<vmem_shared>> -> memref<128xf32, #tpu.memory_space<vmem_shared>>
      tpu.enqueue_dma source(%arg11 : memref<128xf32, #tpu.memory_space<vmem>>) target(%dma_start3A_121 : memref<128xf32, #tpu.memory_space<vmem_shared>>) target_semaphore(%run_scoped3A : memref<!tpu.dma_semaphore, #tpu.memory_space<semaphore_mem>>)
      %dma_wait3A = tpu.memref_slice %arg13[%add3A_104] : memref<10240xf32, #tpu.memory_space<vmem_shared>> -> memref<128xf32, #tpu.memory_space<vmem_shared>>
      %dma_wait3A_122 = tpu.memref_slice %arg13[%add3A_104] : memref<10240xf32, #tpu.memory_space<vmem_shared>> -> memref<128xf32, #tpu.memory_space<vmem_shared>>
      tpu.wait_dma2 semaphore(%run_scoped3A : memref<!tpu.dma_semaphore, #tpu.memory_space<semaphore_mem>>) src(%arg11 : memref<128xf32, #tpu.memory_space<vmem>>) dst(%dma_wait3A_122 : memref<128xf32, #tpu.memory_space<vmem_shared>>)
      tpu.yield
    }) : () -> ()
    %barrier3A = arith.constant 0 : index
    tpu.barrier barrier_id(%barrier3A)
    %scan3A_105 = arith.constant 0 : i32
    %scan3A_106 = arith.constant 0 : i32
    %scan3A_107 = arith.constant 6 : i32
    %scan3A_108 = arith.addi %scan3A_106, %scan3A_107 : i32
    %scan3A_109 = arith.constant 1 : i32
    scf.for %scan3A_120 = %scan3A_106 to %scan3A_108 step %scan3A_109  : i32 {
      %mul3A_121 = arith.constant 2 : i32
      %mul3A_122 = arith.muli %scan3A_120, %mul3A_121 : i32
      %add3A_123 = arith.constant 1 : i32
      %add3A_124 = arith.addi %mul3A_122, %add3A_123 : i32
      %lt3A_125 = arith.constant 13 : i32
      %lt3A_126 = arith.cmpi slt, %add3A_124, %lt3A_125 : i32
      %convert_element_type3A_127 = arith.extui %lt3A_126 : i1 to i32
      %cond3A_128 = arith.constant 0 : i32
      %cond3A_129 = arith.cmpi ne, %convert_element_type3A_127, %cond3A_128 : i32
      scf.if %cond3A_129 {
        %add3A_153 = arith.constant 1 : i32
        %add3A_154 = arith.addi %mul3A_122, %add3A_153 : i32
        %mul3A_155 = arith.constant 6 : i32
        %mul3A_156 = arith.muli %add3A_154, %mul3A_155 : i32
        %add3A_157 = arith.addi %add3A_6, %mul3A_156 : i32
        %dma_start3A_158 = arith.constant 0 : i32
        %dma_start3A_159 = arith.constant 0 : i32
        %dma_start3A_160 = tpu.memref_slice %arg3[%add3A_157, %dma_start3A_158, %dma_start3A_159] : memref<2500x2x128xi32, #tpu.memory_space<hbm>> -> memref<6x2x128xi32, #tpu.memory_space<hbm>>
        %dma_start3A_161 = arith.constant 0 : i32
        %dma_start3A_162 = arith.constant 0 : i32
        %dma_start3A_163 = tpu.memref_slice %arg3[%add3A_157, %dma_start3A_161, %dma_start3A_162] : memref<2500x2x128xi32, #tpu.memory_space<hbm>> -> memref<6x2x128xi32, #tpu.memory_space<hbm>>
        tpu.enqueue_dma source(%dma_start3A_163 : memref<6x2x128xi32, #tpu.memory_space<hbm>>) target(%arg7 : memref<6x2x128xi32, #tpu.memory_space<vmem>>) target_semaphore(%arg17 : memref<!tpu.dma_semaphore, #tpu.memory_space<semaphore_mem>>)
      } else {
      }
      %scan3A_130 = arith.constant 0 : i32
      %scan3A_131 = arith.constant 0 : i32
      %scan3A_132 = arith.constant 3 : i32
      %scan3A_133 = arith.addi %scan3A_131, %scan3A_132 : i32
      %scan3A_134 = arith.constant 1 : i32
      scf.for %scan3A_153 = %scan3A_131 to %scan3A_133 step %scan3A_134  : i32 {
        %mul3A_154 = arith.constant 2 : i32
        %mul3A_155 = arith.muli %scan3A_153, %mul3A_154 : i32
        %add3A_156 = arith.constant 0 : i32
        %add3A_157 = arith.addi %mul3A_155, %add3A_156 : i32
        %add3A_158 = arith.constant 1 : i32
        %add3A_159 = arith.addi %add3A_157, %add3A_158 : i32
        %lt3A_160 = arith.constant 6 : i32
        %lt3A_161 = arith.cmpi slt, %add3A_159, %lt3A_160 : i32
        %convert_element_type3A_162 = arith.extui %lt3A_161 : i1 to i32
        %cond3A_163 = arith.constant 0 : i32
        %cond3A_164 = arith.cmpi ne, %convert_element_type3A_162, %cond3A_163 : i32
        scf.if %cond3A_164 {
          %dma_start3A_210 = arith.constant 0 : i32
          %dma_start3A_211 = arith.constant 0 : i32
          %dma_start3A_212 = tpu.memref_slice %arg6[%add3A_159, %dma_start3A_210, %dma_start3A_211] : memref<6x2x128xi32, #tpu.memory_space<vmem>> -> memref<1x1x128xi32, #tpu.memory_space<vmem>>
          %dma_start3A_213 = tpu.memref_squeeze %dma_start3A_212 : memref<1x1x128xi32, #tpu.memory_space<vmem>> -> memref<128xi32, #tpu.memory_space<vmem>>
          %dma_start3A_214 = arith.constant 0 : i32
          %dma_start3A_215 = arith.constant 0 : i32
          %dma_start3A_216 = tpu.memref_slice %arg2[%dma_start3A_214, %dma_start3A_215] : memref<10000x128xf32, #tpu.memory_space<hbm>> -> memref<10000x128xf32, #tpu.memory_space<hbm>>
          tpu.enqueue_indirect_dma source(%dma_start3A_216 : memref<10000x128xf32, #tpu.memory_space<hbm>>) target(%arg8 : memref<128x128xf32, #tpu.memory_space<vmem>>) offsets(%dma_start3A_213 : memref<128xi32, #tpu.memory_space<vmem>>) semaphore(%arg14 : memref<!tpu.dma_semaphore, #tpu.memory_space<semaphore_mem>>)
        } else {
        }
        %eq3A = arith.constant 6 : i32
        %eq3A_165 = arith.cmpi eq, %add3A_159, %eq3A : i32
        %add3A_166 = arith.constant 1 : i32
        %add3A_167 = arith.addi %mul3A_122, %add3A_166 : i32
        %lt3A_168 = arith.constant 13 : i32
        %lt3A_169 = arith.cmpi slt, %add3A_167, %lt3A_168 : i32
        %and3A = arith.andi %eq3A_165, %lt3A_169 : i1
        %convert_element_type3A_170 = arith.extui %and3A : i1 to i32
        %cond3A_171 = arith.constant 0 : i32
        %cond3A_172 = arith.cmpi ne, %convert_element_type3A_170, %cond3A_171 : i32
        scf.if %cond3A_172 {
          %add3A_210 = arith.constant 1 : i32
          %add3A_211 = arith.addi %mul3A_122, %add3A_210 : i32
          %mul3A_212 = arith.constant 6 : i32
          %mul3A_213 = arith.muli %add3A_211, %mul3A_212 : i32
          %add3A_214 = arith.addi %add3A_6, %mul3A_213 : i32
          %dma_wait3A_215 = arith.constant 0 : i32
          %dma_wait3A_216 = arith.constant 0 : i32
          %dma_wait3A_217 = tpu.memref_slice %arg3[%add3A_214, %dma_wait3A_215, %dma_wait3A_216] : memref<2500x2x128xi32, #tpu.memory_space<hbm>> -> memref<6x2x128xi32, #tpu.memory_space<hbm>>
          %dma_wait3A_218 = arith.constant 0 : i32
          %dma_wait3A_219 = arith.constant 0 : i32
          %dma_wait3A_220 = tpu.memref_slice %arg3[%add3A_214, %dma_wait3A_218, %dma_wait3A_219] : memref<2500x2x128xi32, #tpu.memory_space<hbm>> -> memref<6x2x128xi32, #tpu.memory_space<hbm>>
          tpu.wait_dma2 semaphore(%arg17 : memref<!tpu.dma_semaphore, #tpu.memory_space<semaphore_mem>>) src(%dma_wait3A_220 : memref<6x2x128xi32, #tpu.memory_space<hbm>>) dst(%arg7 : memref<6x2x128xi32, #tpu.memory_space<vmem>>)
          %dma_start3A_221 = arith.constant 0 : i32
          %dma_start3A_222 = arith.constant 0 : i32
          %dma_start3A_223 = arith.constant 0 : i32
          %dma_start3A_224 = tpu.memref_slice %arg7[%dma_start3A_221, %dma_start3A_222, %dma_start3A_223] : memref<6x2x128xi32, #tpu.memory_space<vmem>> -> memref<1x1x128xi32, #tpu.memory_space<vmem>>
          %dma_start3A_225 = tpu.memref_squeeze %dma_start3A_224 : memref<1x1x128xi32, #tpu.memory_space<vmem>> -> memref<128xi32, #tpu.memory_space<vmem>>
          %dma_start3A_226 = arith.constant 0 : i32
          %dma_start3A_227 = arith.constant 0 : i32
          %dma_start3A_228 = tpu.memref_slice %arg2[%dma_start3A_226, %dma_start3A_227] : memref<10000x128xf32, #tpu.memory_space<hbm>> -> memref<10000x128xf32, #tpu.memory_space<hbm>>
          tpu.enqueue_indirect_dma source(%dma_start3A_228 : memref<10000x128xf32, #tpu.memory_space<hbm>>) target(%arg8 : memref<128x128xf32, #tpu.memory_space<vmem>>) offsets(%dma_start3A_225 : memref<128xi32, #tpu.memory_space<vmem>>) semaphore(%arg14 : memref<!tpu.dma_semaphore, #tpu.memory_space<semaphore_mem>>)
        } else {
        }
        %run_scoped3A = arith.constant 1 : i32
        "tpu.region"() ({
          %run_scoped3A_210 = tpu.sem_alloc : memref<!tpu.dma_semaphore, #tpu.memory_space<semaphore_mem>>
          %dma_start3A_211 = arith.constant 0 : i32
          %dma_start3A_212 = tpu.memref_slice %arg6[%add3A_157, %run_scoped3A, %dma_start3A_211] : memref<6x2x128xi32, #tpu.memory_space<vmem>> -> memref<1x1x128xi32, #tpu.memory_space<vmem>>
          %dma_start3A_213 = tpu.memref_squeeze %dma_start3A_212 : memref<1x1x128xi32, #tpu.memory_space<vmem>> -> memref<128xi32, #tpu.memory_space<vmem>>
          %dma_start3A_214 = arith.constant 0 : i32
          %dma_start3A_215 = tpu.memref_slice %arg13[%dma_start3A_214] : memref<10240xf32, #tpu.memory_space<vmem_shared>> -> memref<10240xf32, #tpu.memory_space<vmem_shared>>
          tpu.enqueue_indirect_dma source(%arg10 : memref<128xf32, #tpu.memory_space<vmem>>) target(%dma_start3A_215 : memref<10240xf32, #tpu.memory_space<vmem_shared>>) offsets(%dma_start3A_213 : memref<128xi32, #tpu.memory_space<vmem>>) semaphore(%run_scoped3A_210 : memref<!tpu.dma_semaphore, #tpu.memory_space<semaphore_mem>>) {add = true}
          %dma_wait3A_216 = arith.constant 0 : i32
          %dma_wait3A_217 = tpu.memref_slice %arg6[%add3A_157, %run_scoped3A, %dma_wait3A_216] : memref<6x2x128xi32, #tpu.memory_space<vmem>> -> memref<1x1x128xi32, #tpu.memory_space<vmem>>
          %dma_wait3A_218 = tpu.memref_squeeze %dma_wait3A_217 : memref<1x1x128xi32, #tpu.memory_space<vmem>> -> memref<128xi32, #tpu.memory_space<vmem>>
          %dma_wait3A_219 = arith.constant 0 : i32
          %dma_wait3A_220 = tpu.memref_slice %arg13[%dma_wait3A_219] : memref<10240xf32, #tpu.memory_space<vmem_shared>> -> memref<10240xf32, #tpu.memory_space<vmem_shared>>
          tpu.wait_indirect_dma semaphore(%run_scoped3A_210 : memref<!tpu.dma_semaphore, #tpu.memory_space<semaphore_mem>>) src(%arg10 : memref<128xf32, #tpu.memory_space<vmem>>) dst(%dma_wait3A_220 : memref<10240xf32, #tpu.memory_space<vmem_shared>>)
          tpu.yield
        }) : () -> ()
        %dma_wait3A = arith.constant 0 : i32
        %dma_wait3A_173 = arith.constant 0 : i32
        %dma_wait3A_174 = tpu.memref_slice %arg6[%add3A_157, %dma_wait3A, %dma_wait3A_173] : memref<6x2x128xi32, #tpu.memory_space<vmem>> -> memref<1x1x128xi32, #tpu.memory_space<vmem>>
        %dma_wait3A_175 = tpu.memref_squeeze %dma_wait3A_174 : memref<1x1x128xi32, #tpu.memory_space<vmem>> -> memref<128xi32, #tpu.memory_space<vmem>>
        %dma_wait3A_176 = arith.constant 0 : i32
        %dma_wait3A_177 = arith.constant 0 : i32
        %dma_wait3A_178 = tpu.memref_slice %arg2[%dma_wait3A_176, %dma_wait3A_177] : memref<10000x128xf32, #tpu.memory_space<hbm>> -> memref<10000x128xf32, #tpu.memory_space<hbm>>
        tpu.wait_indirect_dma semaphore(%arg15 : memref<!tpu.dma_semaphore, #tpu.memory_space<semaphore_mem>>) src(%dma_wait3A_178 : memref<10000x128xf32, #tpu.memory_space<hbm>>) dst(%arg9 : memref<128x128xf32, #tpu.memory_space<vmem>>)
        %run_scoped3A_179 = arith.constant 1 : i32
        "tpu.region"() ({
          %run_scoped3A_210 = tpu.sem_alloc : memref<!tpu.dma_semaphore, #tpu.memory_space<semaphore_mem>>
          %dma_start3A_211 = arith.constant 0 : i32
          %dma_start3A_212 = tpu.memref_slice %arg6[%add3A_157, %run_scoped3A_179, %dma_start3A_211] : memref<6x2x128xi32, #tpu.memory_space<vmem>> -> memref<1x1x128xi32, #tpu.memory_space<vmem>>
          %dma_start3A_213 = tpu.memref_squeeze %dma_start3A_212 : memref<1x1x128xi32, #tpu.memory_space<vmem>> -> memref<128xi32, #tpu.memory_space<vmem>>
          %dma_start3A_214 = arith.constant 0 : i32
          %dma_start3A_215 = arith.constant 0 : i32
          %dma_start3A_216 = tpu.memref_slice %arg12[%dma_start3A_214, %dma_start3A_215] : memref<10240x128xf32, #tpu.memory_space<vmem_shared>> -> memref<10240x128xf32, #tpu.memory_space<vmem_shared>>
          tpu.enqueue_indirect_dma source(%arg9 : memref<128x128xf32, #tpu.memory_space<vmem>>) target(%dma_start3A_216 : memref<10240x128xf32, #tpu.memory_space<vmem_shared>>) offsets(%dma_start3A_213 : memref<128xi32, #tpu.memory_space<vmem>>) semaphore(%run_scoped3A_210 : memref<!tpu.dma_semaphore, #tpu.memory_space<semaphore_mem>>) {add = true}
          %dma_wait3A_217 = arith.constant 0 : i32
          %dma_wait3A_218 = tpu.memref_slice %arg6[%add3A_157, %run_scoped3A_179, %dma_wait3A_217] : memref<6x2x128xi32, #tpu.memory_space<vmem>> -> memref<1x1x128xi32, #tpu.memory_space<vmem>>
          %dma_wait3A_219 = tpu.memref_squeeze %dma_wait3A_218 : memref<1x1x128xi32, #tpu.memory_space<vmem>> -> memref<128xi32, #tpu.memory_space<vmem>>
          %dma_wait3A_220 = arith.constant 0 : i32
          %dma_wait3A_221 = arith.constant 0 : i32
          %dma_wait3A_222 = tpu.memref_slice %arg12[%dma_wait3A_220, %dma_wait3A_221] : memref<10240x128xf32, #tpu.memory_space<vmem_shared>> -> memref<10240x128xf32, #tpu.memory_space<vmem_shared>>
          tpu.wait_indirect_dma semaphore(%run_scoped3A_210 : memref<!tpu.dma_semaphore, #tpu.memory_space<semaphore_mem>>) src(%arg9 : memref<128x128xf32, #tpu.memory_space<vmem>>) dst(%dma_wait3A_222 : memref<10240x128xf32, #tpu.memory_space<vmem_shared>>)
          tpu.yield
        }) : () -> ()
        %mul3A_180 = arith.constant 2 : i32
        %mul3A_181 = arith.muli %scan3A_153, %mul3A_180 : i32
        %add3A_182 = arith.constant 1 : i32
        %add3A_183 = arith.addi %mul3A_181, %add3A_182 : i32
        %add3A_184 = arith.constant 1 : i32
        %add3A_185 = arith.addi %add3A_183, %add3A_184 : i32
        %lt3A_186 = arith.constant 6 : i32
        %lt3A_187 = arith.cmpi slt, %add3A_185, %lt3A_186 : i32
        %convert_element_type3A_188 = arith.extui %lt3A_187 : i1 to i32
        %cond3A_189 = arith.constant 0 : i32
        %cond3A_190 = arith.cmpi ne, %convert_element_type3A_188, %cond3A_189 : i32
        scf.if %cond3A_190 {
          %dma_start3A_210 = arith.constant 0 : i32
          %dma_start3A_211 = arith.constant 0 : i32
          %dma_start3A_212 = tpu.memref_slice %arg6[%add3A_185, %dma_start3A_210, %dma_start3A_211] : memref<6x2x128xi32, #tpu.memory_space<vmem>> -> memref<1x1x128xi32, #tpu.memory_space<vmem>>
          %dma_start3A_213 = tpu.memref_squeeze %dma_start3A_212 : memref<1x1x128xi32, #tpu.memory_space<vmem>> -> memref<128xi32, #tpu.memory_space<vmem>>
          %dma_start3A_214 = arith.constant 0 : i32
          %dma_start3A_215 = arith.constant 0 : i32
          %dma_start3A_216 = tpu.memref_slice %arg2[%dma_start3A_214, %dma_start3A_215] : memref<10000x128xf32, #tpu.memory_space<hbm>> -> memref<10000x128xf32, #tpu.memory_space<hbm>>
          tpu.enqueue_indirect_dma source(%dma_start3A_216 : memref<10000x128xf32, #tpu.memory_space<hbm>>) target(%arg9 : memref<128x128xf32, #tpu.memory_space<vmem>>) offsets(%dma_start3A_213 : memref<128xi32, #tpu.memory_space<vmem>>) semaphore(%arg15 : memref<!tpu.dma_semaphore, #tpu.memory_space<semaphore_mem>>)
        } else {
        }
        %eq3A_191 = arith.constant 6 : i32
        %eq3A_192 = arith.cmpi eq, %add3A_185, %eq3A_191 : i32
        %add3A_193 = arith.constant 1 : i32
        %add3A_194 = arith.addi %mul3A_122, %add3A_193 : i32
        %lt3A_195 = arith.constant 13 : i32
        %lt3A_196 = arith.cmpi slt, %add3A_194, %lt3A_195 : i32
        %and3A_197 = arith.andi %eq3A_192, %lt3A_196 : i1
        %convert_element_type3A_198 = arith.extui %and3A_197 : i1 to i32
        %cond3A_199 = arith.constant 0 : i32
        %cond3A_200 = arith.cmpi ne, %convert_element_type3A_198, %cond3A_199 : i32
        scf.if %cond3A_200 {
          %add3A_210 = arith.constant 1 : i32
          %add3A_211 = arith.addi %mul3A_122, %add3A_210 : i32
          %mul3A_212 = arith.constant 6 : i32
          %mul3A_213 = arith.muli %add3A_211, %mul3A_212 : i32
          %add3A_214 = arith.addi %add3A_6, %mul3A_213 : i32
          %dma_wait3A_215 = arith.constant 0 : i32
          %dma_wait3A_216 = arith.constant 0 : i32
          %dma_wait3A_217 = tpu.memref_slice %arg3[%add3A_214, %dma_wait3A_215, %dma_wait3A_216] : memref<2500x2x128xi32, #tpu.memory_space<hbm>> -> memref<6x2x128xi32, #tpu.memory_space<hbm>>
          %dma_wait3A_218 = arith.constant 0 : i32
          %dma_wait3A_219 = arith.constant 0 : i32
          %dma_wait3A_220 = tpu.memref_slice %arg3[%add3A_214, %dma_wait3A_218, %dma_wait3A_219] : memref<2500x2x128xi32, #tpu.memory_space<hbm>> -> memref<6x2x128xi32, #tpu.memory_space<hbm>>
          tpu.wait_dma2 semaphore(%arg17 : memref<!tpu.dma_semaphore, #tpu.memory_space<semaphore_mem>>) src(%dma_wait3A_220 : memref<6x2x128xi32, #tpu.memory_space<hbm>>) dst(%arg7 : memref<6x2x128xi32, #tpu.memory_space<vmem>>)
          %dma_start3A_221 = arith.constant 0 : i32
          %dma_start3A_222 = arith.constant 0 : i32
          %dma_start3A_223 = arith.constant 0 : i32
          %dma_start3A_224 = tpu.memref_slice %arg7[%dma_start3A_221, %dma_start3A_222, %dma_start3A_223] : memref<6x2x128xi32, #tpu.memory_space<vmem>> -> memref<1x1x128xi32, #tpu.memory_space<vmem>>
          %dma_start3A_225 = tpu.memref_squeeze %dma_start3A_224 : memref<1x1x128xi32, #tpu.memory_space<vmem>> -> memref<128xi32, #tpu.memory_space<vmem>>
          %dma_start3A_226 = arith.constant 0 : i32
          %dma_start3A_227 = arith.constant 0 : i32
          %dma_start3A_228 = tpu.memref_slice %arg2[%dma_start3A_226, %dma_start3A_227] : memref<10000x128xf32, #tpu.memory_space<hbm>> -> memref<10000x128xf32, #tpu.memory_space<hbm>>
          tpu.enqueue_indirect_dma source(%dma_start3A_228 : memref<10000x128xf32, #tpu.memory_space<hbm>>) target(%arg9 : memref<128x128xf32, #tpu.memory_space<vmem>>) offsets(%dma_start3A_225 : memref<128xi32, #tpu.memory_space<vmem>>) semaphore(%arg15 : memref<!tpu.dma_semaphore, #tpu.memory_space<semaphore_mem>>)
        } else {
        }
        %run_scoped3A_201 = arith.constant 1 : i32
        "tpu.region"() ({
          %run_scoped3A_210 = tpu.sem_alloc : memref<!tpu.dma_semaphore, #tpu.memory_space<semaphore_mem>>
          %dma_start3A_211 = arith.constant 0 : i32
          %dma_start3A_212 = tpu.memref_slice %arg6[%add3A_183, %run_scoped3A_201, %dma_start3A_211] : memref<6x2x128xi32, #tpu.memory_space<vmem>> -> memref<1x1x128xi32, #tpu.memory_space<vmem>>
          %dma_start3A_213 = tpu.memref_squeeze %dma_start3A_212 : memref<1x1x128xi32, #tpu.memory_space<vmem>> -> memref<128xi32, #tpu.memory_space<vmem>>
          %dma_start3A_214 = arith.constant 0 : i32
          %dma_start3A_215 = tpu.memref_slice %arg13[%dma_start3A_214] : memref<10240xf32, #tpu.memory_space<vmem_shared>> -> memref<10240xf32, #tpu.memory_space<vmem_shared>>
          tpu.enqueue_indirect_dma source(%arg10 : memref<128xf32, #tpu.memory_space<vmem>>) target(%dma_start3A_215 : memref<10240xf32, #tpu.memory_space<vmem_shared>>) offsets(%dma_start3A_213 : memref<128xi32, #tpu.memory_space<vmem>>) semaphore(%run_scoped3A_210 : memref<!tpu.dma_semaphore, #tpu.memory_space<semaphore_mem>>) {add = true}
          %dma_wait3A_216 = arith.constant 0 : i32
          %dma_wait3A_217 = tpu.memref_slice %arg6[%add3A_183, %run_scoped3A_201, %dma_wait3A_216] : memref<6x2x128xi32, #tpu.memory_space<vmem>> -> memref<1x1x128xi32, #tpu.memory_space<vmem>>
          %dma_wait3A_218 = tpu.memref_squeeze %dma_wait3A_217 : memref<1x1x128xi32, #tpu.memory_space<vmem>> -> memref<128xi32, #tpu.memory_space<vmem>>
          %dma_wait3A_219 = arith.constant 0 : i32
          %dma_wait3A_220 = tpu.memref_slice %arg13[%dma_wait3A_219] : memref<10240xf32, #tpu.memory_space<vmem_shared>> -> memref<10240xf32, #tpu.memory_space<vmem_shared>>
          tpu.wait_indirect_dma semaphore(%run_scoped3A_210 : memref<!tpu.dma_semaphore, #tpu.memory_space<semaphore_mem>>) src(%arg10 : memref<128xf32, #tpu.memory_space<vmem>>) dst(%dma_wait3A_220 : memref<10240xf32, #tpu.memory_space<vmem_shared>>)
          tpu.yield
        }) : () -> ()
        %dma_wait3A_202 = arith.constant 0 : i32
        %dma_wait3A_203 = arith.constant 0 : i32
        %dma_wait3A_204 = tpu.memref_slice %arg6[%add3A_183, %dma_wait3A_202, %dma_wait3A_203] : memref<6x2x128xi32, #tpu.memory_space<vmem>> -> memref<1x1x128xi32, #tpu.memory_space<vmem>>
        %dma_wait3A_205 = tpu.memref_squeeze %dma_wait3A_204 : memref<1x1x128xi32, #tpu.memory_space<vmem>> -> memref<128xi32, #tpu.memory_space<vmem>>
        %dma_wait3A_206 = arith.constant 0 : i32
        %dma_wait3A_207 = arith.constant 0 : i32
        %dma_wait3A_208 = tpu.memref_slice %arg2[%dma_wait3A_206, %dma_wait3A_207] : memref<10000x128xf32, #tpu.memory_space<hbm>> -> memref<10000x128xf32, #tpu.memory_space<hbm>>
        tpu.wait_indirect_dma semaphore(%arg14 : memref<!tpu.dma_semaphore, #tpu.memory_space<semaphore_mem>>) src(%dma_wait3A_208 : memref<10000x128xf32, #tpu.memory_space<hbm>>) dst(%arg8 : memref<128x128xf32, #tpu.memory_space<vmem>>)
        %run_scoped3A_209 = arith.constant 1 : i32
        "tpu.region"() ({
          %run_scoped3A_210 = tpu.sem_alloc : memref<!tpu.dma_semaphore, #tpu.memory_space<semaphore_mem>>
          %dma_start3A_211 = arith.constant 0 : i32
          %dma_start3A_212 = tpu.memref_slice %arg6[%add3A_183, %run_scoped3A_209, %dma_start3A_211] : memref<6x2x128xi32, #tpu.memory_space<vmem>> -> memref<1x1x128xi32, #tpu.memory_space<vmem>>
          %dma_start3A_213 = tpu.memref_squeeze %dma_start3A_212 : memref<1x1x128xi32, #tpu.memory_space<vmem>> -> memref<128xi32, #tpu.memory_space<vmem>>
          %dma_start3A_214 = arith.constant 0 : i32
          %dma_start3A_215 = arith.constant 0 : i32
          %dma_start3A_216 = tpu.memref_slice %arg12[%dma_start3A_214, %dma_start3A_215] : memref<10240x128xf32, #tpu.memory_space<vmem_shared>> -> memref<10240x128xf32, #tpu.memory_space<vmem_shared>>
          tpu.enqueue_indirect_dma source(%arg8 : memref<128x128xf32, #tpu.memory_space<vmem>>) target(%dma_start3A_216 : memref<10240x128xf32, #tpu.memory_space<vmem_shared>>) offsets(%dma_start3A_213 : memref<128xi32, #tpu.memory_space<vmem>>) semaphore(%run_scoped3A_210 : memref<!tpu.dma_semaphore, #tpu.memory_space<semaphore_mem>>) {add = true}
          %dma_wait3A_217 = arith.constant 0 : i32
          %dma_wait3A_218 = tpu.memref_slice %arg6[%add3A_183, %run_scoped3A_209, %dma_wait3A_217] : memref<6x2x128xi32, #tpu.memory_space<vmem>> -> memref<1x1x128xi32, #tpu.memory_space<vmem>>
          %dma_wait3A_219 = tpu.memref_squeeze %dma_wait3A_218 : memref<1x1x128xi32, #tpu.memory_space<vmem>> -> memref<128xi32, #tpu.memory_space<vmem>>
          %dma_wait3A_220 = arith.constant 0 : i32
          %dma_wait3A_221 = arith.constant 0 : i32
          %dma_wait3A_222 = tpu.memref_slice %arg12[%dma_wait3A_220, %dma_wait3A_221] : memref<10240x128xf32, #tpu.memory_space<vmem_shared>> -> memref<10240x128xf32, #tpu.memory_space<vmem_shared>>
          tpu.wait_indirect_dma semaphore(%run_scoped3A_210 : memref<!tpu.dma_semaphore, #tpu.memory_space<semaphore_mem>>) src(%arg8 : memref<128x128xf32, #tpu.memory_space<vmem>>) dst(%dma_wait3A_222 : memref<10240x128xf32, #tpu.memory_space<vmem_shared>>)
          tpu.yield
        }) : () -> ()
      }
      %scan3A_135 = arith.constant 3 : i32
      %mul3A_136 = arith.constant 2 : i32
      %mul3A_137 = arith.muli %scan3A_120, %mul3A_136 : i32
      %add3A_138 = arith.constant 1 : i32
      %add3A_139 = arith.addi %mul3A_137, %add3A_138 : i32
      %add3A_140 = arith.constant 1 : i32
      %add3A_141 = arith.addi %add3A_139, %add3A_140 : i32
      %lt3A_142 = arith.constant 13 : i32
      %lt3A_143 = arith.cmpi slt, %add3A_141, %lt3A_142 : i32
      %convert_element_type3A_144 = arith.extui %lt3A_143 : i1 to i32
      %cond3A_145 = arith.constant 0 : i32
      %cond3A_146 = arith.cmpi ne, %convert_element_type3A_144, %cond3A_145 : i32
      scf.if %cond3A_146 {
        %add3A_153 = arith.constant 1 : i32
        %add3A_154 = arith.addi %add3A_139, %add3A_153 : i32
        %mul3A_155 = arith.constant 6 : i32
        %mul3A_156 = arith.muli %add3A_154, %mul3A_155 : i32
        %add3A_157 = arith.addi %add3A_6, %mul3A_156 : i32
        %dma_start3A_158 = arith.constant 0 : i32
        %dma_start3A_159 = arith.constant 0 : i32
        %dma_start3A_160 = tpu.memref_slice %arg3[%add3A_157, %dma_start3A_158, %dma_start3A_159] : memref<2500x2x128xi32, #tpu.memory_space<hbm>> -> memref<6x2x128xi32, #tpu.memory_space<hbm>>
        %dma_start3A_161 = arith.constant 0 : i32
        %dma_start3A_162 = arith.constant 0 : i32
        %dma_start3A_163 = tpu.memref_slice %arg3[%add3A_157, %dma_start3A_161, %dma_start3A_162] : memref<2500x2x128xi32, #tpu.memory_space<hbm>> -> memref<6x2x128xi32, #tpu.memory_space<hbm>>
        tpu.enqueue_dma source(%dma_start3A_163 : memref<6x2x128xi32, #tpu.memory_space<hbm>>) target(%arg6 : memref<6x2x128xi32, #tpu.memory_space<vmem>>) target_semaphore(%arg16 : memref<!tpu.dma_semaphore, #tpu.memory_space<semaphore_mem>>)
      } else {
      }
      %scan3A_147 = arith.constant 0 : i32
      %scan3A_148 = arith.constant 0 : i32
      %scan3A_149 = arith.constant 3 : i32
      %scan3A_150 = arith.addi %scan3A_148, %scan3A_149 : i32
      %scan3A_151 = arith.constant 1 : i32
      scf.for %scan3A_153 = %scan3A_148 to %scan3A_150 step %scan3A_151  : i32 {
        %mul3A_154 = arith.constant 2 : i32
        %mul3A_155 = arith.muli %scan3A_153, %mul3A_154 : i32
        %add3A_156 = arith.constant 0 : i32
        %add3A_157 = arith.addi %mul3A_155, %add3A_156 : i32
        %add3A_158 = arith.constant 1 : i32
        %add3A_159 = arith.addi %add3A_157, %add3A_158 : i32
        %lt3A_160 = arith.constant 6 : i32
        %lt3A_161 = arith.cmpi slt, %add3A_159, %lt3A_160 : i32
        %convert_element_type3A_162 = arith.extui %lt3A_161 : i1 to i32
        %cond3A_163 = arith.constant 0 : i32
        %cond3A_164 = arith.cmpi ne, %convert_element_type3A_162, %cond3A_163 : i32
        scf.if %cond3A_164 {
          %dma_start3A_210 = arith.constant 0 : i32
          %dma_start3A_211 = arith.constant 0 : i32
          %dma_start3A_212 = tpu.memref_slice %arg7[%add3A_159, %dma_start3A_210, %dma_start3A_211] : memref<6x2x128xi32, #tpu.memory_space<vmem>> -> memref<1x1x128xi32, #tpu.memory_space<vmem>>
          %dma_start3A_213 = tpu.memref_squeeze %dma_start3A_212 : memref<1x1x128xi32, #tpu.memory_space<vmem>> -> memref<128xi32, #tpu.memory_space<vmem>>
          %dma_start3A_214 = arith.constant 0 : i32
          %dma_start3A_215 = arith.constant 0 : i32
          %dma_start3A_216 = tpu.memref_slice %arg2[%dma_start3A_214, %dma_start3A_215] : memref<10000x128xf32, #tpu.memory_space<hbm>> -> memref<10000x128xf32, #tpu.memory_space<hbm>>
          tpu.enqueue_indirect_dma source(%dma_start3A_216 : memref<10000x128xf32, #tpu.memory_space<hbm>>) target(%arg8 : memref<128x128xf32, #tpu.memory_space<vmem>>) offsets(%dma_start3A_213 : memref<128xi32, #tpu.memory_space<vmem>>) semaphore(%arg14 : memref<!tpu.dma_semaphore, #tpu.memory_space<semaphore_mem>>)
        } else {
        }
        %eq3A = arith.constant 6 : i32
        %eq3A_165 = arith.cmpi eq, %add3A_159, %eq3A : i32
        %add3A_166 = arith.constant 1 : i32
        %add3A_167 = arith.addi %add3A_139, %add3A_166 : i32
        %lt3A_168 = arith.constant 13 : i32
        %lt3A_169 = arith.cmpi slt, %add3A_167, %lt3A_168 : i32
        %and3A = arith.andi %eq3A_165, %lt3A_169 : i1
        %convert_element_type3A_170 = arith.extui %and3A : i1 to i32
        %cond3A_171 = arith.constant 0 : i32
        %cond3A_172 = arith.cmpi ne, %convert_element_type3A_170, %cond3A_171 : i32
        scf.if %cond3A_172 {
          %add3A_210 = arith.constant 1 : i32
          %add3A_211 = arith.addi %add3A_139, %add3A_210 : i32
          %mul3A_212 = arith.constant 6 : i32
          %mul3A_213 = arith.muli %add3A_211, %mul3A_212 : i32
          %add3A_214 = arith.addi %add3A_6, %mul3A_213 : i32
          %dma_wait3A_215 = arith.constant 0 : i32
          %dma_wait3A_216 = arith.constant 0 : i32
          %dma_wait3A_217 = tpu.memref_slice %arg3[%add3A_214, %dma_wait3A_215, %dma_wait3A_216] : memref<2500x2x128xi32, #tpu.memory_space<hbm>> -> memref<6x2x128xi32, #tpu.memory_space<hbm>>
          %dma_wait3A_218 = arith.constant 0 : i32
          %dma_wait3A_219 = arith.constant 0 : i32
          %dma_wait3A_220 = tpu.memref_slice %arg3[%add3A_214, %dma_wait3A_218, %dma_wait3A_219] : memref<2500x2x128xi32, #tpu.memory_space<hbm>> -> memref<6x2x128xi32, #tpu.memory_space<hbm>>
          tpu.wait_dma2 semaphore(%arg16 : memref<!tpu.dma_semaphore, #tpu.memory_space<semaphore_mem>>) src(%dma_wait3A_220 : memref<6x2x128xi32, #tpu.memory_space<hbm>>) dst(%arg6 : memref<6x2x128xi32, #tpu.memory_space<vmem>>)
          %dma_start3A_221 = arith.constant 0 : i32
          %dma_start3A_222 = arith.constant 0 : i32
          %dma_start3A_223 = arith.constant 0 : i32
          %dma_start3A_224 = tpu.memref_slice %arg6[%dma_start3A_221, %dma_start3A_222, %dma_start3A_223] : memref<6x2x128xi32, #tpu.memory_space<vmem>> -> memref<1x1x128xi32, #tpu.memory_space<vmem>>
          %dma_start3A_225 = tpu.memref_squeeze %dma_start3A_224 : memref<1x1x128xi32, #tpu.memory_space<vmem>> -> memref<128xi32, #tpu.memory_space<vmem>>
          %dma_start3A_226 = arith.constant 0 : i32
          %dma_start3A_227 = arith.constant 0 : i32
          %dma_start3A_228 = tpu.memref_slice %arg2[%dma_start3A_226, %dma_start3A_227] : memref<10000x128xf32, #tpu.memory_space<hbm>> -> memref<10000x128xf32, #tpu.memory_space<hbm>>
          tpu.enqueue_indirect_dma source(%dma_start3A_228 : memref<10000x128xf32, #tpu.memory_space<hbm>>) target(%arg8 : memref<128x128xf32, #tpu.memory_space<vmem>>) offsets(%dma_start3A_225 : memref<128xi32, #tpu.memory_space<vmem>>) semaphore(%arg14 : memref<!tpu.dma_semaphore, #tpu.memory_space<semaphore_mem>>)
        } else {
        }
        %run_scoped3A = arith.constant 1 : i32
        "tpu.region"() ({
          %run_scoped3A_210 = tpu.sem_alloc : memref<!tpu.dma_semaphore, #tpu.memory_space<semaphore_mem>>
          %dma_start3A_211 = arith.constant 0 : i32
          %dma_start3A_212 = tpu.memref_slice %arg7[%add3A_157, %run_scoped3A, %dma_start3A_211] : memref<6x2x128xi32, #tpu.memory_space<vmem>> -> memref<1x1x128xi32, #tpu.memory_space<vmem>>
          %dma_start3A_213 = tpu.memref_squeeze %dma_start3A_212 : memref<1x1x128xi32, #tpu.memory_space<vmem>> -> memref<128xi32, #tpu.memory_space<vmem>>
          %dma_start3A_214 = arith.constant 0 : i32
          %dma_start3A_215 = tpu.memref_slice %arg13[%dma_start3A_214] : memref<10240xf32, #tpu.memory_space<vmem_shared>> -> memref<10240xf32, #tpu.memory_space<vmem_shared>>
          tpu.enqueue_indirect_dma source(%arg10 : memref<128xf32, #tpu.memory_space<vmem>>) target(%dma_start3A_215 : memref<10240xf32, #tpu.memory_space<vmem_shared>>) offsets(%dma_start3A_213 : memref<128xi32, #tpu.memory_space<vmem>>) semaphore(%run_scoped3A_210 : memref<!tpu.dma_semaphore, #tpu.memory_space<semaphore_mem>>) {add = true}
          %dma_wait3A_216 = arith.constant 0 : i32
          %dma_wait3A_217 = tpu.memref_slice %arg7[%add3A_157, %run_scoped3A, %dma_wait3A_216] : memref<6x2x128xi32, #tpu.memory_space<vmem>> -> memref<1x1x128xi32, #tpu.memory_space<vmem>>
          %dma_wait3A_218 = tpu.memref_squeeze %dma_wait3A_217 : memref<1x1x128xi32, #tpu.memory_space<vmem>> -> memref<128xi32, #tpu.memory_space<vmem>>
          %dma_wait3A_219 = arith.constant 0 : i32
          %dma_wait3A_220 = tpu.memref_slice %arg13[%dma_wait3A_219] : memref<10240xf32, #tpu.memory_space<vmem_shared>> -> memref<10240xf32, #tpu.memory_space<vmem_shared>>
          tpu.wait_indirect_dma semaphore(%run_scoped3A_210 : memref<!tpu.dma_semaphore, #tpu.memory_space<semaphore_mem>>) src(%arg10 : memref<128xf32, #tpu.memory_space<vmem>>) dst(%dma_wait3A_220 : memref<10240xf32, #tpu.memory_space<vmem_shared>>)
          tpu.yield
        }) : () -> ()
        %dma_wait3A = arith.constant 0 : i32
        %dma_wait3A_173 = arith.constant 0 : i32
        %dma_wait3A_174 = tpu.memref_slice %arg7[%add3A_157, %dma_wait3A, %dma_wait3A_173] : memref<6x2x128xi32, #tpu.memory_space<vmem>> -> memref<1x1x128xi32, #tpu.memory_space<vmem>>
        %dma_wait3A_175 = tpu.memref_squeeze %dma_wait3A_174 : memref<1x1x128xi32, #tpu.memory_space<vmem>> -> memref<128xi32, #tpu.memory_space<vmem>>
        %dma_wait3A_176 = arith.constant 0 : i32
        %dma_wait3A_177 = arith.constant 0 : i32
        %dma_wait3A_178 = tpu.memref_slice %arg2[%dma_wait3A_176, %dma_wait3A_177] : memref<10000x128xf32, #tpu.memory_space<hbm>> -> memref<10000x128xf32, #tpu.memory_space<hbm>>
        tpu.wait_indirect_dma semaphore(%arg15 : memref<!tpu.dma_semaphore, #tpu.memory_space<semaphore_mem>>) src(%dma_wait3A_178 : memref<10000x128xf32, #tpu.memory_space<hbm>>) dst(%arg9 : memref<128x128xf32, #tpu.memory_space<vmem>>)
        %run_scoped3A_179 = arith.constant 1 : i32
        "tpu.region"() ({
          %run_scoped3A_210 = tpu.sem_alloc : memref<!tpu.dma_semaphore, #tpu.memory_space<semaphore_mem>>
          %dma_start3A_211 = arith.constant 0 : i32
          %dma_start3A_212 = tpu.memref_slice %arg7[%add3A_157, %run_scoped3A_179, %dma_start3A_211] : memref<6x2x128xi32, #tpu.memory_space<vmem>> -> memref<1x1x128xi32, #tpu.memory_space<vmem>>
          %dma_start3A_213 = tpu.memref_squeeze %dma_start3A_212 : memref<1x1x128xi32, #tpu.memory_space<vmem>> -> memref<128xi32, #tpu.memory_space<vmem>>
          %dma_start3A_214 = arith.constant 0 : i32
          %dma_start3A_215 = arith.constant 0 : i32
          %dma_start3A_216 = tpu.memref_slice %arg12[%dma_start3A_214, %dma_start3A_215] : memref<10240x128xf32, #tpu.memory_space<vmem_shared>> -> memref<10240x128xf32, #tpu.memory_space<vmem_shared>>
          tpu.enqueue_indirect_dma source(%arg9 : memref<128x128xf32, #tpu.memory_space<vmem>>) target(%dma_start3A_216 : memref<10240x128xf32, #tpu.memory_space<vmem_shared>>) offsets(%dma_start3A_213 : memref<128xi32, #tpu.memory_space<vmem>>) semaphore(%run_scoped3A_210 : memref<!tpu.dma_semaphore, #tpu.memory_space<semaphore_mem>>) {add = true}
          %dma_wait3A_217 = arith.constant 0 : i32
          %dma_wait3A_218 = tpu.memref_slice %arg7[%add3A_157, %run_scoped3A_179, %dma_wait3A_217] : memref<6x2x128xi32, #tpu.memory_space<vmem>> -> memref<1x1x128xi32, #tpu.memory_space<vmem>>
          %dma_wait3A_219 = tpu.memref_squeeze %dma_wait3A_218 : memref<1x1x128xi32, #tpu.memory_space<vmem>> -> memref<128xi32, #tpu.memory_space<vmem>>
          %dma_wait3A_220 = arith.constant 0 : i32
          %dma_wait3A_221 = arith.constant 0 : i32
          %dma_wait3A_222 = tpu.memref_slice %arg12[%dma_wait3A_220, %dma_wait3A_221] : memref<10240x128xf32, #tpu.memory_space<vmem_shared>> -> memref<10240x128xf32, #tpu.memory_space<vmem_shared>>
          tpu.wait_indirect_dma semaphore(%run_scoped3A_210 : memref<!tpu.dma_semaphore, #tpu.memory_space<semaphore_mem>>) src(%arg9 : memref<128x128xf32, #tpu.memory_space<vmem>>) dst(%dma_wait3A_222 : memref<10240x128xf32, #tpu.memory_space<vmem_shared>>)
          tpu.yield
        }) : () -> ()
        %mul3A_180 = arith.constant 2 : i32
        %mul3A_181 = arith.muli %scan3A_153, %mul3A_180 : i32
        %add3A_182 = arith.constant 1 : i32
        %add3A_183 = arith.addi %mul3A_181, %add3A_182 : i32
        %add3A_184 = arith.constant 1 : i32
        %add3A_185 = arith.addi %add3A_183, %add3A_184 : i32
        %lt3A_186 = arith.constant 6 : i32
        %lt3A_187 = arith.cmpi slt, %add3A_185, %lt3A_186 : i32
        %convert_element_type3A_188 = arith.extui %lt3A_187 : i1 to i32
        %cond3A_189 = arith.constant 0 : i32
        %cond3A_190 = arith.cmpi ne, %convert_element_type3A_188, %cond3A_189 : i32
        scf.if %cond3A_190 {
          %dma_start3A_210 = arith.constant 0 : i32
          %dma_start3A_211 = arith.constant 0 : i32
          %dma_start3A_212 = tpu.memref_slice %arg7[%add3A_185, %dma_start3A_210, %dma_start3A_211] : memref<6x2x128xi32, #tpu.memory_space<vmem>> -> memref<1x1x128xi32, #tpu.memory_space<vmem>>
          %dma_start3A_213 = tpu.memref_squeeze %dma_start3A_212 : memref<1x1x128xi32, #tpu.memory_space<vmem>> -> memref<128xi32, #tpu.memory_space<vmem>>
          %dma_start3A_214 = arith.constant 0 : i32
          %dma_start3A_215 = arith.constant 0 : i32
          %dma_start3A_216 = tpu.memref_slice %arg2[%dma_start3A_214, %dma_start3A_215] : memref<10000x128xf32, #tpu.memory_space<hbm>> -> memref<10000x128xf32, #tpu.memory_space<hbm>>
          tpu.enqueue_indirect_dma source(%dma_start3A_216 : memref<10000x128xf32, #tpu.memory_space<hbm>>) target(%arg9 : memref<128x128xf32, #tpu.memory_space<vmem>>) offsets(%dma_start3A_213 : memref<128xi32, #tpu.memory_space<vmem>>) semaphore(%arg15 : memref<!tpu.dma_semaphore, #tpu.memory_space<semaphore_mem>>)
        } else {
        }
        %eq3A_191 = arith.constant 6 : i32
        %eq3A_192 = arith.cmpi eq, %add3A_185, %eq3A_191 : i32
        %add3A_193 = arith.constant 1 : i32
        %add3A_194 = arith.addi %add3A_139, %add3A_193 : i32
        %lt3A_195 = arith.constant 13 : i32
        %lt3A_196 = arith.cmpi slt, %add3A_194, %lt3A_195 : i32
        %and3A_197 = arith.andi %eq3A_192, %lt3A_196 : i1
        %convert_element_type3A_198 = arith.extui %and3A_197 : i1 to i32
        %cond3A_199 = arith.constant 0 : i32
        %cond3A_200 = arith.cmpi ne, %convert_element_type3A_198, %cond3A_199 : i32
        scf.if %cond3A_200 {
          %add3A_210 = arith.constant 1 : i32
          %add3A_211 = arith.addi %add3A_139, %add3A_210 : i32
          %mul3A_212 = arith.constant 6 : i32
          %mul3A_213 = arith.muli %add3A_211, %mul3A_212 : i32
          %add3A_214 = arith.addi %add3A_6, %mul3A_213 : i32
          %dma_wait3A_215 = arith.constant 0 : i32
          %dma_wait3A_216 = arith.constant 0 : i32
          %dma_wait3A_217 = tpu.memref_slice %arg3[%add3A_214, %dma_wait3A_215, %dma_wait3A_216] : memref<2500x2x128xi32, #tpu.memory_space<hbm>> -> memref<6x2x128xi32, #tpu.memory_space<hbm>>
          %dma_wait3A_218 = arith.constant 0 : i32
          %dma_wait3A_219 = arith.constant 0 : i32
          %dma_wait3A_220 = tpu.memref_slice %arg3[%add3A_214, %dma_wait3A_218, %dma_wait3A_219] : memref<2500x2x128xi32, #tpu.memory_space<hbm>> -> memref<6x2x128xi32, #tpu.memory_space<hbm>>
          tpu.wait_dma2 semaphore(%arg16 : memref<!tpu.dma_semaphore, #tpu.memory_space<semaphore_mem>>) src(%dma_wait3A_220 : memref<6x2x128xi32, #tpu.memory_space<hbm>>) dst(%arg6 : memref<6x2x128xi32, #tpu.memory_space<vmem>>)
          %dma_start3A_221 = arith.constant 0 : i32
          %dma_start3A_222 = arith.constant 0 : i32
          %dma_start3A_223 = arith.constant 0 : i32
          %dma_start3A_224 = tpu.memref_slice %arg6[%dma_start3A_221, %dma_start3A_222, %dma_start3A_223] : memref<6x2x128xi32, #tpu.memory_space<vmem>> -> memref<1x1x128xi32, #tpu.memory_space<vmem>>
          %dma_start3A_225 = tpu.memref_squeeze %dma_start3A_224 : memref<1x1x128xi32, #tpu.memory_space<vmem>> -> memref<128xi32, #tpu.memory_space<vmem>>
          %dma_start3A_226 = arith.constant 0 : i32
          %dma_start3A_227 = arith.constant 0 : i32
          %dma_start3A_228 = tpu.memref_slice %arg2[%dma_start3A_226, %dma_start3A_227] : memref<10000x128xf32, #tpu.memory_space<hbm>> -> memref<10000x128xf32, #tpu.memory_space<hbm>>
          tpu.enqueue_indirect_dma source(%dma_start3A_228 : memref<10000x128xf32, #tpu.memory_space<hbm>>) target(%arg9 : memref<128x128xf32, #tpu.memory_space<vmem>>) offsets(%dma_start3A_225 : memref<128xi32, #tpu.memory_space<vmem>>) semaphore(%arg15 : memref<!tpu.dma_semaphore, #tpu.memory_space<semaphore_mem>>)
        } else {
        }
        %run_scoped3A_201 = arith.constant 1 : i32
        "tpu.region"() ({
          %run_scoped3A_210 = tpu.sem_alloc : memref<!tpu.dma_semaphore, #tpu.memory_space<semaphore_mem>>
          %dma_start3A_211 = arith.constant 0 : i32
          %dma_start3A_212 = tpu.memref_slice %arg7[%add3A_183, %run_scoped3A_201, %dma_start3A_211] : memref<6x2x128xi32, #tpu.memory_space<vmem>> -> memref<1x1x128xi32, #tpu.memory_space<vmem>>
          %dma_start3A_213 = tpu.memref_squeeze %dma_start3A_212 : memref<1x1x128xi32, #tpu.memory_space<vmem>> -> memref<128xi32, #tpu.memory_space<vmem>>
          %dma_start3A_214 = arith.constant 0 : i32
          %dma_start3A_215 = tpu.memref_slice %arg13[%dma_start3A_214] : memref<10240xf32, #tpu.memory_space<vmem_shared>> -> memref<10240xf32, #tpu.memory_space<vmem_shared>>
          tpu.enqueue_indirect_dma source(%arg10 : memref<128xf32, #tpu.memory_space<vmem>>) target(%dma_start3A_215 : memref<10240xf32, #tpu.memory_space<vmem_shared>>) offsets(%dma_start3A_213 : memref<128xi32, #tpu.memory_space<vmem>>) semaphore(%run_scoped3A_210 : memref<!tpu.dma_semaphore, #tpu.memory_space<semaphore_mem>>) {add = true}
          %dma_wait3A_216 = arith.constant 0 : i32
          %dma_wait3A_217 = tpu.memref_slice %arg7[%add3A_183, %run_scoped3A_201, %dma_wait3A_216] : memref<6x2x128xi32, #tpu.memory_space<vmem>> -> memref<1x1x128xi32, #tpu.memory_space<vmem>>
          %dma_wait3A_218 = tpu.memref_squeeze %dma_wait3A_217 : memref<1x1x128xi32, #tpu.memory_space<vmem>> -> memref<128xi32, #tpu.memory_space<vmem>>
          %dma_wait3A_219 = arith.constant 0 : i32
          %dma_wait3A_220 = tpu.memref_slice %arg13[%dma_wait3A_219] : memref<10240xf32, #tpu.memory_space<vmem_shared>> -> memref<10240xf32, #tpu.memory_space<vmem_shared>>
          tpu.wait_indirect_dma semaphore(%run_scoped3A_210 : memref<!tpu.dma_semaphore, #tpu.memory_space<semaphore_mem>>) src(%arg10 : memref<128xf32, #tpu.memory_space<vmem>>) dst(%dma_wait3A_220 : memref<10240xf32, #tpu.memory_space<vmem_shared>>)
          tpu.yield
        }) : () -> ()
        %dma_wait3A_202 = arith.constant 0 : i32
        %dma_wait3A_203 = arith.constant 0 : i32
        %dma_wait3A_204 = tpu.memref_slice %arg7[%add3A_183, %dma_wait3A_202, %dma_wait3A_203] : memref<6x2x128xi32, #tpu.memory_space<vmem>> -> memref<1x1x128xi32, #tpu.memory_space<vmem>>
        %dma_wait3A_205 = tpu.memref_squeeze %dma_wait3A_204 : memref<1x1x128xi32, #tpu.memory_space<vmem>> -> memref<128xi32, #tpu.memory_space<vmem>>
        %dma_wait3A_206 = arith.constant 0 : i32
        %dma_wait3A_207 = arith.constant 0 : i32
        %dma_wait3A_208 = tpu.memref_slice %arg2[%dma_wait3A_206, %dma_wait3A_207] : memref<10000x128xf32, #tpu.memory_space<hbm>> -> memref<10000x128xf32, #tpu.memory_space<hbm>>
        tpu.wait_indirect_dma semaphore(%arg14 : memref<!tpu.dma_semaphore, #tpu.memory_space<semaphore_mem>>) src(%dma_wait3A_208 : memref<10000x128xf32, #tpu.memory_space<hbm>>) dst(%arg8 : memref<128x128xf32, #tpu.memory_space<vmem>>)
        %run_scoped3A_209 = arith.constant 1 : i32
        "tpu.region"() ({
          %run_scoped3A_210 = tpu.sem_alloc : memref<!tpu.dma_semaphore, #tpu.memory_space<semaphore_mem>>
          %dma_start3A_211 = arith.constant 0 : i32
          %dma_start3A_212 = tpu.memref_slice %arg7[%add3A_183, %run_scoped3A_209, %dma_start3A_211] : memref<6x2x128xi32, #tpu.memory_space<vmem>> -> memref<1x1x128xi32, #tpu.memory_space<vmem>>
          %dma_start3A_213 = tpu.memref_squeeze %dma_start3A_212 : memref<1x1x128xi32, #tpu.memory_space<vmem>> -> memref<128xi32, #tpu.memory_space<vmem>>
          %dma_start3A_214 = arith.constant 0 : i32
          %dma_start3A_215 = arith.constant 0 : i32
          %dma_start3A_216 = tpu.memref_slice %arg12[%dma_start3A_214, %dma_start3A_215] : memref<10240x128xf32, #tpu.memory_space<vmem_shared>> -> memref<10240x128xf32, #tpu.memory_space<vmem_shared>>
          tpu.enqueue_indirect_dma source(%arg8 : memref<128x128xf32, #tpu.memory_space<vmem>>) target(%dma_start3A_216 : memref<10240x128xf32, #tpu.memory_space<vmem_shared>>) offsets(%dma_start3A_213 : memref<128xi32, #tpu.memory_space<vmem>>) semaphore(%run_scoped3A_210 : memref<!tpu.dma_semaphore, #tpu.memory_space<semaphore_mem>>) {add = true}
          %dma_wait3A_217 = arith.constant 0 : i32
          %dma_wait3A_218 = tpu.memref_slice %arg7[%add3A_183, %run_scoped3A_209, %dma_wait3A_217] : memref<6x2x128xi32, #tpu.memory_space<vmem>> -> memref<1x1x128xi32, #tpu.memory_space<vmem>>
          %dma_wait3A_219 = tpu.memref_squeeze %dma_wait3A_218 : memref<1x1x128xi32, #tpu.memory_space<vmem>> -> memref<128xi32, #tpu.memory_space<vmem>>
          %dma_wait3A_220 = arith.constant 0 : i32
          %dma_wait3A_221 = arith.constant 0 : i32
          %dma_wait3A_222 = tpu.memref_slice %arg12[%dma_wait3A_220, %dma_wait3A_221] : memref<10240x128xf32, #tpu.memory_space<vmem_shared>> -> memref<10240x128xf32, #tpu.memory_space<vmem_shared>>
          tpu.wait_indirect_dma semaphore(%run_scoped3A_210 : memref<!tpu.dma_semaphore, #tpu.memory_space<semaphore_mem>>) src(%arg8 : memref<128x128xf32, #tpu.memory_space<vmem>>) dst(%dma_wait3A_222 : memref<10240x128xf32, #tpu.memory_space<vmem_shared>>)
          tpu.yield
        }) : () -> ()
      }
      %scan3A_152 = arith.constant 3 : i32
    }
    %scan3A_110 = arith.constant 6 : i32
    %scan3A_111 = arith.constant 0 : i32
    %scan3A_112 = arith.constant 0 : i32
    %scan3A_113 = arith.constant 3 : i32
    %scan3A_114 = arith.addi %scan3A_112, %scan3A_113 : i32
    %scan3A_115 = arith.constant 1 : i32
    scf.for %scan3A_120 = %scan3A_112 to %scan3A_114 step %scan3A_115  : i32 {
      %mul3A_121 = arith.constant 2 : i32
      %mul3A_122 = arith.muli %scan3A_120, %mul3A_121 : i32
      %add3A_123 = arith.constant 0 : i32
      %add3A_124 = arith.addi %mul3A_122, %add3A_123 : i32
      %add3A_125 = arith.constant 1 : i32
      %add3A_126 = arith.addi %add3A_124, %add3A_125 : i32
      %lt3A_127 = arith.constant 6 : i32
      %lt3A_128 = arith.cmpi slt, %add3A_126, %lt3A_127 : i32
      %convert_element_type3A_129 = arith.extui %lt3A_128 : i1 to i32
      %cond3A_130 = arith.constant 0 : i32
      %cond3A_131 = arith.cmpi ne, %convert_element_type3A_129, %cond3A_130 : i32
      scf.if %cond3A_131 {
        %dma_start3A_171 = arith.constant 0 : i32
        %dma_start3A_172 = arith.constant 0 : i32
        %dma_start3A_173 = tpu.memref_slice %arg6[%add3A_126, %dma_start3A_171, %dma_start3A_172] : memref<6x2x128xi32, #tpu.memory_space<vmem>> -> memref<1x1x128xi32, #tpu.memory_space<vmem>>
        %dma_start3A_174 = tpu.memref_squeeze %dma_start3A_173 : memref<1x1x128xi32, #tpu.memory_space<vmem>> -> memref<128xi32, #tpu.memory_space<vmem>>
        %dma_start3A_175 = arith.constant 0 : i32
        %dma_start3A_176 = arith.constant 0 : i32
        %dma_start3A_177 = tpu.memref_slice %arg2[%dma_start3A_175, %dma_start3A_176] : memref<10000x128xf32, #tpu.memory_space<hbm>> -> memref<10000x128xf32, #tpu.memory_space<hbm>>
        tpu.enqueue_indirect_dma source(%dma_start3A_177 : memref<10000x128xf32, #tpu.memory_space<hbm>>) target(%arg8 : memref<128x128xf32, #tpu.memory_space<vmem>>) offsets(%dma_start3A_174 : memref<128xi32, #tpu.memory_space<vmem>>) semaphore(%arg14 : memref<!tpu.dma_semaphore, #tpu.memory_space<semaphore_mem>>)
      } else {
      }
      %eq3A = arith.constant 6 : i32
      %eq3A_132 = arith.cmpi eq, %add3A_126, %eq3A : i32
      %and3A = arith.constant false
      %and3A_133 = arith.andi %eq3A_132, %and3A : i1
      %convert_element_type3A_134 = arith.extui %and3A_133 : i1 to i32
      %cond3A_135 = arith.constant 0 : i32
      %cond3A_136 = arith.cmpi ne, %convert_element_type3A_134, %cond3A_135 : i32
      scf.if %cond3A_136 {
        %add3A_171 = arith.constant 78 : i32
        %add3A_172 = arith.addi %add3A_6, %add3A_171 : i32
        %dma_wait3A_173 = arith.constant 0 : i32
        %dma_wait3A_174 = arith.constant 0 : i32
        %dma_wait3A_175 = tpu.memref_slice %arg3[%add3A_172, %dma_wait3A_173, %dma_wait3A_174] : memref<2500x2x128xi32, #tpu.memory_space<hbm>> -> memref<6x2x128xi32, #tpu.memory_space<hbm>>
        %dma_wait3A_176 = arith.constant 0 : i32
        %dma_wait3A_177 = arith.constant 0 : i32
        %dma_wait3A_178 = tpu.memref_slice %arg3[%add3A_172, %dma_wait3A_176, %dma_wait3A_177] : memref<2500x2x128xi32, #tpu.memory_space<hbm>> -> memref<6x2x128xi32, #tpu.memory_space<hbm>>
        tpu.wait_dma2 semaphore(%arg17 : memref<!tpu.dma_semaphore, #tpu.memory_space<semaphore_mem>>) src(%dma_wait3A_178 : memref<6x2x128xi32, #tpu.memory_space<hbm>>) dst(%arg7 : memref<6x2x128xi32, #tpu.memory_space<vmem>>)
        %dma_start3A_179 = arith.constant 0 : i32
        %dma_start3A_180 = arith.constant 0 : i32
        %dma_start3A_181 = arith.constant 0 : i32
        %dma_start3A_182 = tpu.memref_slice %arg7[%dma_start3A_179, %dma_start3A_180, %dma_start3A_181] : memref<6x2x128xi32, #tpu.memory_space<vmem>> -> memref<1x1x128xi32, #tpu.memory_space<vmem>>
        %dma_start3A_183 = tpu.memref_squeeze %dma_start3A_182 : memref<1x1x128xi32, #tpu.memory_space<vmem>> -> memref<128xi32, #tpu.memory_space<vmem>>
        %dma_start3A_184 = arith.constant 0 : i32
        %dma_start3A_185 = arith.constant 0 : i32
        %dma_start3A_186 = tpu.memref_slice %arg2[%dma_start3A_184, %dma_start3A_185] : memref<10000x128xf32, #tpu.memory_space<hbm>> -> memref<10000x128xf32, #tpu.memory_space<hbm>>
        tpu.enqueue_indirect_dma source(%dma_start3A_186 : memref<10000x128xf32, #tpu.memory_space<hbm>>) target(%arg8 : memref<128x128xf32, #tpu.memory_space<vmem>>) offsets(%dma_start3A_183 : memref<128xi32, #tpu.memory_space<vmem>>) semaphore(%arg14 : memref<!tpu.dma_semaphore, #tpu.memory_space<semaphore_mem>>)
      } else {
      }
      %run_scoped3A = arith.constant 1 : i32
      "tpu.region"() ({
        %run_scoped3A_171 = tpu.sem_alloc : memref<!tpu.dma_semaphore, #tpu.memory_space<semaphore_mem>>
        %dma_start3A_172 = arith.constant 0 : i32
        %dma_start3A_173 = tpu.memref_slice %arg6[%add3A_124, %run_scoped3A, %dma_start3A_172] : memref<6x2x128xi32, #tpu.memory_space<vmem>> -> memref<1x1x128xi32, #tpu.memory_space<vmem>>
        %dma_start3A_174 = tpu.memref_squeeze %dma_start3A_173 : memref<1x1x128xi32, #tpu.memory_space<vmem>> -> memref<128xi32, #tpu.memory_space<vmem>>
        %dma_start3A_175 = arith.constant 0 : i32
        %dma_start3A_176 = tpu.memref_slice %arg13[%dma_start3A_175] : memref<10240xf32, #tpu.memory_space<vmem_shared>> -> memref<10240xf32, #tpu.memory_space<vmem_shared>>
        tpu.enqueue_indirect_dma source(%arg10 : memref<128xf32, #tpu.memory_space<vmem>>) target(%dma_start3A_176 : memref<10240xf32, #tpu.memory_space<vmem_shared>>) offsets(%dma_start3A_174 : memref<128xi32, #tpu.memory_space<vmem>>) semaphore(%run_scoped3A_171 : memref<!tpu.dma_semaphore, #tpu.memory_space<semaphore_mem>>) {add = true}
        %dma_wait3A_177 = arith.constant 0 : i32
        %dma_wait3A_178 = tpu.memref_slice %arg6[%add3A_124, %run_scoped3A, %dma_wait3A_177] : memref<6x2x128xi32, #tpu.memory_space<vmem>> -> memref<1x1x128xi32, #tpu.memory_space<vmem>>
        %dma_wait3A_179 = tpu.memref_squeeze %dma_wait3A_178 : memref<1x1x128xi32, #tpu.memory_space<vmem>> -> memref<128xi32, #tpu.memory_space<vmem>>
        %dma_wait3A_180 = arith.constant 0 : i32
        %dma_wait3A_181 = tpu.memref_slice %arg13[%dma_wait3A_180] : memref<10240xf32, #tpu.memory_space<vmem_shared>> -> memref<10240xf32, #tpu.memory_space<vmem_shared>>
        tpu.wait_indirect_dma semaphore(%run_scoped3A_171 : memref<!tpu.dma_semaphore, #tpu.memory_space<semaphore_mem>>) src(%arg10 : memref<128xf32, #tpu.memory_space<vmem>>) dst(%dma_wait3A_181 : memref<10240xf32, #tpu.memory_space<vmem_shared>>)
        tpu.yield
      }) : () -> ()
      %dma_wait3A = arith.constant 0 : i32
      %dma_wait3A_137 = arith.constant 0 : i32
      %dma_wait3A_138 = tpu.memref_slice %arg6[%add3A_124, %dma_wait3A, %dma_wait3A_137] : memref<6x2x128xi32, #tpu.memory_space<vmem>> -> memref<1x1x128xi32, #tpu.memory_space<vmem>>
      %dma_wait3A_139 = tpu.memref_squeeze %dma_wait3A_138 : memref<1x1x128xi32, #tpu.memory_space<vmem>> -> memref<128xi32, #tpu.memory_space<vmem>>
      %dma_wait3A_140 = arith.constant 0 : i32
      %dma_wait3A_141 = arith.constant 0 : i32
      %dma_wait3A_142 = tpu.memref_slice %arg2[%dma_wait3A_140, %dma_wait3A_141] : memref<10000x128xf32, #tpu.memory_space<hbm>> -> memref<10000x128xf32, #tpu.memory_space<hbm>>
      tpu.wait_indirect_dma semaphore(%arg15 : memref<!tpu.dma_semaphore, #tpu.memory_space<semaphore_mem>>) src(%dma_wait3A_142 : memref<10000x128xf32, #tpu.memory_space<hbm>>) dst(%arg9 : memref<128x128xf32, #tpu.memory_space<vmem>>)
      %run_scoped3A_143 = arith.constant 1 : i32
      "tpu.region"() ({
        %run_scoped3A_171 = tpu.sem_alloc : memref<!tpu.dma_semaphore, #tpu.memory_space<semaphore_mem>>
        %dma_start3A_172 = arith.constant 0 : i32
        %dma_start3A_173 = tpu.memref_slice %arg6[%add3A_124, %run_scoped3A_143, %dma_start3A_172] : memref<6x2x128xi32, #tpu.memory_space<vmem>> -> memref<1x1x128xi32, #tpu.memory_space<vmem>>
        %dma_start3A_174 = tpu.memref_squeeze %dma_start3A_173 : memref<1x1x128xi32, #tpu.memory_space<vmem>> -> memref<128xi32, #tpu.memory_space<vmem>>
        %dma_start3A_175 = arith.constant 0 : i32
        %dma_start3A_176 = arith.constant 0 : i32
        %dma_start3A_177 = tpu.memref_slice %arg12[%dma_start3A_175, %dma_start3A_176] : memref<10240x128xf32, #tpu.memory_space<vmem_shared>> -> memref<10240x128xf32, #tpu.memory_space<vmem_shared>>
        tpu.enqueue_indirect_dma source(%arg9 : memref<128x128xf32, #tpu.memory_space<vmem>>) target(%dma_start3A_177 : memref<10240x128xf32, #tpu.memory_space<vmem_shared>>) offsets(%dma_start3A_174 : memref<128xi32, #tpu.memory_space<vmem>>) semaphore(%run_scoped3A_171 : memref<!tpu.dma_semaphore, #tpu.memory_space<semaphore_mem>>) {add = true}
        %dma_wait3A_178 = arith.constant 0 : i32
        %dma_wait3A_179 = tpu.memref_slice %arg6[%add3A_124, %run_scoped3A_143, %dma_wait3A_178] : memref<6x2x128xi32, #tpu.memory_space<vmem>> -> memref<1x1x128xi32, #tpu.memory_space<vmem>>
        %dma_wait3A_180 = tpu.memref_squeeze %dma_wait3A_179 : memref<1x1x128xi32, #tpu.memory_space<vmem>> -> memref<128xi32, #tpu.memory_space<vmem>>
        %dma_wait3A_181 = arith.constant 0 : i32
        %dma_wait3A_182 = arith.constant 0 : i32
        %dma_wait3A_183 = tpu.memref_slice %arg12[%dma_wait3A_181, %dma_wait3A_182] : memref<10240x128xf32, #tpu.memory_space<vmem_shared>> -> memref<10240x128xf32, #tpu.memory_space<vmem_shared>>
        tpu.wait_indirect_dma semaphore(%run_scoped3A_171 : memref<!tpu.dma_semaphore, #tpu.memory_space<semaphore_mem>>) src(%arg9 : memref<128x128xf32, #tpu.memory_space<vmem>>) dst(%dma_wait3A_183 : memref<10240x128xf32, #tpu.memory_space<vmem_shared>>)
        tpu.yield
      }) : () -> ()
      %mul3A_144 = arith.constant 2 : i32
      %mul3A_145 = arith.muli %scan3A_120, %mul3A_144 : i32
      %add3A_146 = arith.constant 1 : i32
      %add3A_147 = arith.addi %mul3A_145, %add3A_146 : i32
      %add3A_148 = arith.constant 1 : i32
      %add3A_149 = arith.addi %add3A_147, %add3A_148 : i32
      %lt3A_150 = arith.constant 6 : i32
      %lt3A_151 = arith.cmpi slt, %add3A_149, %lt3A_150 : i32
      %convert_element_type3A_152 = arith.extui %lt3A_151 : i1 to i32
      %cond3A_153 = arith.constant 0 : i32
      %cond3A_154 = arith.cmpi ne, %convert_element_type3A_152, %cond3A_153 : i32
      scf.if %cond3A_154 {
        %dma_start3A_171 = arith.constant 0 : i32
        %dma_start3A_172 = arith.constant 0 : i32
        %dma_start3A_173 = tpu.memref_slice %arg6[%add3A_149, %dma_start3A_171, %dma_start3A_172] : memref<6x2x128xi32, #tpu.memory_space<vmem>> -> memref<1x1x128xi32, #tpu.memory_space<vmem>>
        %dma_start3A_174 = tpu.memref_squeeze %dma_start3A_173 : memref<1x1x128xi32, #tpu.memory_space<vmem>> -> memref<128xi32, #tpu.memory_space<vmem>>
        %dma_start3A_175 = arith.constant 0 : i32
        %dma_start3A_176 = arith.constant 0 : i32
        %dma_start3A_177 = tpu.memref_slice %arg2[%dma_start3A_175, %dma_start3A_176] : memref<10000x128xf32, #tpu.memory_space<hbm>> -> memref<10000x128xf32, #tpu.memory_space<hbm>>
        tpu.enqueue_indirect_dma source(%dma_start3A_177 : memref<10000x128xf32, #tpu.memory_space<hbm>>) target(%arg9 : memref<128x128xf32, #tpu.memory_space<vmem>>) offsets(%dma_start3A_174 : memref<128xi32, #tpu.memory_space<vmem>>) semaphore(%arg15 : memref<!tpu.dma_semaphore, #tpu.memory_space<semaphore_mem>>)
      } else {
      }
      %eq3A_155 = arith.constant 6 : i32
      %eq3A_156 = arith.cmpi eq, %add3A_149, %eq3A_155 : i32
      %and3A_157 = arith.constant false
      %and3A_158 = arith.andi %eq3A_156, %and3A_157 : i1
      %convert_element_type3A_159 = arith.extui %and3A_158 : i1 to i32
      %cond3A_160 = arith.constant 0 : i32
      %cond3A_161 = arith.cmpi ne, %convert_element_type3A_159, %cond3A_160 : i32
      scf.if %cond3A_161 {
        %add3A_171 = arith.constant 78 : i32
        %add3A_172 = arith.addi %add3A_6, %add3A_171 : i32
        %dma_wait3A_173 = arith.constant 0 : i32
        %dma_wait3A_174 = arith.constant 0 : i32
        %dma_wait3A_175 = tpu.memref_slice %arg3[%add3A_172, %dma_wait3A_173, %dma_wait3A_174] : memref<2500x2x128xi32, #tpu.memory_space<hbm>> -> memref<6x2x128xi32, #tpu.memory_space<hbm>>
        %dma_wait3A_176 = arith.constant 0 : i32
        %dma_wait3A_177 = arith.constant 0 : i32
        %dma_wait3A_178 = tpu.memref_slice %arg3[%add3A_172, %dma_wait3A_176, %dma_wait3A_177] : memref<2500x2x128xi32, #tpu.memory_space<hbm>> -> memref<6x2x128xi32, #tpu.memory_space<hbm>>
        tpu.wait_dma2 semaphore(%arg17 : memref<!tpu.dma_semaphore, #tpu.memory_space<semaphore_mem>>) src(%dma_wait3A_178 : memref<6x2x128xi32, #tpu.memory_space<hbm>>) dst(%arg7 : memref<6x2x128xi32, #tpu.memory_space<vmem>>)
        %dma_start3A_179 = arith.constant 0 : i32
        %dma_start3A_180 = arith.constant 0 : i32
        %dma_start3A_181 = arith.constant 0 : i32
        %dma_start3A_182 = tpu.memref_slice %arg7[%dma_start3A_179, %dma_start3A_180, %dma_start3A_181] : memref<6x2x128xi32, #tpu.memory_space<vmem>> -> memref<1x1x128xi32, #tpu.memory_space<vmem>>
        %dma_start3A_183 = tpu.memref_squeeze %dma_start3A_182 : memref<1x1x128xi32, #tpu.memory_space<vmem>> -> memref<128xi32, #tpu.memory_space<vmem>>
        %dma_start3A_184 = arith.constant 0 : i32
        %dma_start3A_185 = arith.constant 0 : i32
        %dma_start3A_186 = tpu.memref_slice %arg2[%dma_start3A_184, %dma_start3A_185] : memref<10000x128xf32, #tpu.memory_space<hbm>> -> memref<10000x128xf32, #tpu.memory_space<hbm>>
        tpu.enqueue_indirect_dma source(%dma_start3A_186 : memref<10000x128xf32, #tpu.memory_space<hbm>>) target(%arg9 : memref<128x128xf32, #tpu.memory_space<vmem>>) offsets(%dma_start3A_183 : memref<128xi32, #tpu.memory_space<vmem>>) semaphore(%arg15 : memref<!tpu.dma_semaphore, #tpu.memory_space<semaphore_mem>>)
      } else {
      }
      %run_scoped3A_162 = arith.constant 1 : i32
      "tpu.region"() ({
        %run_scoped3A_171 = tpu.sem_alloc : memref<!tpu.dma_semaphore, #tpu.memory_space<semaphore_mem>>
        %dma_start3A_172 = arith.constant 0 : i32
        %dma_start3A_173 = tpu.memref_slice %arg6[%add3A_147, %run_scoped3A_162, %dma_start3A_172] : memref<6x2x128xi32, #tpu.memory_space<vmem>> -> memref<1x1x128xi32, #tpu.memory_space<vmem>>
        %dma_start3A_174 = tpu.memref_squeeze %dma_start3A_173 : memref<1x1x128xi32, #tpu.memory_space<vmem>> -> memref<128xi32, #tpu.memory_space<vmem>>
        %dma_start3A_175 = arith.constant 0 : i32
        %dma_start3A_176 = tpu.memref_slice %arg13[%dma_start3A_175] : memref<10240xf32, #tpu.memory_space<vmem_shared>> -> memref<10240xf32, #tpu.memory_space<vmem_shared>>
        tpu.enqueue_indirect_dma source(%arg10 : memref<128xf32, #tpu.memory_space<vmem>>) target(%dma_start3A_176 : memref<10240xf32, #tpu.memory_space<vmem_shared>>) offsets(%dma_start3A_174 : memref<128xi32, #tpu.memory_space<vmem>>) semaphore(%run_scoped3A_171 : memref<!tpu.dma_semaphore, #tpu.memory_space<semaphore_mem>>) {add = true}
        %dma_wait3A_177 = arith.constant 0 : i32
        %dma_wait3A_178 = tpu.memref_slice %arg6[%add3A_147, %run_scoped3A_162, %dma_wait3A_177] : memref<6x2x128xi32, #tpu.memory_space<vmem>> -> memref<1x1x128xi32, #tpu.memory_space<vmem>>
        %dma_wait3A_179 = tpu.memref_squeeze %dma_wait3A_178 : memref<1x1x128xi32, #tpu.memory_space<vmem>> -> memref<128xi32, #tpu.memory_space<vmem>>
        %dma_wait3A_180 = arith.constant 0 : i32
        %dma_wait3A_181 = tpu.memref_slice %arg13[%dma_wait3A_180] : memref<10240xf32, #tpu.memory_space<vmem_shared>> -> memref<10240xf32, #tpu.memory_space<vmem_shared>>
        tpu.wait_indirect_dma semaphore(%run_scoped3A_171 : memref<!tpu.dma_semaphore, #tpu.memory_space<semaphore_mem>>) src(%arg10 : memref<128xf32, #tpu.memory_space<vmem>>) dst(%dma_wait3A_181 : memref<10240xf32, #tpu.memory_space<vmem_shared>>)
        tpu.yield
      }) : () -> ()
      %dma_wait3A_163 = arith.constant 0 : i32
      %dma_wait3A_164 = arith.constant 0 : i32
      %dma_wait3A_165 = tpu.memref_slice %arg6[%add3A_147, %dma_wait3A_163, %dma_wait3A_164] : memref<6x2x128xi32, #tpu.memory_space<vmem>> -> memref<1x1x128xi32, #tpu.memory_space<vmem>>
      %dma_wait3A_166 = tpu.memref_squeeze %dma_wait3A_165 : memref<1x1x128xi32, #tpu.memory_space<vmem>> -> memref<128xi32, #tpu.memory_space<vmem>>
      %dma_wait3A_167 = arith.constant 0 : i32
      %dma_wait3A_168 = arith.constant 0 : i32
      %dma_wait3A_169 = tpu.memref_slice %arg2[%dma_wait3A_167, %dma_wait3A_168] : memref<10000x128xf32, #tpu.memory_space<hbm>> -> memref<10000x128xf32, #tpu.memory_space<hbm>>
      tpu.wait_indirect_dma semaphore(%arg14 : memref<!tpu.dma_semaphore, #tpu.memory_space<semaphore_mem>>) src(%dma_wait3A_169 : memref<10000x128xf32, #tpu.memory_space<hbm>>) dst(%arg8 : memref<128x128xf32, #tpu.memory_space<vmem>>)
      %run_scoped3A_170 = arith.constant 1 : i32
      "tpu.region"() ({
        %run_scoped3A_171 = tpu.sem_alloc : memref<!tpu.dma_semaphore, #tpu.memory_space<semaphore_mem>>
        %dma_start3A_172 = arith.constant 0 : i32
        %dma_start3A_173 = tpu.memref_slice %arg6[%add3A_147, %run_scoped3A_170, %dma_start3A_172] : memref<6x2x128xi32, #tpu.memory_space<vmem>> -> memref<1x1x128xi32, #tpu.memory_space<vmem>>
        %dma_start3A_174 = tpu.memref_squeeze %dma_start3A_173 : memref<1x1x128xi32, #tpu.memory_space<vmem>> -> memref<128xi32, #tpu.memory_space<vmem>>
        %dma_start3A_175 = arith.constant 0 : i32
        %dma_start3A_176 = arith.constant 0 : i32
        %dma_start3A_177 = tpu.memref_slice %arg12[%dma_start3A_175, %dma_start3A_176] : memref<10240x128xf32, #tpu.memory_space<vmem_shared>> -> memref<10240x128xf32, #tpu.memory_space<vmem_shared>>
        tpu.enqueue_indirect_dma source(%arg8 : memref<128x128xf32, #tpu.memory_space<vmem>>) target(%dma_start3A_177 : memref<10240x128xf32, #tpu.memory_space<vmem_shared>>) offsets(%dma_start3A_174 : memref<128xi32, #tpu.memory_space<vmem>>) semaphore(%run_scoped3A_171 : memref<!tpu.dma_semaphore, #tpu.memory_space<semaphore_mem>>) {add = true}
        %dma_wait3A_178 = arith.constant 0 : i32
        %dma_wait3A_179 = tpu.memref_slice %arg6[%add3A_147, %run_scoped3A_170, %dma_wait3A_178] : memref<6x2x128xi32, #tpu.memory_space<vmem>> -> memref<1x1x128xi32, #tpu.memory_space<vmem>>
        %dma_wait3A_180 = tpu.memref_squeeze %dma_wait3A_179 : memref<1x1x128xi32, #tpu.memory_space<vmem>> -> memref<128xi32, #tpu.memory_space<vmem>>
        %dma_wait3A_181 = arith.constant 0 : i32
        %dma_wait3A_182 = arith.constant 0 : i32
        %dma_wait3A_183 = tpu.memref_slice %arg12[%dma_wait3A_181, %dma_wait3A_182] : memref<10240x128xf32, #tpu.memory_space<vmem_shared>> -> memref<10240x128xf32, #tpu.memory_space<vmem_shared>>
        tpu.wait_indirect_dma semaphore(%run_scoped3A_171 : memref<!tpu.dma_semaphore, #tpu.memory_space<semaphore_mem>>) src(%arg8 : memref<128x128xf32, #tpu.memory_space<vmem>>) dst(%dma_wait3A_183 : memref<10240x128xf32, #tpu.memory_space<vmem_shared>>)
        tpu.yield
      }) : () -> ()
    }
    %scan3A_116 = arith.constant 3 : i32
    %lt3A = arith.constant 4 : i32
    %lt3A_117 = arith.cmpi slt, %add3A, %lt3A : i32
    %convert_element_type3A = arith.extui %lt3A_117 : i1 to i32
    %cond3A = arith.constant 0 : i32
    %cond3A_118 = arith.cmpi ne, %convert_element_type3A, %cond3A : i32
    scf.if %cond3A_118 {
      %add3A_120 = arith.constant 78 : i32
      %add3A_121 = arith.addi %add3A_6, %add3A_120 : i32
      "tpu.region"() ({
        %run_scoped3A_140 = tpu.sem_alloc : memref<!tpu.dma_semaphore, #tpu.memory_space<semaphore_mem>>
        %dma_start3A_141 = arith.constant 0 : i32
        %dma_start3A_142 = arith.constant 0 : i32
        %dma_start3A_143 = arith.constant 0 : i32
        %dma_start3A_144 = tpu.memref_slice %arg7[%dma_start3A_141, %dma_start3A_142, %dma_start3A_143] : memref<6x2x128xi32, #tpu.memory_space<vmem>> -> memref<1x2x128xi32, #tpu.memory_space<vmem>>
        %dma_start3A_145 = arith.constant 0 : i32
        %dma_start3A_146 = arith.constant 0 : i32
        %dma_start3A_147 = tpu.memref_slice %arg3[%add3A_121, %dma_start3A_145, %dma_start3A_146] : memref<2500x2x128xi32, #tpu.memory_space<hbm>> -> memref<1x2x128xi32, #tpu.memory_space<hbm>>
        %dma_start3A_148 = arith.constant 0 : i32
        %dma_start3A_149 = arith.constant 0 : i32
        %dma_start3A_150 = arith.constant 0 : i32
        %dma_start3A_151 = tpu.memref_slice %arg7[%dma_start3A_148, %dma_start3A_149, %dma_start3A_150] : memref<6x2x128xi32, #tpu.memory_space<vmem>> -> memref<1x2x128xi32, #tpu.memory_space<vmem>>
        %dma_start3A_152 = arith.constant 0 : i32
        %dma_start3A_153 = arith.constant 0 : i32
        %dma_start3A_154 = tpu.memref_slice %arg3[%add3A_121, %dma_start3A_152, %dma_start3A_153] : memref<2500x2x128xi32, #tpu.memory_space<hbm>> -> memref<1x2x128xi32, #tpu.memory_space<hbm>>
        tpu.enqueue_dma source(%dma_start3A_154 : memref<1x2x128xi32, #tpu.memory_space<hbm>>) target(%dma_start3A_151 : memref<1x2x128xi32, #tpu.memory_space<vmem>>) target_semaphore(%run_scoped3A_140 : memref<!tpu.dma_semaphore, #tpu.memory_space<semaphore_mem>>)
        %dma_wait3A_155 = arith.constant 0 : i32
        %dma_wait3A_156 = arith.constant 0 : i32
        %dma_wait3A_157 = arith.constant 0 : i32
        %dma_wait3A_158 = tpu.memref_slice %arg7[%dma_wait3A_155, %dma_wait3A_156, %dma_wait3A_157] : memref<6x2x128xi32, #tpu.memory_space<vmem>> -> memref<1x2x128xi32, #tpu.memory_space<vmem>>
        %dma_wait3A_159 = arith.constant 0 : i32
        %dma_wait3A_160 = arith.constant 0 : i32
        %dma_wait3A_161 = tpu.memref_slice %arg3[%add3A_121, %dma_wait3A_159, %dma_wait3A_160] : memref<2500x2x128xi32, #tpu.memory_space<hbm>> -> memref<1x2x128xi32, #tpu.memory_space<hbm>>
        %dma_wait3A_162 = arith.constant 0 : i32
        %dma_wait3A_163 = arith.constant 0 : i32
        %dma_wait3A_164 = arith.constant 0 : i32
        %dma_wait3A_165 = tpu.memref_slice %arg7[%dma_wait3A_162, %dma_wait3A_163, %dma_wait3A_164] : memref<6x2x128xi32, #tpu.memory_space<vmem>> -> memref<1x2x128xi32, #tpu.memory_space<vmem>>
        %dma_wait3A_166 = arith.constant 0 : i32
        %dma_wait3A_167 = arith.constant 0 : i32
        %dma_wait3A_168 = tpu.memref_slice %arg3[%add3A_121, %dma_wait3A_166, %dma_wait3A_167] : memref<2500x2x128xi32, #tpu.memory_space<hbm>> -> memref<1x2x128xi32, #tpu.memory_space<hbm>>
        tpu.wait_dma2 semaphore(%run_scoped3A_140 : memref<!tpu.dma_semaphore, #tpu.memory_space<semaphore_mem>>) src(%dma_wait3A_168 : memref<1x2x128xi32, #tpu.memory_space<hbm>>) dst(%dma_wait3A_165 : memref<1x2x128xi32, #tpu.memory_space<vmem>>)
        tpu.yield
      }) : () -> ()
      %dma_start3A_122 = arith.constant 0 : i32
      %dma_start3A_123 = arith.constant 0 : i32
      %dma_start3A_124 = arith.constant 0 : i32
      %dma_start3A_125 = tpu.memref_slice %arg7[%dma_start3A_122, %dma_start3A_123, %dma_start3A_124] : memref<6x2x128xi32, #tpu.memory_space<vmem>> -> memref<1x1x128xi32, #tpu.memory_space<vmem>>
      %dma_start3A_126 = tpu.memref_squeeze %dma_start3A_125 : memref<1x1x128xi32, #tpu.memory_space<vmem>> -> memref<128xi32, #tpu.memory_space<vmem>>
      %dma_start3A_127 = arith.constant 0 : i32
      %dma_start3A_128 = arith.constant 0 : i32
      %dma_start3A_129 = tpu.memref_slice %arg2[%dma_start3A_127, %dma_start3A_128] : memref<10000x128xf32, #tpu.memory_space<hbm>> -> memref<10000x128xf32, #tpu.memory_space<hbm>>
      tpu.enqueue_indirect_dma source(%dma_start3A_129 : memref<10000x128xf32, #tpu.memory_space<hbm>>) target(%arg8 : memref<128x128xf32, #tpu.memory_space<vmem>>) offsets(%dma_start3A_126 : memref<128xi32, #tpu.memory_space<vmem>>) semaphore(%arg14 : memref<!tpu.dma_semaphore, #tpu.memory_space<semaphore_mem>>)
      %dma_wait3A = arith.constant 0 : i32
      %dma_wait3A_130 = arith.constant 0 : i32
      %dma_wait3A_131 = arith.constant 0 : i32
      %dma_wait3A_132 = tpu.memref_slice %arg7[%dma_wait3A, %dma_wait3A_130, %dma_wait3A_131] : memref<6x2x128xi32, #tpu.memory_space<vmem>> -> memref<1x1x128xi32, #tpu.memory_space<vmem>>
      %dma_wait3A_133 = tpu.memref_squeeze %dma_wait3A_132 : memref<1x1x128xi32, #tpu.memory_space<vmem>> -> memref<128xi32, #tpu.memory_space<vmem>>
      %dma_wait3A_134 = arith.constant 0 : i32
      %dma_wait3A_135 = arith.constant 0 : i32
      %dma_wait3A_136 = tpu.memref_slice %arg2[%dma_wait3A_134, %dma_wait3A_135] : memref<10000x128xf32, #tpu.memory_space<hbm>> -> memref<10000x128xf32, #tpu.memory_space<hbm>>
      tpu.wait_indirect_dma semaphore(%arg14 : memref<!tpu.dma_semaphore, #tpu.memory_space<semaphore_mem>>) src(%dma_wait3A_136 : memref<10000x128xf32, #tpu.memory_space<hbm>>) dst(%arg8 : memref<128x128xf32, #tpu.memory_space<vmem>>)
      %run_scoped3A = arith.constant 0 : i32
      %run_scoped3A_137 = arith.constant 1 : i32
      "tpu.region"() ({
        %run_scoped3A_140 = tpu.sem_alloc : memref<!tpu.dma_semaphore, #tpu.memory_space<semaphore_mem>>
        %dma_start3A_141 = arith.constant 0 : i32
        %dma_start3A_142 = tpu.memref_slice %arg7[%run_scoped3A, %run_scoped3A_137, %dma_start3A_141] : memref<6x2x128xi32, #tpu.memory_space<vmem>> -> memref<1x1x128xi32, #tpu.memory_space<vmem>>
        %dma_start3A_143 = tpu.memref_squeeze %dma_start3A_142 : memref<1x1x128xi32, #tpu.memory_space<vmem>> -> memref<128xi32, #tpu.memory_space<vmem>>
        %dma_start3A_144 = arith.constant 0 : i32
        %dma_start3A_145 = arith.constant 0 : i32
        %dma_start3A_146 = tpu.memref_slice %arg12[%dma_start3A_144, %dma_start3A_145] : memref<10240x128xf32, #tpu.memory_space<vmem_shared>> -> memref<10240x128xf32, #tpu.memory_space<vmem_shared>>
        tpu.enqueue_indirect_dma source(%arg8 : memref<128x128xf32, #tpu.memory_space<vmem>>) target(%dma_start3A_146 : memref<10240x128xf32, #tpu.memory_space<vmem_shared>>) offsets(%dma_start3A_143 : memref<128xi32, #tpu.memory_space<vmem>>) semaphore(%run_scoped3A_140 : memref<!tpu.dma_semaphore, #tpu.memory_space<semaphore_mem>>) {add = true}
        %dma_wait3A_147 = arith.constant 0 : i32
        %dma_wait3A_148 = tpu.memref_slice %arg7[%run_scoped3A, %run_scoped3A_137, %dma_wait3A_147] : memref<6x2x128xi32, #tpu.memory_space<vmem>> -> memref<1x1x128xi32, #tpu.memory_space<vmem>>
        %dma_wait3A_149 = tpu.memref_squeeze %dma_wait3A_148 : memref<1x1x128xi32, #tpu.memory_space<vmem>> -> memref<128xi32, #tpu.memory_space<vmem>>
        %dma_wait3A_150 = arith.constant 0 : i32
        %dma_wait3A_151 = arith.constant 0 : i32
        %dma_wait3A_152 = tpu.memref_slice %arg12[%dma_wait3A_150, %dma_wait3A_151] : memref<10240x128xf32, #tpu.memory_space<vmem_shared>> -> memref<10240x128xf32, #tpu.memory_space<vmem_shared>>
        tpu.wait_indirect_dma semaphore(%run_scoped3A_140 : memref<!tpu.dma_semaphore, #tpu.memory_space<semaphore_mem>>) src(%arg8 : memref<128x128xf32, #tpu.memory_space<vmem>>) dst(%dma_wait3A_152 : memref<10240x128xf32, #tpu.memory_space<vmem_shared>>)
        tpu.yield
      }) : () -> ()
      %run_scoped3A_138 = arith.constant 0 : i32
      %run_scoped3A_139 = arith.constant 1 : i32
      "tpu.region"() ({
        %run_scoped3A_140 = tpu.sem_alloc : memref<!tpu.dma_semaphore, #tpu.memory_space<semaphore_mem>>
        %dma_start3A_141 = arith.constant 0 : i32
        %dma_start3A_142 = tpu.memref_slice %arg7[%run_scoped3A_138, %run_scoped3A_139, %dma_start3A_141] : memref<6x2x128xi32, #tpu.memory_space<vmem>> -> memref<1x1x128xi32, #tpu.memory_space<vmem>>
        %dma_start3A_143 = tpu.memref_squeeze %dma_start3A_142 : memref<1x1x128xi32, #tpu.memory_space<vmem>> -> memref<128xi32, #tpu.memory_space<vmem>>
        %dma_start3A_144 = arith.constant 0 : i32
        %dma_start3A_145 = tpu.memref_slice %arg13[%dma_start3A_144] : memref<10240xf32, #tpu.memory_space<vmem_shared>> -> memref<10240xf32, #tpu.memory_space<vmem_shared>>
        tpu.enqueue_indirect_dma source(%arg10 : memref<128xf32, #tpu.memory_space<vmem>>) target(%dma_start3A_145 : memref<10240xf32, #tpu.memory_space<vmem_shared>>) offsets(%dma_start3A_143 : memref<128xi32, #tpu.memory_space<vmem>>) semaphore(%run_scoped3A_140 : memref<!tpu.dma_semaphore, #tpu.memory_space<semaphore_mem>>) {add = true}
        %dma_wait3A_146 = arith.constant 0 : i32
        %dma_wait3A_147 = tpu.memref_slice %arg7[%run_scoped3A_138, %run_scoped3A_139, %dma_wait3A_146] : memref<6x2x128xi32, #tpu.memory_space<vmem>> -> memref<1x1x128xi32, #tpu.memory_space<vmem>>
        %dma_wait3A_148 = tpu.memref_squeeze %dma_wait3A_147 : memref<1x1x128xi32, #tpu.memory_space<vmem>> -> memref<128xi32, #tpu.memory_space<vmem>>
        %dma_wait3A_149 = arith.constant 0 : i32
        %dma_wait3A_150 = tpu.memref_slice %arg13[%dma_wait3A_149] : memref<10240xf32, #tpu.memory_space<vmem_shared>> -> memref<10240xf32, #tpu.memory_space<vmem_shared>>
        tpu.wait_indirect_dma semaphore(%run_scoped3A_140 : memref<!tpu.dma_semaphore, #tpu.memory_space<semaphore_mem>>) src(%arg10 : memref<128xf32, #tpu.memory_space<vmem>>) dst(%dma_wait3A_150 : memref<10240xf32, #tpu.memory_space<vmem_shared>>)
        tpu.yield
      }) : () -> ()
    } else {
    }
    %barrier3A_119 = arith.constant 0 : index
    tpu.barrier barrier_id(%barrier3A_119)
    "tpu.region"() ({
      %run_scoped3A = tpu.sem_alloc : memref<!tpu.dma_semaphore, #tpu.memory_space<semaphore_mem>>
      %dma_start3A_120 = arith.constant 0 : i32
      %dma_start3A_121 = tpu.memref_slice %arg4[%arg0, %mul3A_2, %dma_start3A_120] : memref<2x10240x128xf32, #tpu.memory_space<hbm>> -> memref<1x640x128xf32, #tpu.memory_space<hbm>>
      %dma_start3A_122 = tpu.memref_squeeze %dma_start3A_121 : memref<1x640x128xf32, #tpu.memory_space<hbm>> -> memref<640x128xf32, #tpu.memory_space<hbm>>
      %dma_start3A_123 = arith.constant 0 : i32
      %dma_start3A_124 = tpu.memref_slice %arg12[%mul3A_2, %dma_start3A_123] : memref<10240x128xf32, #tpu.memory_space<vmem_shared>> -> memref<640x128xf32, #tpu.memory_space<vmem_shared>>
      tpu.enqueue_dma source(%dma_start3A_124 : memref<640x128xf32, #tpu.memory_space<vmem_shared>>) target(%dma_start3A_122 : memref<640x128xf32, #tpu.memory_space<hbm>>) target_semaphore(%run_scoped3A : memref<!tpu.dma_semaphore, #tpu.memory_space<semaphore_mem>>)
      %dma_wait3A = arith.constant 0 : i32
      %dma_wait3A_125 = tpu.memref_slice %arg4[%arg0, %mul3A_2, %dma_wait3A] : memref<2x10240x128xf32, #tpu.memory_space<hbm>> -> memref<1x640x128xf32, #tpu.memory_space<hbm>>
      %dma_wait3A_126 = tpu.memref_squeeze %dma_wait3A_125 : memref<1x640x128xf32, #tpu.memory_space<hbm>> -> memref<640x128xf32, #tpu.memory_space<hbm>>
      %dma_wait3A_127 = arith.constant 0 : i32
      %dma_wait3A_128 = tpu.memref_slice %arg12[%mul3A_2, %dma_wait3A_127] : memref<10240x128xf32, #tpu.memory_space<vmem_shared>> -> memref<640x128xf32, #tpu.memory_space<vmem_shared>>
      tpu.wait_dma2 semaphore(%run_scoped3A : memref<!tpu.dma_semaphore, #tpu.memory_space<semaphore_mem>>) src(%dma_wait3A_128 : memref<640x128xf32, #tpu.memory_space<vmem_shared>>) dst(%dma_wait3A_126 : memref<640x128xf32, #tpu.memory_space<hbm>>)
      tpu.yield
    }) : () -> ()
    "tpu.region"() ({
      %run_scoped3A = tpu.sem_alloc : memref<!tpu.dma_semaphore, #tpu.memory_space<semaphore_mem>>
      %dma_start3A_120 = tpu.memref_slice %arg5[%arg0, %mul3A_2] : memref<2x10240xf32, #tpu.memory_space<hbm>> -> memref<1x640xf32, #tpu.memory_space<hbm>>
      %dma_start3A_121 = tpu.memref_squeeze %dma_start3A_120 : memref<1x640xf32, #tpu.memory_space<hbm>> -> memref<640xf32, #tpu.memory_space<hbm>>
      %dma_start3A_122 = tpu.memref_slice %arg13[%mul3A_2] : memref<10240xf32, #tpu.memory_space<vmem_shared>> -> memref<640xf32, #tpu.memory_space<vmem_shared>>
      tpu.enqueue_dma source(%dma_start3A_122 : memref<640xf32, #tpu.memory_space<vmem_shared>>) target(%dma_start3A_121 : memref<640xf32, #tpu.memory_space<hbm>>) target_semaphore(%run_scoped3A : memref<!tpu.dma_semaphore, #tpu.memory_space<semaphore_mem>>)
      %dma_wait3A = tpu.memref_slice %arg5[%arg0, %mul3A_2] : memref<2x10240xf32, #tpu.memory_space<hbm>> -> memref<1x640xf32, #tpu.memory_space<hbm>>
      %dma_wait3A_123 = tpu.memref_squeeze %dma_wait3A : memref<1x640xf32, #tpu.memory_space<hbm>> -> memref<640xf32, #tpu.memory_space<hbm>>
      %dma_wait3A_124 = tpu.memref_slice %arg13[%mul3A_2] : memref<10240xf32, #tpu.memory_space<vmem_shared>> -> memref<640xf32, #tpu.memory_space<vmem_shared>>
      tpu.wait_dma2 semaphore(%run_scoped3A : memref<!tpu.dma_semaphore, #tpu.memory_space<semaphore_mem>>) src(%dma_wait3A_124 : memref<640xf32, #tpu.memory_space<vmem_shared>>) dst(%dma_wait3A_123 : memref<640xf32, #tpu.memory_space<hbm>>)
      tpu.yield
    }) : () -> ()
    return
  }
}

module attributes {stable_mosaic.version = 14 : i64} {
  func.func @body(%arg0: memref<2x10240x128xf32, #tpu.memory_space<vmem>>, %arg1: memref<80x2x128xf32, #tpu.memory_space<vmem>>, %arg2: memref<10000x128xf32, #tpu.memory_space<vmem>>, %arg3: memref<128x128xf32, #tpu.memory_space<vmem>>, %arg4: memref<1x128xf32, #tpu.memory_space<vmem>>, %arg5: memref<1x128xf32, #tpu.memory_space<vmem>>, %arg6: memref<1x128xf32, #tpu.memory_space<vmem>>, %arg7: memref<10000x128xf32, #tpu.memory_space<vmem>>) attributes {dimension_semantics = [], scalar_prefetch = 0 : i64, scratch_operands = 0 : i64, tpu.core_type = #tpu.core_type<tc>} {
    %get3A = arith.constant 0 : index
    %get3A_0 = arith.constant 0 : index
    %get3A_1 = arith.constant 0 : index
    %get3A_2 = vector.load %arg0[%get3A, %get3A_0, %get3A_1] : memref<2x10240x128xf32, #tpu.memory_space<vmem>>, vector<2x10240x128xf32>
    %slice3A = vector.extract_strided_slice %get3A_2 {offsets = [0, 0, 0], sizes = [1, 10240, 128], strides = [1, 1, 1]} : vector<2x10240x128xf32> to vector<1x10240x128xf32>
    %squeeze3A = vector.shape_cast %slice3A : vector<1x10240x128xf32> to vector<10240x128xf32>
    %slice3A_3 = vector.extract_strided_slice %get3A_2 {offsets = [1, 0, 0], sizes = [1, 10240, 128], strides = [1, 1, 1]} : vector<2x10240x128xf32> to vector<1x10240x128xf32>
    %squeeze3A_4 = vector.shape_cast %slice3A_3 : vector<1x10240x128xf32> to vector<10240x128xf32>
    %add3A = arith.addf %squeeze3A, %squeeze3A_4 : vector<10240x128xf32>
    %get3A_5 = arith.constant 0 : index
    %get3A_6 = arith.constant 0 : index
    %get3A_7 = arith.constant 0 : index
    %get3A_8 = vector.load %arg1[%get3A_5, %get3A_6, %get3A_7] : memref<80x2x128xf32, #tpu.memory_space<vmem>>, vector<80x2x128xf32>
    %slice3A_9 = vector.extract_strided_slice %get3A_8 {offsets = [0, 0, 0], sizes = [80, 1, 128], strides = [1, 1, 1]} : vector<80x2x128xf32> to vector<80x1x128xf32>
    %squeeze3A_10 = vector.shape_cast %slice3A_9 : vector<80x1x128xf32> to vector<80x128xf32>
    %slice3A_11 = vector.extract_strided_slice %get3A_8 {offsets = [0, 1, 0], sizes = [80, 1, 128], strides = [1, 1, 1]} : vector<80x2x128xf32> to vector<80x1x128xf32>
    %squeeze3A_12 = vector.shape_cast %slice3A_11 : vector<80x1x128xf32> to vector<80x128xf32>
    %add3A_13 = arith.addf %squeeze3A_10, %squeeze3A_12 : vector<80x128xf32>
    %max3A = arith.constant 1.000000e+00 : f32
    %max3A_14 = vector.broadcast %max3A : f32 to vector<80x128xf32>
    %max3A_15 = arith.maximumf %add3A_13, %max3A_14 : vector<80x128xf32>
    %div3A = arith.constant 1.000000e+00 : f32
    %div3A_16 = vector.broadcast %div3A : f32 to vector<80x128xf32>
    %div3A_17 = arith.divf %div3A_16, %max3A_15 : vector<80x128xf32>
    %transpose3A = tpu.transpose %div3A_17, [1, 0] : vector<80x128xf32> -> vector<128x80xf32>
    %slice3A_18 = vector.extract_strided_slice %add3A {offsets = [0, 0], sizes = [128, 128], strides = [1, 1]} : vector<10240x128xf32> to vector<128x128xf32>
    %slice3A_19 = vector.extract_strided_slice %transpose3A {offsets = [0, 0], sizes = [128, 1], strides = [1, 1]} : vector<128x80xf32> to vector<128x1xf32>
    %mul3A = vector.broadcast %slice3A_19 : vector<128x1xf32> to vector<128x128xf32>
    %mul3A_20 = arith.mulf %slice3A_18, %mul3A : vector<128x128xf32>
    %slice3A_21 = vector.extract_strided_slice %add3A {offsets = [128, 0], sizes = [128, 128], strides = [1, 1]} : vector<10240x128xf32> to vector<128x128xf32>
    %slice3A_22 = vector.extract_strided_slice %transpose3A {offsets = [0, 1], sizes = [128, 1], strides = [1, 1]} : vector<128x80xf32> to vector<128x1xf32>
    %mul3A_23 = vector.broadcast %slice3A_22 : vector<128x1xf32> to vector<128x128xf32>
    %mul3A_24 = arith.mulf %slice3A_21, %mul3A_23 : vector<128x128xf32>
    %slice3A_25 = vector.extract_strided_slice %add3A {offsets = [256, 0], sizes = [128, 128], strides = [1, 1]} : vector<10240x128xf32> to vector<128x128xf32>
    %slice3A_26 = vector.extract_strided_slice %transpose3A {offsets = [0, 2], sizes = [128, 1], strides = [1, 1]} : vector<128x80xf32> to vector<128x1xf32>
    %mul3A_27 = vector.broadcast %slice3A_26 : vector<128x1xf32> to vector<128x128xf32>
    %mul3A_28 = arith.mulf %slice3A_25, %mul3A_27 : vector<128x128xf32>
    %slice3A_29 = vector.extract_strided_slice %add3A {offsets = [384, 0], sizes = [128, 128], strides = [1, 1]} : vector<10240x128xf32> to vector<128x128xf32>
    %slice3A_30 = vector.extract_strided_slice %transpose3A {offsets = [0, 3], sizes = [128, 1], strides = [1, 1]} : vector<128x80xf32> to vector<128x1xf32>
    %mul3A_31 = vector.broadcast %slice3A_30 : vector<128x1xf32> to vector<128x128xf32>
    %mul3A_32 = arith.mulf %slice3A_29, %mul3A_31 : vector<128x128xf32>
    %slice3A_33 = vector.extract_strided_slice %add3A {offsets = [512, 0], sizes = [128, 128], strides = [1, 1]} : vector<10240x128xf32> to vector<128x128xf32>
    %slice3A_34 = vector.extract_strided_slice %transpose3A {offsets = [0, 4], sizes = [128, 1], strides = [1, 1]} : vector<128x80xf32> to vector<128x1xf32>
    %mul3A_35 = vector.broadcast %slice3A_34 : vector<128x1xf32> to vector<128x128xf32>
    %mul3A_36 = arith.mulf %slice3A_33, %mul3A_35 : vector<128x128xf32>
    %slice3A_37 = vector.extract_strided_slice %add3A {offsets = [640, 0], sizes = [128, 128], strides = [1, 1]} : vector<10240x128xf32> to vector<128x128xf32>
    %slice3A_38 = vector.extract_strided_slice %transpose3A {offsets = [0, 5], sizes = [128, 1], strides = [1, 1]} : vector<128x80xf32> to vector<128x1xf32>
    %mul3A_39 = vector.broadcast %slice3A_38 : vector<128x1xf32> to vector<128x128xf32>
    %mul3A_40 = arith.mulf %slice3A_37, %mul3A_39 : vector<128x128xf32>
    %slice3A_41 = vector.extract_strided_slice %add3A {offsets = [768, 0], sizes = [128, 128], strides = [1, 1]} : vector<10240x128xf32> to vector<128x128xf32>
    %slice3A_42 = vector.extract_strided_slice %transpose3A {offsets = [0, 6], sizes = [128, 1], strides = [1, 1]} : vector<128x80xf32> to vector<128x1xf32>
    %mul3A_43 = vector.broadcast %slice3A_42 : vector<128x1xf32> to vector<128x128xf32>
    %mul3A_44 = arith.mulf %slice3A_41, %mul3A_43 : vector<128x128xf32>
    %slice3A_45 = vector.extract_strided_slice %add3A {offsets = [896, 0], sizes = [128, 128], strides = [1, 1]} : vector<10240x128xf32> to vector<128x128xf32>
    %slice3A_46 = vector.extract_strided_slice %transpose3A {offsets = [0, 7], sizes = [128, 1], strides = [1, 1]} : vector<128x80xf32> to vector<128x1xf32>
    %mul3A_47 = vector.broadcast %slice3A_46 : vector<128x1xf32> to vector<128x128xf32>
    %mul3A_48 = arith.mulf %slice3A_45, %mul3A_47 : vector<128x128xf32>
    %slice3A_49 = vector.extract_strided_slice %add3A {offsets = [1024, 0], sizes = [128, 128], strides = [1, 1]} : vector<10240x128xf32> to vector<128x128xf32>
    %slice3A_50 = vector.extract_strided_slice %transpose3A {offsets = [0, 8], sizes = [128, 1], strides = [1, 1]} : vector<128x80xf32> to vector<128x1xf32>
    %mul3A_51 = vector.broadcast %slice3A_50 : vector<128x1xf32> to vector<128x128xf32>
    %mul3A_52 = arith.mulf %slice3A_49, %mul3A_51 : vector<128x128xf32>
    %slice3A_53 = vector.extract_strided_slice %add3A {offsets = [1152, 0], sizes = [128, 128], strides = [1, 1]} : vector<10240x128xf32> to vector<128x128xf32>
    %slice3A_54 = vector.extract_strided_slice %transpose3A {offsets = [0, 9], sizes = [128, 1], strides = [1, 1]} : vector<128x80xf32> to vector<128x1xf32>
    %mul3A_55 = vector.broadcast %slice3A_54 : vector<128x1xf32> to vector<128x128xf32>
    %mul3A_56 = arith.mulf %slice3A_53, %mul3A_55 : vector<128x128xf32>
    %slice3A_57 = vector.extract_strided_slice %add3A {offsets = [1280, 0], sizes = [128, 128], strides = [1, 1]} : vector<10240x128xf32> to vector<128x128xf32>
    %slice3A_58 = vector.extract_strided_slice %transpose3A {offsets = [0, 10], sizes = [128, 1], strides = [1, 1]} : vector<128x80xf32> to vector<128x1xf32>
    %mul3A_59 = vector.broadcast %slice3A_58 : vector<128x1xf32> to vector<128x128xf32>
    %mul3A_60 = arith.mulf %slice3A_57, %mul3A_59 : vector<128x128xf32>
    %slice3A_61 = vector.extract_strided_slice %add3A {offsets = [1408, 0], sizes = [128, 128], strides = [1, 1]} : vector<10240x128xf32> to vector<128x128xf32>
    %slice3A_62 = vector.extract_strided_slice %transpose3A {offsets = [0, 11], sizes = [128, 1], strides = [1, 1]} : vector<128x80xf32> to vector<128x1xf32>
    %mul3A_63 = vector.broadcast %slice3A_62 : vector<128x1xf32> to vector<128x128xf32>
    %mul3A_64 = arith.mulf %slice3A_61, %mul3A_63 : vector<128x128xf32>
    %slice3A_65 = vector.extract_strided_slice %add3A {offsets = [1536, 0], sizes = [128, 128], strides = [1, 1]} : vector<10240x128xf32> to vector<128x128xf32>
    %slice3A_66 = vector.extract_strided_slice %transpose3A {offsets = [0, 12], sizes = [128, 1], strides = [1, 1]} : vector<128x80xf32> to vector<128x1xf32>
    %mul3A_67 = vector.broadcast %slice3A_66 : vector<128x1xf32> to vector<128x128xf32>
    %mul3A_68 = arith.mulf %slice3A_65, %mul3A_67 : vector<128x128xf32>
    %slice3A_69 = vector.extract_strided_slice %add3A {offsets = [1664, 0], sizes = [128, 128], strides = [1, 1]} : vector<10240x128xf32> to vector<128x128xf32>
    %slice3A_70 = vector.extract_strided_slice %transpose3A {offsets = [0, 13], sizes = [128, 1], strides = [1, 1]} : vector<128x80xf32> to vector<128x1xf32>
    %mul3A_71 = vector.broadcast %slice3A_70 : vector<128x1xf32> to vector<128x128xf32>
    %mul3A_72 = arith.mulf %slice3A_69, %mul3A_71 : vector<128x128xf32>
    %slice3A_73 = vector.extract_strided_slice %add3A {offsets = [1792, 0], sizes = [128, 128], strides = [1, 1]} : vector<10240x128xf32> to vector<128x128xf32>
    %slice3A_74 = vector.extract_strided_slice %transpose3A {offsets = [0, 14], sizes = [128, 1], strides = [1, 1]} : vector<128x80xf32> to vector<128x1xf32>
    %mul3A_75 = vector.broadcast %slice3A_74 : vector<128x1xf32> to vector<128x128xf32>
    %mul3A_76 = arith.mulf %slice3A_73, %mul3A_75 : vector<128x128xf32>
    %slice3A_77 = vector.extract_strided_slice %add3A {offsets = [1920, 0], sizes = [128, 128], strides = [1, 1]} : vector<10240x128xf32> to vector<128x128xf32>
    %slice3A_78 = vector.extract_strided_slice %transpose3A {offsets = [0, 15], sizes = [128, 1], strides = [1, 1]} : vector<128x80xf32> to vector<128x1xf32>
    %mul3A_79 = vector.broadcast %slice3A_78 : vector<128x1xf32> to vector<128x128xf32>
    %mul3A_80 = arith.mulf %slice3A_77, %mul3A_79 : vector<128x128xf32>
    %slice3A_81 = vector.extract_strided_slice %add3A {offsets = [2048, 0], sizes = [128, 128], strides = [1, 1]} : vector<10240x128xf32> to vector<128x128xf32>
    %slice3A_82 = vector.extract_strided_slice %transpose3A {offsets = [0, 16], sizes = [128, 1], strides = [1, 1]} : vector<128x80xf32> to vector<128x1xf32>
    %mul3A_83 = vector.broadcast %slice3A_82 : vector<128x1xf32> to vector<128x128xf32>
    %mul3A_84 = arith.mulf %slice3A_81, %mul3A_83 : vector<128x128xf32>
    %slice3A_85 = vector.extract_strided_slice %add3A {offsets = [2176, 0], sizes = [128, 128], strides = [1, 1]} : vector<10240x128xf32> to vector<128x128xf32>
    %slice3A_86 = vector.extract_strided_slice %transpose3A {offsets = [0, 17], sizes = [128, 1], strides = [1, 1]} : vector<128x80xf32> to vector<128x1xf32>
    %mul3A_87 = vector.broadcast %slice3A_86 : vector<128x1xf32> to vector<128x128xf32>
    %mul3A_88 = arith.mulf %slice3A_85, %mul3A_87 : vector<128x128xf32>
    %slice3A_89 = vector.extract_strided_slice %add3A {offsets = [2304, 0], sizes = [128, 128], strides = [1, 1]} : vector<10240x128xf32> to vector<128x128xf32>
    %slice3A_90 = vector.extract_strided_slice %transpose3A {offsets = [0, 18], sizes = [128, 1], strides = [1, 1]} : vector<128x80xf32> to vector<128x1xf32>
    %mul3A_91 = vector.broadcast %slice3A_90 : vector<128x1xf32> to vector<128x128xf32>
    %mul3A_92 = arith.mulf %slice3A_89, %mul3A_91 : vector<128x128xf32>
    %slice3A_93 = vector.extract_strided_slice %add3A {offsets = [2432, 0], sizes = [128, 128], strides = [1, 1]} : vector<10240x128xf32> to vector<128x128xf32>
    %slice3A_94 = vector.extract_strided_slice %transpose3A {offsets = [0, 19], sizes = [128, 1], strides = [1, 1]} : vector<128x80xf32> to vector<128x1xf32>
    %mul3A_95 = vector.broadcast %slice3A_94 : vector<128x1xf32> to vector<128x128xf32>
    %mul3A_96 = arith.mulf %slice3A_93, %mul3A_95 : vector<128x128xf32>
    %slice3A_97 = vector.extract_strided_slice %add3A {offsets = [2560, 0], sizes = [128, 128], strides = [1, 1]} : vector<10240x128xf32> to vector<128x128xf32>
    %slice3A_98 = vector.extract_strided_slice %transpose3A {offsets = [0, 20], sizes = [128, 1], strides = [1, 1]} : vector<128x80xf32> to vector<128x1xf32>
    %mul3A_99 = vector.broadcast %slice3A_98 : vector<128x1xf32> to vector<128x128xf32>
    %mul3A_100 = arith.mulf %slice3A_97, %mul3A_99 : vector<128x128xf32>
    %slice3A_101 = vector.extract_strided_slice %add3A {offsets = [2688, 0], sizes = [128, 128], strides = [1, 1]} : vector<10240x128xf32> to vector<128x128xf32>
    %slice3A_102 = vector.extract_strided_slice %transpose3A {offsets = [0, 21], sizes = [128, 1], strides = [1, 1]} : vector<128x80xf32> to vector<128x1xf32>
    %mul3A_103 = vector.broadcast %slice3A_102 : vector<128x1xf32> to vector<128x128xf32>
    %mul3A_104 = arith.mulf %slice3A_101, %mul3A_103 : vector<128x128xf32>
    %slice3A_105 = vector.extract_strided_slice %add3A {offsets = [2816, 0], sizes = [128, 128], strides = [1, 1]} : vector<10240x128xf32> to vector<128x128xf32>
    %slice3A_106 = vector.extract_strided_slice %transpose3A {offsets = [0, 22], sizes = [128, 1], strides = [1, 1]} : vector<128x80xf32> to vector<128x1xf32>
    %mul3A_107 = vector.broadcast %slice3A_106 : vector<128x1xf32> to vector<128x128xf32>
    %mul3A_108 = arith.mulf %slice3A_105, %mul3A_107 : vector<128x128xf32>
    %slice3A_109 = vector.extract_strided_slice %add3A {offsets = [2944, 0], sizes = [128, 128], strides = [1, 1]} : vector<10240x128xf32> to vector<128x128xf32>
    %slice3A_110 = vector.extract_strided_slice %transpose3A {offsets = [0, 23], sizes = [128, 1], strides = [1, 1]} : vector<128x80xf32> to vector<128x1xf32>
    %mul3A_111 = vector.broadcast %slice3A_110 : vector<128x1xf32> to vector<128x128xf32>
    %mul3A_112 = arith.mulf %slice3A_109, %mul3A_111 : vector<128x128xf32>
    %slice3A_113 = vector.extract_strided_slice %add3A {offsets = [3072, 0], sizes = [128, 128], strides = [1, 1]} : vector<10240x128xf32> to vector<128x128xf32>
    %slice3A_114 = vector.extract_strided_slice %transpose3A {offsets = [0, 24], sizes = [128, 1], strides = [1, 1]} : vector<128x80xf32> to vector<128x1xf32>
    %mul3A_115 = vector.broadcast %slice3A_114 : vector<128x1xf32> to vector<128x128xf32>
    %mul3A_116 = arith.mulf %slice3A_113, %mul3A_115 : vector<128x128xf32>
    %slice3A_117 = vector.extract_strided_slice %add3A {offsets = [3200, 0], sizes = [128, 128], strides = [1, 1]} : vector<10240x128xf32> to vector<128x128xf32>
    %slice3A_118 = vector.extract_strided_slice %transpose3A {offsets = [0, 25], sizes = [128, 1], strides = [1, 1]} : vector<128x80xf32> to vector<128x1xf32>
    %mul3A_119 = vector.broadcast %slice3A_118 : vector<128x1xf32> to vector<128x128xf32>
    %mul3A_120 = arith.mulf %slice3A_117, %mul3A_119 : vector<128x128xf32>
    %slice3A_121 = vector.extract_strided_slice %add3A {offsets = [3328, 0], sizes = [128, 128], strides = [1, 1]} : vector<10240x128xf32> to vector<128x128xf32>
    %slice3A_122 = vector.extract_strided_slice %transpose3A {offsets = [0, 26], sizes = [128, 1], strides = [1, 1]} : vector<128x80xf32> to vector<128x1xf32>
    %mul3A_123 = vector.broadcast %slice3A_122 : vector<128x1xf32> to vector<128x128xf32>
    %mul3A_124 = arith.mulf %slice3A_121, %mul3A_123 : vector<128x128xf32>
    %slice3A_125 = vector.extract_strided_slice %add3A {offsets = [3456, 0], sizes = [128, 128], strides = [1, 1]} : vector<10240x128xf32> to vector<128x128xf32>
    %slice3A_126 = vector.extract_strided_slice %transpose3A {offsets = [0, 27], sizes = [128, 1], strides = [1, 1]} : vector<128x80xf32> to vector<128x1xf32>
    %mul3A_127 = vector.broadcast %slice3A_126 : vector<128x1xf32> to vector<128x128xf32>
    %mul3A_128 = arith.mulf %slice3A_125, %mul3A_127 : vector<128x128xf32>
    %slice3A_129 = vector.extract_strided_slice %add3A {offsets = [3584, 0], sizes = [128, 128], strides = [1, 1]} : vector<10240x128xf32> to vector<128x128xf32>
    %slice3A_130 = vector.extract_strided_slice %transpose3A {offsets = [0, 28], sizes = [128, 1], strides = [1, 1]} : vector<128x80xf32> to vector<128x1xf32>
    %mul3A_131 = vector.broadcast %slice3A_130 : vector<128x1xf32> to vector<128x128xf32>
    %mul3A_132 = arith.mulf %slice3A_129, %mul3A_131 : vector<128x128xf32>
    %slice3A_133 = vector.extract_strided_slice %add3A {offsets = [3712, 0], sizes = [128, 128], strides = [1, 1]} : vector<10240x128xf32> to vector<128x128xf32>
    %slice3A_134 = vector.extract_strided_slice %transpose3A {offsets = [0, 29], sizes = [128, 1], strides = [1, 1]} : vector<128x80xf32> to vector<128x1xf32>
    %mul3A_135 = vector.broadcast %slice3A_134 : vector<128x1xf32> to vector<128x128xf32>
    %mul3A_136 = arith.mulf %slice3A_133, %mul3A_135 : vector<128x128xf32>
    %slice3A_137 = vector.extract_strided_slice %add3A {offsets = [3840, 0], sizes = [128, 128], strides = [1, 1]} : vector<10240x128xf32> to vector<128x128xf32>
    %slice3A_138 = vector.extract_strided_slice %transpose3A {offsets = [0, 30], sizes = [128, 1], strides = [1, 1]} : vector<128x80xf32> to vector<128x1xf32>
    %mul3A_139 = vector.broadcast %slice3A_138 : vector<128x1xf32> to vector<128x128xf32>
    %mul3A_140 = arith.mulf %slice3A_137, %mul3A_139 : vector<128x128xf32>
    %slice3A_141 = vector.extract_strided_slice %add3A {offsets = [3968, 0], sizes = [128, 128], strides = [1, 1]} : vector<10240x128xf32> to vector<128x128xf32>
    %slice3A_142 = vector.extract_strided_slice %transpose3A {offsets = [0, 31], sizes = [128, 1], strides = [1, 1]} : vector<128x80xf32> to vector<128x1xf32>
    %mul3A_143 = vector.broadcast %slice3A_142 : vector<128x1xf32> to vector<128x128xf32>
    %mul3A_144 = arith.mulf %slice3A_141, %mul3A_143 : vector<128x128xf32>
    %slice3A_145 = vector.extract_strided_slice %add3A {offsets = [4096, 0], sizes = [128, 128], strides = [1, 1]} : vector<10240x128xf32> to vector<128x128xf32>
    %slice3A_146 = vector.extract_strided_slice %transpose3A {offsets = [0, 32], sizes = [128, 1], strides = [1, 1]} : vector<128x80xf32> to vector<128x1xf32>
    %mul3A_147 = vector.broadcast %slice3A_146 : vector<128x1xf32> to vector<128x128xf32>
    %mul3A_148 = arith.mulf %slice3A_145, %mul3A_147 : vector<128x128xf32>
    %slice3A_149 = vector.extract_strided_slice %add3A {offsets = [4224, 0], sizes = [128, 128], strides = [1, 1]} : vector<10240x128xf32> to vector<128x128xf32>
    %slice3A_150 = vector.extract_strided_slice %transpose3A {offsets = [0, 33], sizes = [128, 1], strides = [1, 1]} : vector<128x80xf32> to vector<128x1xf32>
    %mul3A_151 = vector.broadcast %slice3A_150 : vector<128x1xf32> to vector<128x128xf32>
    %mul3A_152 = arith.mulf %slice3A_149, %mul3A_151 : vector<128x128xf32>
    %slice3A_153 = vector.extract_strided_slice %add3A {offsets = [4352, 0], sizes = [128, 128], strides = [1, 1]} : vector<10240x128xf32> to vector<128x128xf32>
    %slice3A_154 = vector.extract_strided_slice %transpose3A {offsets = [0, 34], sizes = [128, 1], strides = [1, 1]} : vector<128x80xf32> to vector<128x1xf32>
    %mul3A_155 = vector.broadcast %slice3A_154 : vector<128x1xf32> to vector<128x128xf32>
    %mul3A_156 = arith.mulf %slice3A_153, %mul3A_155 : vector<128x128xf32>
    %slice3A_157 = vector.extract_strided_slice %add3A {offsets = [4480, 0], sizes = [128, 128], strides = [1, 1]} : vector<10240x128xf32> to vector<128x128xf32>
    %slice3A_158 = vector.extract_strided_slice %transpose3A {offsets = [0, 35], sizes = [128, 1], strides = [1, 1]} : vector<128x80xf32> to vector<128x1xf32>
    %mul3A_159 = vector.broadcast %slice3A_158 : vector<128x1xf32> to vector<128x128xf32>
    %mul3A_160 = arith.mulf %slice3A_157, %mul3A_159 : vector<128x128xf32>
    %slice3A_161 = vector.extract_strided_slice %add3A {offsets = [4608, 0], sizes = [128, 128], strides = [1, 1]} : vector<10240x128xf32> to vector<128x128xf32>
    %slice3A_162 = vector.extract_strided_slice %transpose3A {offsets = [0, 36], sizes = [128, 1], strides = [1, 1]} : vector<128x80xf32> to vector<128x1xf32>
    %mul3A_163 = vector.broadcast %slice3A_162 : vector<128x1xf32> to vector<128x128xf32>
    %mul3A_164 = arith.mulf %slice3A_161, %mul3A_163 : vector<128x128xf32>
    %slice3A_165 = vector.extract_strided_slice %add3A {offsets = [4736, 0], sizes = [128, 128], strides = [1, 1]} : vector<10240x128xf32> to vector<128x128xf32>
    %slice3A_166 = vector.extract_strided_slice %transpose3A {offsets = [0, 37], sizes = [128, 1], strides = [1, 1]} : vector<128x80xf32> to vector<128x1xf32>
    %mul3A_167 = vector.broadcast %slice3A_166 : vector<128x1xf32> to vector<128x128xf32>
    %mul3A_168 = arith.mulf %slice3A_165, %mul3A_167 : vector<128x128xf32>
    %slice3A_169 = vector.extract_strided_slice %add3A {offsets = [4864, 0], sizes = [128, 128], strides = [1, 1]} : vector<10240x128xf32> to vector<128x128xf32>
    %slice3A_170 = vector.extract_strided_slice %transpose3A {offsets = [0, 38], sizes = [128, 1], strides = [1, 1]} : vector<128x80xf32> to vector<128x1xf32>
    %mul3A_171 = vector.broadcast %slice3A_170 : vector<128x1xf32> to vector<128x128xf32>
    %mul3A_172 = arith.mulf %slice3A_169, %mul3A_171 : vector<128x128xf32>
    %slice3A_173 = vector.extract_strided_slice %add3A {offsets = [4992, 0], sizes = [128, 128], strides = [1, 1]} : vector<10240x128xf32> to vector<128x128xf32>
    %slice3A_174 = vector.extract_strided_slice %transpose3A {offsets = [0, 39], sizes = [128, 1], strides = [1, 1]} : vector<128x80xf32> to vector<128x1xf32>
    %mul3A_175 = vector.broadcast %slice3A_174 : vector<128x1xf32> to vector<128x128xf32>
    %mul3A_176 = arith.mulf %slice3A_173, %mul3A_175 : vector<128x128xf32>
    %slice3A_177 = vector.extract_strided_slice %add3A {offsets = [5120, 0], sizes = [128, 128], strides = [1, 1]} : vector<10240x128xf32> to vector<128x128xf32>
    %slice3A_178 = vector.extract_strided_slice %transpose3A {offsets = [0, 40], sizes = [128, 1], strides = [1, 1]} : vector<128x80xf32> to vector<128x1xf32>
    %mul3A_179 = vector.broadcast %slice3A_178 : vector<128x1xf32> to vector<128x128xf32>
    %mul3A_180 = arith.mulf %slice3A_177, %mul3A_179 : vector<128x128xf32>
    %slice3A_181 = vector.extract_strided_slice %add3A {offsets = [5248, 0], sizes = [128, 128], strides = [1, 1]} : vector<10240x128xf32> to vector<128x128xf32>
    %slice3A_182 = vector.extract_strided_slice %transpose3A {offsets = [0, 41], sizes = [128, 1], strides = [1, 1]} : vector<128x80xf32> to vector<128x1xf32>
    %mul3A_183 = vector.broadcast %slice3A_182 : vector<128x1xf32> to vector<128x128xf32>
    %mul3A_184 = arith.mulf %slice3A_181, %mul3A_183 : vector<128x128xf32>
    %slice3A_185 = vector.extract_strided_slice %add3A {offsets = [5376, 0], sizes = [128, 128], strides = [1, 1]} : vector<10240x128xf32> to vector<128x128xf32>
    %slice3A_186 = vector.extract_strided_slice %transpose3A {offsets = [0, 42], sizes = [128, 1], strides = [1, 1]} : vector<128x80xf32> to vector<128x1xf32>
    %mul3A_187 = vector.broadcast %slice3A_186 : vector<128x1xf32> to vector<128x128xf32>
    %mul3A_188 = arith.mulf %slice3A_185, %mul3A_187 : vector<128x128xf32>
    %slice3A_189 = vector.extract_strided_slice %add3A {offsets = [5504, 0], sizes = [128, 128], strides = [1, 1]} : vector<10240x128xf32> to vector<128x128xf32>
    %slice3A_190 = vector.extract_strided_slice %transpose3A {offsets = [0, 43], sizes = [128, 1], strides = [1, 1]} : vector<128x80xf32> to vector<128x1xf32>
    %mul3A_191 = vector.broadcast %slice3A_190 : vector<128x1xf32> to vector<128x128xf32>
    %mul3A_192 = arith.mulf %slice3A_189, %mul3A_191 : vector<128x128xf32>
    %slice3A_193 = vector.extract_strided_slice %add3A {offsets = [5632, 0], sizes = [128, 128], strides = [1, 1]} : vector<10240x128xf32> to vector<128x128xf32>
    %slice3A_194 = vector.extract_strided_slice %transpose3A {offsets = [0, 44], sizes = [128, 1], strides = [1, 1]} : vector<128x80xf32> to vector<128x1xf32>
    %mul3A_195 = vector.broadcast %slice3A_194 : vector<128x1xf32> to vector<128x128xf32>
    %mul3A_196 = arith.mulf %slice3A_193, %mul3A_195 : vector<128x128xf32>
    %slice3A_197 = vector.extract_strided_slice %add3A {offsets = [5760, 0], sizes = [128, 128], strides = [1, 1]} : vector<10240x128xf32> to vector<128x128xf32>
    %slice3A_198 = vector.extract_strided_slice %transpose3A {offsets = [0, 45], sizes = [128, 1], strides = [1, 1]} : vector<128x80xf32> to vector<128x1xf32>
    %mul3A_199 = vector.broadcast %slice3A_198 : vector<128x1xf32> to vector<128x128xf32>
    %mul3A_200 = arith.mulf %slice3A_197, %mul3A_199 : vector<128x128xf32>
    %slice3A_201 = vector.extract_strided_slice %add3A {offsets = [5888, 0], sizes = [128, 128], strides = [1, 1]} : vector<10240x128xf32> to vector<128x128xf32>
    %slice3A_202 = vector.extract_strided_slice %transpose3A {offsets = [0, 46], sizes = [128, 1], strides = [1, 1]} : vector<128x80xf32> to vector<128x1xf32>
    %mul3A_203 = vector.broadcast %slice3A_202 : vector<128x1xf32> to vector<128x128xf32>
    %mul3A_204 = arith.mulf %slice3A_201, %mul3A_203 : vector<128x128xf32>
    %slice3A_205 = vector.extract_strided_slice %add3A {offsets = [6016, 0], sizes = [128, 128], strides = [1, 1]} : vector<10240x128xf32> to vector<128x128xf32>
    %slice3A_206 = vector.extract_strided_slice %transpose3A {offsets = [0, 47], sizes = [128, 1], strides = [1, 1]} : vector<128x80xf32> to vector<128x1xf32>
    %mul3A_207 = vector.broadcast %slice3A_206 : vector<128x1xf32> to vector<128x128xf32>
    %mul3A_208 = arith.mulf %slice3A_205, %mul3A_207 : vector<128x128xf32>
    %slice3A_209 = vector.extract_strided_slice %add3A {offsets = [6144, 0], sizes = [128, 128], strides = [1, 1]} : vector<10240x128xf32> to vector<128x128xf32>
    %slice3A_210 = vector.extract_strided_slice %transpose3A {offsets = [0, 48], sizes = [128, 1], strides = [1, 1]} : vector<128x80xf32> to vector<128x1xf32>
    %mul3A_211 = vector.broadcast %slice3A_210 : vector<128x1xf32> to vector<128x128xf32>
    %mul3A_212 = arith.mulf %slice3A_209, %mul3A_211 : vector<128x128xf32>
    %slice3A_213 = vector.extract_strided_slice %add3A {offsets = [6272, 0], sizes = [128, 128], strides = [1, 1]} : vector<10240x128xf32> to vector<128x128xf32>
    %slice3A_214 = vector.extract_strided_slice %transpose3A {offsets = [0, 49], sizes = [128, 1], strides = [1, 1]} : vector<128x80xf32> to vector<128x1xf32>
    %mul3A_215 = vector.broadcast %slice3A_214 : vector<128x1xf32> to vector<128x128xf32>
    %mul3A_216 = arith.mulf %slice3A_213, %mul3A_215 : vector<128x128xf32>
    %slice3A_217 = vector.extract_strided_slice %add3A {offsets = [6400, 0], sizes = [128, 128], strides = [1, 1]} : vector<10240x128xf32> to vector<128x128xf32>
    %slice3A_218 = vector.extract_strided_slice %transpose3A {offsets = [0, 50], sizes = [128, 1], strides = [1, 1]} : vector<128x80xf32> to vector<128x1xf32>
    %mul3A_219 = vector.broadcast %slice3A_218 : vector<128x1xf32> to vector<128x128xf32>
    %mul3A_220 = arith.mulf %slice3A_217, %mul3A_219 : vector<128x128xf32>
    %slice3A_221 = vector.extract_strided_slice %add3A {offsets = [6528, 0], sizes = [128, 128], strides = [1, 1]} : vector<10240x128xf32> to vector<128x128xf32>
    %slice3A_222 = vector.extract_strided_slice %transpose3A {offsets = [0, 51], sizes = [128, 1], strides = [1, 1]} : vector<128x80xf32> to vector<128x1xf32>
    %mul3A_223 = vector.broadcast %slice3A_222 : vector<128x1xf32> to vector<128x128xf32>
    %mul3A_224 = arith.mulf %slice3A_221, %mul3A_223 : vector<128x128xf32>
    %slice3A_225 = vector.extract_strided_slice %add3A {offsets = [6656, 0], sizes = [128, 128], strides = [1, 1]} : vector<10240x128xf32> to vector<128x128xf32>
    %slice3A_226 = vector.extract_strided_slice %transpose3A {offsets = [0, 52], sizes = [128, 1], strides = [1, 1]} : vector<128x80xf32> to vector<128x1xf32>
    %mul3A_227 = vector.broadcast %slice3A_226 : vector<128x1xf32> to vector<128x128xf32>
    %mul3A_228 = arith.mulf %slice3A_225, %mul3A_227 : vector<128x128xf32>
    %slice3A_229 = vector.extract_strided_slice %add3A {offsets = [6784, 0], sizes = [128, 128], strides = [1, 1]} : vector<10240x128xf32> to vector<128x128xf32>
    %slice3A_230 = vector.extract_strided_slice %transpose3A {offsets = [0, 53], sizes = [128, 1], strides = [1, 1]} : vector<128x80xf32> to vector<128x1xf32>
    %mul3A_231 = vector.broadcast %slice3A_230 : vector<128x1xf32> to vector<128x128xf32>
    %mul3A_232 = arith.mulf %slice3A_229, %mul3A_231 : vector<128x128xf32>
    %slice3A_233 = vector.extract_strided_slice %add3A {offsets = [6912, 0], sizes = [128, 128], strides = [1, 1]} : vector<10240x128xf32> to vector<128x128xf32>
    %slice3A_234 = vector.extract_strided_slice %transpose3A {offsets = [0, 54], sizes = [128, 1], strides = [1, 1]} : vector<128x80xf32> to vector<128x1xf32>
    %mul3A_235 = vector.broadcast %slice3A_234 : vector<128x1xf32> to vector<128x128xf32>
    %mul3A_236 = arith.mulf %slice3A_233, %mul3A_235 : vector<128x128xf32>
    %slice3A_237 = vector.extract_strided_slice %add3A {offsets = [7040, 0], sizes = [128, 128], strides = [1, 1]} : vector<10240x128xf32> to vector<128x128xf32>
    %slice3A_238 = vector.extract_strided_slice %transpose3A {offsets = [0, 55], sizes = [128, 1], strides = [1, 1]} : vector<128x80xf32> to vector<128x1xf32>
    %mul3A_239 = vector.broadcast %slice3A_238 : vector<128x1xf32> to vector<128x128xf32>
    %mul3A_240 = arith.mulf %slice3A_237, %mul3A_239 : vector<128x128xf32>
    %slice3A_241 = vector.extract_strided_slice %add3A {offsets = [7168, 0], sizes = [128, 128], strides = [1, 1]} : vector<10240x128xf32> to vector<128x128xf32>
    %slice3A_242 = vector.extract_strided_slice %transpose3A {offsets = [0, 56], sizes = [128, 1], strides = [1, 1]} : vector<128x80xf32> to vector<128x1xf32>
    %mul3A_243 = vector.broadcast %slice3A_242 : vector<128x1xf32> to vector<128x128xf32>
    %mul3A_244 = arith.mulf %slice3A_241, %mul3A_243 : vector<128x128xf32>
    %slice3A_245 = vector.extract_strided_slice %add3A {offsets = [7296, 0], sizes = [128, 128], strides = [1, 1]} : vector<10240x128xf32> to vector<128x128xf32>
    %slice3A_246 = vector.extract_strided_slice %transpose3A {offsets = [0, 57], sizes = [128, 1], strides = [1, 1]} : vector<128x80xf32> to vector<128x1xf32>
    %mul3A_247 = vector.broadcast %slice3A_246 : vector<128x1xf32> to vector<128x128xf32>
    %mul3A_248 = arith.mulf %slice3A_245, %mul3A_247 : vector<128x128xf32>
    %slice3A_249 = vector.extract_strided_slice %add3A {offsets = [7424, 0], sizes = [128, 128], strides = [1, 1]} : vector<10240x128xf32> to vector<128x128xf32>
    %slice3A_250 = vector.extract_strided_slice %transpose3A {offsets = [0, 58], sizes = [128, 1], strides = [1, 1]} : vector<128x80xf32> to vector<128x1xf32>
    %mul3A_251 = vector.broadcast %slice3A_250 : vector<128x1xf32> to vector<128x128xf32>
    %mul3A_252 = arith.mulf %slice3A_249, %mul3A_251 : vector<128x128xf32>
    %slice3A_253 = vector.extract_strided_slice %add3A {offsets = [7552, 0], sizes = [128, 128], strides = [1, 1]} : vector<10240x128xf32> to vector<128x128xf32>
    %slice3A_254 = vector.extract_strided_slice %transpose3A {offsets = [0, 59], sizes = [128, 1], strides = [1, 1]} : vector<128x80xf32> to vector<128x1xf32>
    %mul3A_255 = vector.broadcast %slice3A_254 : vector<128x1xf32> to vector<128x128xf32>
    %mul3A_256 = arith.mulf %slice3A_253, %mul3A_255 : vector<128x128xf32>
    %slice3A_257 = vector.extract_strided_slice %add3A {offsets = [7680, 0], sizes = [128, 128], strides = [1, 1]} : vector<10240x128xf32> to vector<128x128xf32>
    %slice3A_258 = vector.extract_strided_slice %transpose3A {offsets = [0, 60], sizes = [128, 1], strides = [1, 1]} : vector<128x80xf32> to vector<128x1xf32>
    %mul3A_259 = vector.broadcast %slice3A_258 : vector<128x1xf32> to vector<128x128xf32>
    %mul3A_260 = arith.mulf %slice3A_257, %mul3A_259 : vector<128x128xf32>
    %slice3A_261 = vector.extract_strided_slice %add3A {offsets = [7808, 0], sizes = [128, 128], strides = [1, 1]} : vector<10240x128xf32> to vector<128x128xf32>
    %slice3A_262 = vector.extract_strided_slice %transpose3A {offsets = [0, 61], sizes = [128, 1], strides = [1, 1]} : vector<128x80xf32> to vector<128x1xf32>
    %mul3A_263 = vector.broadcast %slice3A_262 : vector<128x1xf32> to vector<128x128xf32>
    %mul3A_264 = arith.mulf %slice3A_261, %mul3A_263 : vector<128x128xf32>
    %slice3A_265 = vector.extract_strided_slice %add3A {offsets = [7936, 0], sizes = [128, 128], strides = [1, 1]} : vector<10240x128xf32> to vector<128x128xf32>
    %slice3A_266 = vector.extract_strided_slice %transpose3A {offsets = [0, 62], sizes = [128, 1], strides = [1, 1]} : vector<128x80xf32> to vector<128x1xf32>
    %mul3A_267 = vector.broadcast %slice3A_266 : vector<128x1xf32> to vector<128x128xf32>
    %mul3A_268 = arith.mulf %slice3A_265, %mul3A_267 : vector<128x128xf32>
    %slice3A_269 = vector.extract_strided_slice %add3A {offsets = [8064, 0], sizes = [128, 128], strides = [1, 1]} : vector<10240x128xf32> to vector<128x128xf32>
    %slice3A_270 = vector.extract_strided_slice %transpose3A {offsets = [0, 63], sizes = [128, 1], strides = [1, 1]} : vector<128x80xf32> to vector<128x1xf32>
    %mul3A_271 = vector.broadcast %slice3A_270 : vector<128x1xf32> to vector<128x128xf32>
    %mul3A_272 = arith.mulf %slice3A_269, %mul3A_271 : vector<128x128xf32>
    %slice3A_273 = vector.extract_strided_slice %add3A {offsets = [8192, 0], sizes = [128, 128], strides = [1, 1]} : vector<10240x128xf32> to vector<128x128xf32>
    %slice3A_274 = vector.extract_strided_slice %transpose3A {offsets = [0, 64], sizes = [128, 1], strides = [1, 1]} : vector<128x80xf32> to vector<128x1xf32>
    %mul3A_275 = vector.broadcast %slice3A_274 : vector<128x1xf32> to vector<128x128xf32>
    %mul3A_276 = arith.mulf %slice3A_273, %mul3A_275 : vector<128x128xf32>
    %slice3A_277 = vector.extract_strided_slice %add3A {offsets = [8320, 0], sizes = [128, 128], strides = [1, 1]} : vector<10240x128xf32> to vector<128x128xf32>
    %slice3A_278 = vector.extract_strided_slice %transpose3A {offsets = [0, 65], sizes = [128, 1], strides = [1, 1]} : vector<128x80xf32> to vector<128x1xf32>
    %mul3A_279 = vector.broadcast %slice3A_278 : vector<128x1xf32> to vector<128x128xf32>
    %mul3A_280 = arith.mulf %slice3A_277, %mul3A_279 : vector<128x128xf32>
    %slice3A_281 = vector.extract_strided_slice %add3A {offsets = [8448, 0], sizes = [128, 128], strides = [1, 1]} : vector<10240x128xf32> to vector<128x128xf32>
    %slice3A_282 = vector.extract_strided_slice %transpose3A {offsets = [0, 66], sizes = [128, 1], strides = [1, 1]} : vector<128x80xf32> to vector<128x1xf32>
    %mul3A_283 = vector.broadcast %slice3A_282 : vector<128x1xf32> to vector<128x128xf32>
    %mul3A_284 = arith.mulf %slice3A_281, %mul3A_283 : vector<128x128xf32>
    %slice3A_285 = vector.extract_strided_slice %add3A {offsets = [8576, 0], sizes = [128, 128], strides = [1, 1]} : vector<10240x128xf32> to vector<128x128xf32>
    %slice3A_286 = vector.extract_strided_slice %transpose3A {offsets = [0, 67], sizes = [128, 1], strides = [1, 1]} : vector<128x80xf32> to vector<128x1xf32>
    %mul3A_287 = vector.broadcast %slice3A_286 : vector<128x1xf32> to vector<128x128xf32>
    %mul3A_288 = arith.mulf %slice3A_285, %mul3A_287 : vector<128x128xf32>
    %slice3A_289 = vector.extract_strided_slice %add3A {offsets = [8704, 0], sizes = [128, 128], strides = [1, 1]} : vector<10240x128xf32> to vector<128x128xf32>
    %slice3A_290 = vector.extract_strided_slice %transpose3A {offsets = [0, 68], sizes = [128, 1], strides = [1, 1]} : vector<128x80xf32> to vector<128x1xf32>
    %mul3A_291 = vector.broadcast %slice3A_290 : vector<128x1xf32> to vector<128x128xf32>
    %mul3A_292 = arith.mulf %slice3A_289, %mul3A_291 : vector<128x128xf32>
    %slice3A_293 = vector.extract_strided_slice %add3A {offsets = [8832, 0], sizes = [128, 128], strides = [1, 1]} : vector<10240x128xf32> to vector<128x128xf32>
    %slice3A_294 = vector.extract_strided_slice %transpose3A {offsets = [0, 69], sizes = [128, 1], strides = [1, 1]} : vector<128x80xf32> to vector<128x1xf32>
    %mul3A_295 = vector.broadcast %slice3A_294 : vector<128x1xf32> to vector<128x128xf32>
    %mul3A_296 = arith.mulf %slice3A_293, %mul3A_295 : vector<128x128xf32>
    %slice3A_297 = vector.extract_strided_slice %add3A {offsets = [8960, 0], sizes = [128, 128], strides = [1, 1]} : vector<10240x128xf32> to vector<128x128xf32>
    %slice3A_298 = vector.extract_strided_slice %transpose3A {offsets = [0, 70], sizes = [128, 1], strides = [1, 1]} : vector<128x80xf32> to vector<128x1xf32>
    %mul3A_299 = vector.broadcast %slice3A_298 : vector<128x1xf32> to vector<128x128xf32>
    %mul3A_300 = arith.mulf %slice3A_297, %mul3A_299 : vector<128x128xf32>
    %slice3A_301 = vector.extract_strided_slice %add3A {offsets = [9088, 0], sizes = [128, 128], strides = [1, 1]} : vector<10240x128xf32> to vector<128x128xf32>
    %slice3A_302 = vector.extract_strided_slice %transpose3A {offsets = [0, 71], sizes = [128, 1], strides = [1, 1]} : vector<128x80xf32> to vector<128x1xf32>
    %mul3A_303 = vector.broadcast %slice3A_302 : vector<128x1xf32> to vector<128x128xf32>
    %mul3A_304 = arith.mulf %slice3A_301, %mul3A_303 : vector<128x128xf32>
    %slice3A_305 = vector.extract_strided_slice %add3A {offsets = [9216, 0], sizes = [128, 128], strides = [1, 1]} : vector<10240x128xf32> to vector<128x128xf32>
    %slice3A_306 = vector.extract_strided_slice %transpose3A {offsets = [0, 72], sizes = [128, 1], strides = [1, 1]} : vector<128x80xf32> to vector<128x1xf32>
    %mul3A_307 = vector.broadcast %slice3A_306 : vector<128x1xf32> to vector<128x128xf32>
    %mul3A_308 = arith.mulf %slice3A_305, %mul3A_307 : vector<128x128xf32>
    %slice3A_309 = vector.extract_strided_slice %add3A {offsets = [9344, 0], sizes = [128, 128], strides = [1, 1]} : vector<10240x128xf32> to vector<128x128xf32>
    %slice3A_310 = vector.extract_strided_slice %transpose3A {offsets = [0, 73], sizes = [128, 1], strides = [1, 1]} : vector<128x80xf32> to vector<128x1xf32>
    %mul3A_311 = vector.broadcast %slice3A_310 : vector<128x1xf32> to vector<128x128xf32>
    %mul3A_312 = arith.mulf %slice3A_309, %mul3A_311 : vector<128x128xf32>
    %slice3A_313 = vector.extract_strided_slice %add3A {offsets = [9472, 0], sizes = [128, 128], strides = [1, 1]} : vector<10240x128xf32> to vector<128x128xf32>
    %slice3A_314 = vector.extract_strided_slice %transpose3A {offsets = [0, 74], sizes = [128, 1], strides = [1, 1]} : vector<128x80xf32> to vector<128x1xf32>
    %mul3A_315 = vector.broadcast %slice3A_314 : vector<128x1xf32> to vector<128x128xf32>
    %mul3A_316 = arith.mulf %slice3A_313, %mul3A_315 : vector<128x128xf32>
    %slice3A_317 = vector.extract_strided_slice %add3A {offsets = [9600, 0], sizes = [128, 128], strides = [1, 1]} : vector<10240x128xf32> to vector<128x128xf32>
    %slice3A_318 = vector.extract_strided_slice %transpose3A {offsets = [0, 75], sizes = [128, 1], strides = [1, 1]} : vector<128x80xf32> to vector<128x1xf32>
    %mul3A_319 = vector.broadcast %slice3A_318 : vector<128x1xf32> to vector<128x128xf32>
    %mul3A_320 = arith.mulf %slice3A_317, %mul3A_319 : vector<128x128xf32>
    %slice3A_321 = vector.extract_strided_slice %add3A {offsets = [9728, 0], sizes = [128, 128], strides = [1, 1]} : vector<10240x128xf32> to vector<128x128xf32>
    %slice3A_322 = vector.extract_strided_slice %transpose3A {offsets = [0, 76], sizes = [128, 1], strides = [1, 1]} : vector<128x80xf32> to vector<128x1xf32>
    %mul3A_323 = vector.broadcast %slice3A_322 : vector<128x1xf32> to vector<128x128xf32>
    %mul3A_324 = arith.mulf %slice3A_321, %mul3A_323 : vector<128x128xf32>
    %slice3A_325 = vector.extract_strided_slice %add3A {offsets = [9856, 0], sizes = [128, 128], strides = [1, 1]} : vector<10240x128xf32> to vector<128x128xf32>
    %slice3A_326 = vector.extract_strided_slice %transpose3A {offsets = [0, 77], sizes = [128, 1], strides = [1, 1]} : vector<128x80xf32> to vector<128x1xf32>
    %mul3A_327 = vector.broadcast %slice3A_326 : vector<128x1xf32> to vector<128x128xf32>
    %mul3A_328 = arith.mulf %slice3A_325, %mul3A_327 : vector<128x128xf32>
    %slice3A_329 = vector.extract_strided_slice %add3A {offsets = [9984, 0], sizes = [128, 128], strides = [1, 1]} : vector<10240x128xf32> to vector<128x128xf32>
    %slice3A_330 = vector.extract_strided_slice %transpose3A {offsets = [0, 78], sizes = [128, 1], strides = [1, 1]} : vector<128x80xf32> to vector<128x1xf32>
    %mul3A_331 = vector.broadcast %slice3A_330 : vector<128x1xf32> to vector<128x128xf32>
    %mul3A_332 = arith.mulf %slice3A_329, %mul3A_331 : vector<128x128xf32>
    %slice3A_333 = vector.extract_strided_slice %add3A {offsets = [10112, 0], sizes = [128, 128], strides = [1, 1]} : vector<10240x128xf32> to vector<128x128xf32>
    %slice3A_334 = vector.extract_strided_slice %transpose3A {offsets = [0, 79], sizes = [128, 1], strides = [1, 1]} : vector<128x80xf32> to vector<128x1xf32>
    %mul3A_335 = vector.broadcast %slice3A_334 : vector<128x1xf32> to vector<128x128xf32>
    %mul3A_336 = arith.mulf %slice3A_333, %mul3A_335 : vector<128x128xf32>
    %concatenate3A = tpu.concatenate %mul3A_20, %mul3A_24, %mul3A_28, %mul3A_32, %mul3A_36, %mul3A_40, %mul3A_44, %mul3A_48, %mul3A_52, %mul3A_56, %mul3A_60, %mul3A_64, %mul3A_68, %mul3A_72, %mul3A_76, %mul3A_80, %mul3A_84, %mul3A_88, %mul3A_92, %mul3A_96, %mul3A_100, %mul3A_104, %mul3A_108, %mul3A_112, %mul3A_116, %mul3A_120, %mul3A_124, %mul3A_128, %mul3A_132, %mul3A_136, %mul3A_140, %mul3A_144, %mul3A_148, %mul3A_152, %mul3A_156, %mul3A_160, %mul3A_164, %mul3A_168, %mul3A_172, %mul3A_176, %mul3A_180, %mul3A_184, %mul3A_188, %mul3A_192, %mul3A_196, %mul3A_200, %mul3A_204, %mul3A_208, %mul3A_212, %mul3A_216, %mul3A_220, %mul3A_224, %mul3A_228, %mul3A_232, %mul3A_236, %mul3A_240, %mul3A_244, %mul3A_248, %mul3A_252, %mul3A_256, %mul3A_260, %mul3A_264, %mul3A_268, %mul3A_272, %mul3A_276, %mul3A_280, %mul3A_284, %mul3A_288, %mul3A_292, %mul3A_296, %mul3A_300, %mul3A_304, %mul3A_308, %mul3A_312, %mul3A_316, %mul3A_320, %mul3A_324, %mul3A_328, %mul3A_332, %mul3A_336 in 0 : vector<128x128xf32>, vector<128x128xf32>, vector<128x128xf32>, vector<128x128xf32>, vector<128x128xf32>, vector<128x128xf32>, vector<128x128xf32>, vector<128x128xf32>, vector<128x128xf32>, vector<128x128xf32>, vector<128x128xf32>, vector<128x128xf32>, vector<128x128xf32>, vector<128x128xf32>, vector<128x128xf32>, vector<128x128xf32>, vector<128x128xf32>, vector<128x128xf32>, vector<128x128xf32>, vector<128x128xf32>, vector<128x128xf32>, vector<128x128xf32>, vector<128x128xf32>, vector<128x128xf32>, vector<128x128xf32>, vector<128x128xf32>, vector<128x128xf32>, vector<128x128xf32>, vector<128x128xf32>, vector<128x128xf32>, vector<128x128xf32>, vector<128x128xf32>, vector<128x128xf32>, vector<128x128xf32>, vector<128x128xf32>, vector<128x128xf32>, vector<128x128xf32>, vector<128x128xf32>, vector<128x128xf32>, vector<128x128xf32>, vector<128x128xf32>, vector<128x128xf32>, vector<128x128xf32>, vector<128x128xf32>, vector<128x128xf32>, vector<128x128xf32>, vector<128x128xf32>, vector<128x128xf32>, vector<128x128xf32>, vector<128x128xf32>, vector<128x128xf32>, vector<128x128xf32>, vector<128x128xf32>, vector<128x128xf32>, vector<128x128xf32>, vector<128x128xf32>, vector<128x128xf32>, vector<128x128xf32>, vector<128x128xf32>, vector<128x128xf32>, vector<128x128xf32>, vector<128x128xf32>, vector<128x128xf32>, vector<128x128xf32>, vector<128x128xf32>, vector<128x128xf32>, vector<128x128xf32>, vector<128x128xf32>, vector<128x128xf32>, vector<128x128xf32>, vector<128x128xf32>, vector<128x128xf32>, vector<128x128xf32>, vector<128x128xf32>, vector<128x128xf32>, vector<128x128xf32>, vector<128x128xf32>, vector<128x128xf32>, vector<128x128xf32>, vector<128x128xf32> -> vector<10240x128xf32>
    %get3A_337 = arith.constant 0 : index
    %get3A_338 = arith.constant 0 : index
    %get3A_339 = vector.load %arg3[%get3A_337, %get3A_338] : memref<128x128xf32, #tpu.memory_space<vmem>>, vector<128x128xf32>
    %dot_general3A = arith.constant dense<0.000000e+00> : vector<10240x128xf32>
    %dot_general3A_340 = tpu.matmul %concatenate3A, %get3A_339, %dot_general3A {dimension_numbers = #tpu.dot_dimension_numbers<[1], [0], [0], [1], [0, 0, 1, 1], [], []>, transpose_lhs_hint = false} : vector<10240x128xf32>, vector<128x128xf32>, vector<10240x128xf32> -> vector<10240x128xf32>
    %slice3A_341 = vector.extract_strided_slice %dot_general3A_340 {offsets = [0, 0], sizes = [10000, 128], strides = [1, 1]} : vector<10240x128xf32> to vector<10000x128xf32>
    %get3A_342 = arith.constant 0 : index
    %get3A_343 = arith.constant 0 : index
    %get3A_344 = vector.load %arg4[%get3A_342, %get3A_343] : memref<1x128xf32, #tpu.memory_space<vmem>>, vector<1x128xf32>
    %add3A_345 = vector.broadcast %get3A_344 : vector<1x128xf32> to vector<10000x128xf32>
    %add3A_346 = arith.addf %slice3A_341, %add3A_345 : vector<10000x128xf32>
    %reduce_sum3A = arith.constant dense<0.000000e+00> : vector<128xf32>
    %reduce_sum3A_347 = vector.multi_reduction <add>, %add3A_346, %reduce_sum3A [0] : vector<10000x128xf32> to vector<128xf32>
    %broadcast_in_dim3A = vector.shape_cast %reduce_sum3A_347 : vector<128xf32> to vector<1x128xf32>
    %div3A_348 = arith.constant 1.000000e+04 : f32
    %div3A_349 = vector.broadcast %div3A_348 : f32 to vector<1x128xf32>
    %div3A_350 = arith.divf %broadcast_in_dim3A, %div3A_349 : vector<1x128xf32>
    %sub3A = vector.broadcast %div3A_350 : vector<1x128xf32> to vector<10000x128xf32>
    %sub3A_351 = arith.subf %add3A_346, %sub3A : vector<10000x128xf32>
    %sub3A_352 = vector.broadcast %div3A_350 : vector<1x128xf32> to vector<10000x128xf32>
    %sub3A_353 = arith.subf %add3A_346, %sub3A_352 : vector<10000x128xf32>
    %mul3A_354 = arith.mulf %sub3A_351, %sub3A_353 : vector<10000x128xf32>
    %reduce_sum3A_355 = arith.constant dense<0.000000e+00> : vector<128xf32>
    %reduce_sum3A_356 = vector.multi_reduction <add>, %mul3A_354, %reduce_sum3A_355 [0] : vector<10000x128xf32> to vector<128xf32>
    %broadcast_in_dim3A_357 = vector.shape_cast %reduce_sum3A_356 : vector<128xf32> to vector<1x128xf32>
    %div3A_358 = arith.constant 1.000000e+04 : f32
    %div3A_359 = vector.broadcast %div3A_358 : f32 to vector<1x128xf32>
    %div3A_360 = arith.divf %broadcast_in_dim3A_357, %div3A_359 : vector<1x128xf32>
    %sub3A_361 = vector.broadcast %div3A_350 : vector<1x128xf32> to vector<10000x128xf32>
    %sub3A_362 = arith.subf %add3A_346, %sub3A_361 : vector<10000x128xf32>
    %add3A_363 = arith.constant 9.99999974E-6 : f32
    %add3A_364 = vector.broadcast %add3A_363 : f32 to vector<1x128xf32>
    %add3A_365 = arith.addf %div3A_360, %add3A_364 : vector<1x128xf32>
    %rsqrt3A = math.rsqrt %add3A_365 : vector<1x128xf32>
    %mul3A_366 = vector.broadcast %rsqrt3A : vector<1x128xf32> to vector<10000x128xf32>
    %mul3A_367 = arith.mulf %sub3A_362, %mul3A_366 : vector<10000x128xf32>
    %get3A_368 = arith.constant 0 : index
    %get3A_369 = arith.constant 0 : index
    %get3A_370 = vector.load %arg5[%get3A_368, %get3A_369] : memref<1x128xf32, #tpu.memory_space<vmem>>, vector<1x128xf32>
    %mul3A_371 = vector.broadcast %get3A_370 : vector<1x128xf32> to vector<10000x128xf32>
    %mul3A_372 = arith.mulf %mul3A_367, %mul3A_371 : vector<10000x128xf32>
    %get3A_373 = arith.constant 0 : index
    %get3A_374 = arith.constant 0 : index
    %get3A_375 = vector.load %arg6[%get3A_373, %get3A_374] : memref<1x128xf32, #tpu.memory_space<vmem>>, vector<1x128xf32>
    %add3A_376 = vector.broadcast %get3A_375 : vector<1x128xf32> to vector<10000x128xf32>
    %add3A_377 = arith.addf %mul3A_372, %add3A_376 : vector<10000x128xf32>
    %gt3A = arith.constant 0.000000e+00 : f32
    %gt3A_378 = vector.broadcast %gt3A : f32 to vector<10000x128xf32>
    %gt3A_379 = arith.cmpf ogt, %add3A_377, %gt3A_378 : vector<10000x128xf32>
    %min3A = arith.constant 0.000000e+00 : f32
    %min3A_380 = vector.broadcast %min3A : f32 to vector<10000x128xf32>
    %min3A_381 = arith.minimumf %add3A_377, %min3A_380 : vector<10000x128xf32>
    %exp3A = math.exp %min3A_381 : vector<10000x128xf32>
    %sub3A_382 = arith.constant 1.000000e+00 : f32
    %sub3A_383 = vector.broadcast %sub3A_382 : f32 to vector<10000x128xf32>
    %sub3A_384 = arith.subf %exp3A, %sub3A_383 : vector<10000x128xf32>
    %select_n3A = arith.select %gt3A_379, %add3A_377, %sub3A_384 : vector<10000x128xi1>, vector<10000x128xf32>
    %get3A_385 = arith.constant 0 : index
    %get3A_386 = arith.constant 0 : index
    %get3A_387 = vector.load %arg2[%get3A_385, %get3A_386] : memref<10000x128xf32, #tpu.memory_space<vmem>>, vector<10000x128xf32>
    %add3A_388 = arith.addf %get3A_387, %select_n3A : vector<10000x128xf32>
    %swap3A = arith.constant 0 : index
    %swap3A_389 = arith.constant 0 : index
    %swap3A_390 = vector.load %arg7[%swap3A, %swap3A_389] : memref<10000x128xf32, #tpu.memory_space<vmem>>, vector<10000x128xf32>
    tpu.vector_store %arg7[%swap3A, %swap3A_389], %add3A_388 {strides = array<i32>} : memref<10000x128xf32, #tpu.memory_space<vmem>>, vector<10000x128xf32>,
    return
  }
}

</mosaic_0001>

<sc_bundles>
// kernel: kernel.4.cloned.1.call-start
scs
__scs_entry_jumppad:
0x0: {  	(pc) =	sbr.rel $0x88, $3  }
0x1: {  	(tag) =	ssettag $0x0;
	lr =	simm.s32 $0x1  }
0x2: {  	[smem:$0x3F9B] =	sst lr;
	_ =	strace $0xD0000000  }
0x3: {  	_ = 	snop  }
0x4: {  	_ = 	snop  }
0x5: {  	_ = 	snop  }
0x6: {  	_ = 	snop  }
0x7: {  	_ = 	snop  }
__scs_overlays_trampoline_lowered:
0x8: {  	[smem:$0x3FAA] =	sst s0  }
0x9: {  	[smem:$0x3FAB] =	sst s1  }
0xa: {  	[smem:$0x3FAC] =	sst s2  }
0xb: {  	[smem:$0x3FAD] =	sst s3  }
0xc: {  	[smem:$0x3FAE] =	sst s4  }
0xd: {  	[smem:$0x3FAF] =	sst s5  }
0xe: {  	[smem:$0x3FB0] =	sst s6  }
0xf: {  	[smem:$0x3FB1] =	sst s7  }
0x10: {  	[smem:$0x3FB2] =	sst s8  }
0x11: {  	[smem:$0x3FB3] =	sst s9;
	s0 =	simm.s32 @!p0 $0x0  }
0x12: {  	s1 =	sld [smem:$0x3F99];
	s0 =	simm.s32 @p0 $0x1  }
0x13: {  	[smem:$0x3FB4] =	sst s0;
	s0 =	simm.s32 @!p1 $0x0  }
0x14: {  	s2 =	sld [smem:$0x3F98];
	s0 =	simm.s32 @p1 $0x1  }
0x15: {  	[smem:$0x3FB5] =	sst s0;
	s0 =	simm.s32 @!p2 $0x0  }
0x16: {  	s3 =	sld [smem:$0x3FDB];
	s0 =	simm.s32 @p2 $0x1  }
0x17: {  	s4 =	simm.s32 $0x1BF5;
	[smem:$0x3FB7] =	sst s0  }
0x18: {  	s0 =	sld [smem:$0x3F9A];
	_ =	swait.ge [sflag:s4], $0x0  }
0x19: {  	s7 =	sld [smem:$0x3F9B]  }
0x1a: {  	s8 =	sadd.s32 $0xFFFFE003, lr  }
0x1b: {  	s9 =	sadd.s32 $0xFFFFFEF7, lr;
	s5 =	simm.s32 $0xFFFFFFFF;
	p2 =	slt.u32 s8, $0xFFFFF086  }
0x1c: {  	p1 =	slt.u32 s9, $0xF7A;
	s5 =	simm.s32 @!p2 $0x0  }
0x1d: {  	s5 =	simm.s32 @p1 $0x1;
	p0 =	seq.s32 s7, s2  }
0x1e: {  	s7 =	smul.u32 @!p0 $0xF7A, s2;
	p2 =	seq.s32 @!p0 s5, $0x0  }
0x1f: {  	s9 =	smul.u32 $0xF7A, s1;
	s8 =	simm.s32 @!p0 $0x1BF5;
	p2 =	por !p2, p0  }
0x20: {  	[sflag:s8] =	ssyncset.s32 @!p0 $0xFFFFF086;
	s6 =	sadd.s32 @!p0 s3, s7;
	s7 =	simm.s32 @!p0 $0x108  }
0x21: {  	s3 =	sadd.s32 s3, s9;
	s6 =	sadd.s32 @!p0 $0x88, s6;
	s7 =	simm.s32 @p2 $0x1082  }
0x22: {  	[simem:s7], [sflag:s8] =	dma.local @!p0 [hbm:s6], $0xF7A  }
0x23: {  	s9 =	sor.u32 $0xD0000000, s2;
	s6 =	simm.s32 $0x108;
	_ =	swait.ge @!p0 [sflag:s8], $0x0  }
0x24: {  	s3 =	sadd.s32 $0x88, s3;
	s6 =	simm.s32 @!p1 $0x1082;
	[sflag:s4] =	ssyncset.s32 $0xFFFFF086  }
0x25: {  	[simem:s6], [sflag:s4] =	dma.local [hbm:s3], $0xF7A  }
0x26: {  	[smem:$0x3F9B] =	sst s1;
	(tag) =	ssettag s2;
	_ =	strace s9  }
0x27: {  	s1 =	sld [smem:$0x3FAB]  }
0x28: {  	s2 =	sld [smem:$0x3FAC]  }
0x29: {  	s4 =	sld [smem:$0x3FAE]  }
0x2a: {  	p0 =	seq.s32 s5, $0x0;
	s5 =	sld [smem:$0x3FAF]  }
0x2b: {  	s6 =	sld [smem:$0x3FB0]  }
0x2c: {  	s7 =	sld [smem:$0x3FB1]  }
0x2d: {  	s3 =	simm.s32 $0x108;
	s8 =	sld [smem:$0x3FB2]  }
0x2e: {  	s3 =	simm.s32 @!p0 $0x1082;
	s9 =	sld [smem:$0x3FB3]  }
0x2f: {  	lr =	sadd.s32 s0, s3;
	s0 =	sld [smem:$0x3FAA]  }
0x30: {  	s3 =	sld [smem:$0x3FAD]  }
0x31: {  	[smem:$0x3FB6] =	sst s10  }
0x32: {  	s10 =	sld [smem:$0x3FB4];
	_ =	sdelay $0x3  }
0x33: {  	p0 =	seq.s32 s10, $0x1;
	s10 =	sld [smem:$0x3FB6];
	_ =	sdelay $0x3  }
0x34: {  	[smem:$0x3FB6] =	sst s10  }
0x35: {  	s10 =	sld [smem:$0x3FB5];
	_ =	sdelay $0x3  }
0x36: {  	p1 =	seq.s32 s10, $0x1;
	s10 =	sld [smem:$0x3FB6];
	_ =	sdelay $0x3  }
0x37: {  	[smem:$0x3FB6] =	sst s10  }
0x38: {  	s10 =	sld [smem:$0x3FB7]  }
0x39: {  	_ = 	snop;
	(pc) =	sbr.ind lr, $3  }
0x3a: {  	_ = 	snop  }
0x3b: {  	_ = 	snop  }
0x3c: {  	p2 =	seq.s32 s10, $0x1;
	s10 =	sld [smem:$0x3FB6]  }
0x3d: {  	_ =	shalt  }
0x3e: {  	_ =	shalt  }
0x3f: {  	_ =	shalt  }
0x40: {  	_ =	shalt  }
0x41: {  	_ =	shalt  }
0x42: {  	_ =	shalt  }
0x43: {  	_ =	shalt  }
0x44: {  	_ =	shalt  }
0x45: {  	_ =	shalt  }
0x46: {  	_ =	shalt  }
0x47: {  	_ =	shalt  }
0x48: {  	_ =	shalt  }
0x49: {  	_ =	shalt  }
0x4a: {  	_ =	shalt  }
0x4b: {  	_ =	shalt  }
0x4c: {  	_ =	shalt  }
0x4d: {  	_ =	shalt  }
0x4e: {  	_ =	shalt  }
0x4f: {  	_ =	shalt  }
0x50: {  	_ =	shalt  }
0x51: {  	_ =	shalt  }
0x52: {  	_ =	shalt  }
0x53: {  	_ =	shalt  }
0x54: {  	_ =	shalt  }
0x55: {  	_ =	shalt  }
0x56: {  	_ =	shalt  }
0x57: {  	_ =	shalt  }
0x58: {  	_ =	shalt  }
0x59: {  	_ =	shalt  }
0x5a: {  	_ =	shalt  }
0x5b: {  	_ =	shalt  }
0x5c: {  	_ =	shalt  }
0x5d: {  	_ =	shalt  }
0x5e: {  	_ =	shalt  }
0x5f: {  	_ =	shalt  }
0x60: {  	_ =	shalt  }
0x61: {  	_ =	shalt  }
0x62: {  	_ =	shalt  }
0x63: {  	_ =	shalt  }
0x64: {  	_ =	shalt  }
0x65: {  	_ =	shalt  }
0x66: {  	_ =	shalt  }
0x67: {  	_ =	shalt  }
0x68: {  	_ =	shalt  }
0x69: {  	_ =	shalt  }
0x6a: {  	_ =	shalt  }
0x6b: {  	_ =	shalt  }
0x6c: {  	_ =	shalt  }
0x6d: {  	_ =	shalt  }
0x6e: {  	_ =	shalt  }
0x6f: {  	_ =	shalt  }
0x70: {  	_ =	shalt  }
0x71: {  	_ =	shalt  }
0x72: {  	_ =	shalt  }
0x73: {  	_ =	shalt  }
0x74: {  	_ =	shalt  }
0x75: {  	_ =	shalt  }
0x76: {  	_ =	shalt  }
0x77: {  	_ =	shalt  }
0x78: {  	_ =	shalt  }
0x79: {  	_ =	shalt  }
0x7a: {  	_ =	shalt  }
0x7b: {  	_ =	shalt  }
0x7c: {  	_ =	shalt  }
0x7d: {  	_ =	shalt  }
0x7e: {  	_ =	shalt  }
0x7f: {  	_ =	shalt  }
0x80: {  	_ =	shalt  }
0x81: {  	_ =	shalt  }
0x82: {  	_ =	shalt  }
0x83: {  	_ =	shalt  }
0x84: {  	_ =	shalt  }
0x85: {  	_ =	shalt  }
0x86: {  	_ =	shalt  }
0x87: {  	_ =	shalt  }
.Lfunc_end0:
.L_simem_size_0:
called_computation_lowered:
.L_overlay_start_0:
0x88: {  	s2 =	sld [smem:$0x3FD9]  }
0x89: {  	s3 =	sld [smem:$0x3FFE];
	_ =	sdelay $0x1  }
0x8a: {  	s1 =	srdreg.scid  }
0x8b: {  	s0 =	sand.u32 $0x1, s1  }
0x8c: {  	s17 =	sshll.u32 s0, $0xA;
	s2 =	sadd.s32 s3, s2  }
0x8d: {  	s2 =	sadd.s32 s2, s17  }
0x8e: {  	[smem:$0x3FC2] =	sst s2  }
0x8f: {  	_ = 	snop  }
0x90: {  	s2 =	sld [smem:$0x3FC9]  }
0x91: {  	s18 =	sld [smem:$0x3FC8]  }
0x92: {  	s4 =	sld [smem:$0x3FD0];
	(tm) =	ssettm $0x1  }
0x93: {  	s5 =	sld [smem:$0x3FFB];
	_ =	sdelay $0x3  }
0x94: {  	_ =	strace s5  }
0x95: {  	s5 =	sld [smem:$0x3FFC];
	_ =	sdelay $0x3  }
0x96: {  	_ =	strace s5  }
0x97: {  	s5 =	sld [smem:$0x3FFD];
	_ =	sdelay $0x3  }
0x98: {  	_ =	strace s5  }
0x99: {  	_ =	strace $0x8FFFFFFF  }
0x9a: {  	s19 =	sld [smem:$0x3FDB];
	_ =	sdelay $0x1  }
0x9b: {  	s6 =	simm.s32 $_scs_section_size  }
0x9c: {  	s7 =	simm.s32 $_size__tile_overlayer_lowered;
	s8 =	simm.s32 $_tile_overlayer_lowered  }
0x9d: {  	s22 =	simm.s32 $0x1BFF;
	s21 =	sshll.u32 s8, $0x1;
	s5 =	sadd.s32 s6, s19  }
0x9e: {  	s9 =	simm.s32 $0x0;
	s20 =	sshll.u32 s7, $0x1;
	s7 =	sadd.s32 s21, s5  }
0x9f: {  	[timem:s9], [sflag:s22] =	dma.local [hbm:s7], s20  }
0xa0: {  	_ =	swait.ge [sflag:s22], s20  }
0xa1: {  	s6 =	ssub.s32 $0x0, s20;
	[sflag:s22] =	ssyncset.done $0x0  }
0xa2: {  	[sflag:s22] =	ssyncadd.s32 s6;
	_ =	sdelay $0x1  }
0xa3: {  	s23 =	simm.s32 $0x1B8B  }
0xa4: {  	_ =	swait.ge [sflag:s23], $0x1  }
0xa5: {  	[sflag:s23] =	ssyncset.done $0x0  }
0xa6: {  	s25 =	simm.s32 $0x1B8E;
	s24 =	sld [smem:$0x3FFE];
	[sflag:s23] =	ssyncadd.s32 $0xFFFFFFFF  }
0xa7: {  	s26 =	simm.s32 $execute0_lowered;
	[smem:$0x3FD2] =	sst s25  }
0xa8: {  	s7 =	sshll.u32 s26, $0x1;
	_ =	strace $0x80000046;
	[dreg:$0x1] =	wrdreg $0xFFFFFFFF  }
0xa9: {  	s28 =	simm.s32 $_size_execute0_lowered;
	s5 =	sadd.s32 s5, s7;
	[dreg:$0x0] =	wrdreg $0x0  }
0xaa: {  	s7 =	sshll.u32 s28, $0x1;
	[dreg:$0x2] =	wrdreg s5  }
0xab: {  	[dreg:$0x3] =	wrdreg s7  }
0xac: {  	[dreg:$0x4] =	wrdreg $0xC0  }
0xad: {  	_ =	task [dreg:s9], $0x5FFFF  }
0xae: {  	[dreg:$0x1] =	wrdreg $0xFFFFFFFF  }
0xaf: {  	[dreg:$0x0] =	wrdreg $0x60  }
0xb0: {  	[dreg:$0x2] =	wrdreg s2  }
0xb1: {  	[dreg:$0x3] =	wrdreg s18  }
0xb2: {  	[dreg:$0x4] =	wrdreg s24  }
0xb3: {  	[dreg:$0x5] =	wrdreg s4  }
0xb4: {  	[dreg:$0x6] =	wrdreg $0x8D000  }
0xb5: {  	[dreg:$0x7] =	wrdreg $0x1CD000  }
0xb6: {  	[dreg:$0x8] =	wrdreg $0x9  }
0xb7: {  	_ =	task.clear_ibuf [dreg:s9], $0x9FFFF;
	_ =	strace $0x90000046  }
0xb8: {  	s29 =	simm.s32 $0x9;
	_ =	strace $0x80000048  }
0xb9: {  	_ =	swait.ge [sflag:s29], $0x1  }
0xba: {  	[sflag:s29] =	ssyncadd.s32 $0xFFFFFFFF  }
0xbb: {  	_ =	strace $0x90000048  }
0xbc: {  	_ =	sfence  }
0xbd: {  	s30 =	sld [smem:$0x0];
	_ =	sdelay $0x2  }
0xbe: {  	s31 =	sshll.u32 s1, $0xD;
	s1 =	sshrl.u32 s1, $0x2  }
0xbf: {  	s3 =	sand.u32 $0x4000, s31;
	s1 =	sadd.s32 s1, s30  }
0xc0: {  	s0 =	sor.u32 s3, s0;
	s1 =	sshll.u32 s1, $0x11  }
0xc1: {  	s0 =	sor.u32 s1, s0  }
0xc2: {  	s0 =	sadd.s32 $0x8F2B, s0  }
0xc3: {  	[sflag:s0] =	ssyncadd.remote.s32 $0x1  }
0xc4: {  	_ =	sfence.sel $0xFFFF  }
0xc5: {  	[dreg:$0x0] =	wrdreg $0xFFFFFFFF;
	(pc) =	sbr.abs _section_cstart, $3  }
0xc6: {  	[dreg:$0x1] =	wrdreg $0xFFFFFFFF  }
0xc7: {  	_ =	task.clear_ibuf [dreg:s9], $0x2FFFF;
	_ =	strace $0x9FFFFFFF  }
0xc8: {  	(tm) =	ssettm $0x7FFFFFFF  }
0xc9: {  	_ =	shalt  }
tec
execute0_lowered:
.L_overlay_start_1:
0x0: {  	(tag) =	ssettag $0x1  }
0x1: {  	s0 =	rddreg [dreg:$0x0]  }
0x2: {  	s6 =	rddreg [dreg:$0x1]  }
0x3: {  	s7 =	rddreg [dreg:$0x2]  }
0x4: {  	s2 =	rddreg [dreg:$0x3];
	s1 =	srdreg.scid  }
0x5: {  	s3 =	rddreg [dreg:$0x4];
	s17 =	stileid.u32  }
0x6: {  	s4 =	rddreg [dreg:$0x5];
	s9 =	smul.u32 $0x14000, s17  }
0x7: {  	s5 =	simm.s32 $0x0;
	s29 =	simm.s32 $0x8C00;
	s11 =	smul.u32 $0x280, s17  }
0x8: {  	s30 =	simm.s32 $0x2;
	s8 =	sand.u32 $0x1, s1;
	s14 =	smul.u32 $0x50000, s17  }
0x9: {  	[smem:$0x7FF] =	sst s5;
	s1 =	smul.u32 $0x140000, s8;
	s25 =	sshll.u32 s8, $0x4  }
0xa: {  	_ =	strace $0x80000047;
	s26 =	ssub.s32 $0x2, s8;
	s22 =	smul.u32 $0x4E0, s8  }
0xb: {  	s13 =	sshrl.u32 s26, $0x1;
	s28 =	sadd.s32 $0x80, s11;
	s14 =	sshrl.u32 s14, $0x2  }
0xc: {  	s16 =	sadd.s32 s11, s4;
	s21 =	sadd.s32 $0x100, s11;
	s1 =	sadd.s32 s9, s1  }
0xd: {  	s15 =	sshll.u32 s28, $0x7;
	s31 =	sadd.s32 s14, s3;
	[dreg:$0x10] =	wrdreg s16  }
0xe: {  	s20 =	sadd.s32 s28, s4;
	s23 =	sshll.u32 s21, $0x7;
	s16 =	smul.u32 $0x4E, s17  }
0xf: {  	s10 =	sshrl.u32 s1, $0x3;
	s1 =	sor.u32 s17, s25;
	s19 =	sadd.s32 s15, s3  }
0x10: {  	[dreg:$0x12] =	wrdreg s20;
	s15 =	sadd.s32 $0x180, s11;
	s14 =	sadd.s32 s23, s3  }
0x11: {  	s25 =	sadd.s32 $0x200, s11;
	s20 =	sshll.u32 s8, $0x7;
	s23 =	simm.s32 $0x800  }
0x12: {  	s8 =	simm.s32 $0xB80;
	[dreg:$0xf] =	wrdreg s31;
	s7 =	sadd.s32 s10, s7  }
0x13: {  	s9 =	smul.u32 $0x4E, s1;
	s12 =	smin.u32 s1, $0x4;
	[dreg:$0x11] =	wrdreg s19  }
0x14: {  	s10 =	ssub.s32 s26, s13;
	[dreg:$0x13] =	wrdreg s14;
	s24 =	sshll.u32 s15, $0x7  }
0x15: {  	s26 =	sadd.s32 s16, s22;
	s28 =	sadd.s32 s15, s4;
	s14 =	sshll.u32 s25, $0x7  }
0x16: {  	s19 =	smul.u32 $0x500, s17;
	s22 =	simm.s32 $0x700;
	[dreg:$0xa] =	wrdreg s23  }
0x17: {  	s23 =	simm.s32 $0x4C00;
	p0 =	sgt.u32 s1, $0x3;
	s1 =	simm.s32 $0x1  }
0x18: {  	s17 =	simm.s32 $0x680;
	[dreg:$0x16] =	wrdreg s28;
	s11 =	sadd.s32 s12, s26  }
0x19: {  	s15 =	sadd.s32 s14, s3;
	s7 =	sadd.s32 $0x1600, s7;
	[dreg:$0x9] =	wrdreg s22  }
0x1a: {  	s26 =	simm.s32 $0xA00;
	s22 =	simm.s32 $0x80;
	[dreg:$0x17] =	wrdreg s15  }
0x1b: {  	s28 =	simm.s32 $0xB00;
	s14 =	simm.s32 $0x480;
	[dreg:$0x1a] =	wrdreg s7  }
0x1c: {  	s9 =	sadd.s32 s12, s9;
	s16 =	sshll.u32 s11, $0x5;
	[dreg:$0xc] =	wrdreg s26  }
0x1d: {  	s7 =	sor.u32 s20, s19;
	[dreg:$0xd] =	wrdreg s28;
	s26 =	simm.s32 $0x600  }
0x1e: {  	s12 =	simm.s32 $0x380;
	s15 =	simm.s32 $0x4;
	s9 =	sshll.u32 s9, $0x5  }
0x1f: {  	s19 =	simm.s32 $0x980;
	s18 =	sadd.s32 s6, s9;
	s9 =	sadd.s32 s21, s4  }
0x20: {  	s20 =	simm.s32 $0xA80;
	s7 =	sshrl.u32 s7, $0x3;
	[dreg:$0x14] =	wrdreg s9  }
0x21: {  	s11 =	simm.s32 $0x0;
	s2 =	sadd.s32 s2, s7;
	[dreg:$0xe] =	wrdreg s18  }
0x22: {  	s6 =	sadd.s32 s16, s6;
	s9 =	sadd.s32 s24, s3;
	[dreg:$0x1b] =	wrdreg s2  }
0x23: {  	s16 =	simm.s32 $0x580;
	s18 =	sadd.s32 $0x9C0, s18;
	[dreg:$0x15] =	wrdreg s9  }
0x24: {  	s7 =	simm.s32 $0x3;
	s21 =	sadd.s32 $0x180, s6;
	[dreg:$0x19] =	wrdreg s18  }
0x25: {  	s6 =	sadd.s32 $0xC0, s6;
	s24 =	smax.u32 s10, $0x1;
	[dreg:$0x7] =	wrdreg s21  }
0x26: {  	s2 =	simm.s32 $0x180;
	s10 =	simm.s32 $0x280;
	[dreg:$0x8] =	wrdreg s6  }
0x27: {  	s9 =	sadd.s32 s25, s4;
	[dreg:$0x1c] =	wrdreg s24;
	s25 =	simm.s32 $0x900  }
0x28: {  	s21 =	simm.s32 $0x5;
	s24 =	simm.s32 $0xC00;
	[dreg:$0x18] =	wrdreg s9  }
0x29: {  	v0 =	vimm.f32 $1.000000000e+00;
	v1 =	vimm.f32 $0.0e+00;
	s18 =	simm.s32 $0x780;
	s6 =	simm.s32 $0x880;
	[dreg:$0xb] =	wrdreg s25  }
.LBB2_1:
0x2a: {  	[dreg:$0x1d] =	wrdreg s11  }
0x2b: {  	s9 =	rddreg [dreg:$0xe]  }
0x2c: {  	[tilespmem:s5], [sflag:$0x5] =	stream.linear.gather [hbm4b:s9+s5], $0x600, $0x38;
	[tilespmem:$0x1CF80] =	vst v63  }
0x2d: {  	_ =	swait.ge [sflag:s21], $0x600  }
0x2e: {  	[sflag:s21] =	ssyncset.done $0x0  }
0x2f: {  	[sflag:s21] =	ssyncadd.s32 $0xFFFFFA00  }
0x30: {  	[tilespmem:s23], [sflag:$0x2] =	stream.indirect.gather [hbm4b:s0+s22], $0x80, s5, s22, $0xb8;
	[tilespmem:$0x1CF80] =	vst v63  }
0x31: {  	[tilespmem:$0x8C00] =	vst v0  }
0x32: {  	[tilespmem:$0x8C80] =	vst v1  }
0x33: {  	[tilespmem:$0x8C10] =	vst v0  }
0x34: {  	[tilespmem:$0x8C90] =	vst v1  }
0x35: {  	[tilespmem:$0x8C20] =	vst v0  }
0x36: {  	[tilespmem:$0x8CA0] =	vst v1  }
0x37: {  	[tilespmem:$0x8C30] =	vst v0  }
0x38: {  	[tilespmem:$0x8CB0] =	vst v1  }
0x39: {  	[tilespmem:$0x8C40] =	vst v0  }
0x3a: {  	[tilespmem:$0x8CC0] =	vst v1  }
0x3b: {  	[tilespmem:$0x8C50] =	vst v0  }
0x3c: {  	[tilespmem:$0x8CD0] =	vst v1  }
0x3d: {  	[tilespmem:$0x8C60] =	vst v0  }
0x3e: {  	[tilespmem:$0x8CE0] =	vst v1  }
0x3f: {  	[tilespmem:$0x8C70] =	vst v0  }
0x40: {  	s25 =	simm.s32 $0x0;
	s28 =	simm.s32 $0x200;
	[tilespmem:$0x8CF0] =	vst v1  }
.LBB2_2:
0x41: {  	p1 =	sne.s32 s28, $0xFE00;
	[tilespmem:s25+$0xC70] =	vst v1  }
0x42: {  	[tilespmem:s25+$0xC00] =	vst v1  }
0x43: {  	[tilespmem:s25+$0xC10] =	vst v1  }
.Ltmp0:
0x44: {  	[tilespmem:s25+$0xC20] =	vst v1;
	(pc) =	sbr.rel @p1 .LBB2_2-.Ltmp0, $4  }
0x45: {  	[tilespmem:s25+$0xC30] =	vst v1  }
0x46: {  	[tilespmem:s25+$0xC40] =	vst v1  }
0x47: {  	[tilespmem:s25+$0xC50] =	vst v1  }
0x48: {  	[tilespmem:s25+$0xC60] =	vst v1;
	s25 =	sshra.s32 s28, $0x2;
	s28 =	sadd.s32 $0x200, s28  }
0x49: {  	[tilespmem:s25+$0xC70] =	vst v1  }
0x4a: {  	[tilespmem:s25+$0xC00] =	vst v1  }
0x4b: {  	[tilespmem:s25+$0xC10] =	vst v1  }
0x4c: {  	[tilespmem:s25+$0xC20] =	vst v1  }
0x4d: {  	[tilespmem:s25+$0xC30] =	vst v1  }
0x4e: {  	[tilespmem:s25+$0xC40] =	vst v1  }
0x4f: {  	[tilespmem:s25+$0xC50] =	vst v1  }
0x50: {  	[tilespmem:s25+$0xC60] =	vst v1  }
0x51: {  	[spmem:s31] =	stream.linear.scatter [tilespmem:s24], [sflag:$0x5], $0x4000, $0x38;
	[tilespmem:$0x1CF80] =	vst v63  }
0x52: {  	_ =	swait.ge [sflag:s21], $0x4000  }
0x53: {  	[sflag:s21] =	ssyncset.done $0x0  }
0x54: {  	s11 =	simm.s32 $0x8C80;
	s9 =	rddreg [dreg:$0x10];
	[sflag:s21] =	ssyncadd.s32 $0xFFFFC000  }
0x55: {  	[spmem:s9] =	stream.linear.scatter [tilespmem:s11], [sflag:$0x5], $0x80, $0x38;
	[tilespmem:$0x1CF80] =	vst v63  }
0x56: {  	_ =	swait.ge [sflag:s21], $0x80  }
0x57: {  	[sflag:s21] =	ssyncset.done $0x0  }
0x58: {  	s31 =	rddreg [dreg:$0x11];
	[sflag:s21] =	ssyncadd.s32 $0xFFFFFF80  }
0x59: {  	[spmem:s31] =	stream.linear.scatter [tilespmem:s24], [sflag:$0x5], $0x4000, $0x38;
	[tilespmem:$0x1CF80] =	vst v63  }
0x5a: {  	_ =	swait.ge [sflag:s21], $0x4000  }
0x5b: {  	[sflag:s21] =	ssyncset.done $0x0  }
0x5c: {  	s13 =	rddreg [dreg:$0x12];
	[sflag:s21] =	ssyncadd.s32 $0xFFFFC000  }
0x5d: {  	[spmem:s13] =	stream.linear.scatter [tilespmem:s11], [sflag:$0x5], $0x80, $0x38;
	[tilespmem:$0x1CF80] =	vst v63  }
0x5e: {  	_ =	swait.ge [sflag:s21], $0x80  }
0x5f: {  	[sflag:s21] =	ssyncset.done $0x0  }
0x60: {  	s25 =	rddreg [dreg:$0x13];
	[sflag:s21] =	ssyncadd.s32 $0xFFFFFF80  }
0x61: {  	[spmem:s25] =	stream.linear.scatter [tilespmem:s24], [sflag:$0x5], $0x4000, $0x38;
	[tilespmem:$0x1CF80] =	vst v63  }
0x62: {  	_ =	swait.ge [sflag:s21], $0x4000  }
0x63: {  	[sflag:s21] =	ssyncset.done $0x0  }
0x64: {  	s31 =	rddreg [dreg:$0x14];
	[sflag:s21] =	ssyncadd.s32 $0xFFFFC000  }
0x65: {  	[spmem:s31] =	stream.linear.scatter [tilespmem:s11], [sflag:$0x5], $0x80, $0x38;
	[tilespmem:$0x1CF80] =	vst v63  }
0x66: {  	_ =	swait.ge [sflag:s21], $0x80  }
0x67: {  	[sflag:s21] =	ssyncset.done $0x0  }
0x68: {  	s13 =	rddreg [dreg:$0x15];
	[sflag:s21] =	ssyncadd.s32 $0xFFFFFF80  }
0x69: {  	[spmem:s13] =	stream.linear.scatter [tilespmem:s24], [sflag:$0x5], $0x4000, $0x38;
	[tilespmem:$0x1CF80] =	vst v63  }
0x6a: {  	_ =	swait.ge [sflag:s21], $0x4000  }
0x6b: {  	[sflag:s21] =	ssyncset.done $0x0  }
0x6c: {  	s25 =	rddreg [dreg:$0x16];
	[sflag:s21] =	ssyncadd.s32 $0xFFFFC000  }
0x6d: {  	[spmem:s25] =	stream.linear.scatter [tilespmem:s11], [sflag:$0x5], $0x80, $0x38;
	[tilespmem:$0x1CF80] =	vst v63  }
0x6e: {  	_ =	swait.ge [sflag:s21], $0x80  }
0x6f: {  	[sflag:s21] =	ssyncset.done $0x0  }
0x70: {  	s31 =	rddreg [dreg:$0x17];
	[sflag:s21] =	ssyncadd.s32 $0xFFFFFF80  }
0x71: {  	[spmem:s31] =	stream.linear.scatter [tilespmem:s24], [sflag:$0x5], $0x4000, $0x38;
	[tilespmem:$0x1CF80] =	vst v63  }
0x72: {  	_ =	swait.ge [sflag:s21], $0x4000  }
0x73: {  	[sflag:s21] =	ssyncset.done $0x0  }
0x74: {  	s13 =	rddreg [dreg:$0x18];
	[sflag:s21] =	ssyncadd.s32 $0xFFFFC000  }
0x75: {  	[spmem:s13] =	stream.linear.scatter [tilespmem:s11], [sflag:$0x5], $0x80, $0x38;
	[tilespmem:$0x1CF80] =	vst v63  }
0x76: {  	_ =	swait.ge [sflag:s21], $0x80  }
0x77: {  	[sflag:s21] =	ssyncset.done $0x0  }
0x78: {  	[sflag:s21] =	ssyncadd.s32 $0xFFFFFF80  }
0x79: {  	[bflag:$0x0] =	sbarrier.arrive $0xFFFF  }
0x7a: {  	s25 =	rddreg [dreg:$0x8]  }
0x7b: {  	s9 =	sadd.s32 $0x0, s25  }
0x7c: {  	[tilespmem:s26], [sflag:$0x4] =	stream.linear.gather [hbm4b:s9+s5], $0x600, $0x38;
	[tilespmem:$0x1CF80] =	vst v63  }
0x7d: {  	s11 =	simm.s32 $0x100  }
0x7e: {  	[tilespmem:s24], [sflag:$0x1] =	stream.indirect.gather [hbm4b:s0+s22], $0x80, s11, s22, $0xb8;
	[tilespmem:$0x1CF80] =	vst v63  }
0x7f: {  	_ = 	snop  }
0x80: {  	[spmem:s4] =	stream.indirect.scatter.add.f32 [tilespmem:s29], [sflag:$0x5], $0x1, s22, s22, $0xb8;
	[tilespmem:$0x1CF80] =	vst v63  }
0x81: {  	_ =	swait.ge [sflag:s21], $0x80  }
0x82: {  	[sflag:s21] =	ssyncset.done $0x0  }
0x83: {  	[sflag:s21] =	ssyncadd.s32 $0xFFFFFF80  }
0x84: {  	_ =	swait.ge [sflag:s30], $0x4000  }
0x85: {  	[sflag:s30] =	ssyncset.done $0x0  }
0x86: {  	[sflag:s30] =	ssyncadd.s32 $0xFFFFC000  }
0x87: {  	[spmem:s3] =	stream.indirect.scatter.add.f32 [tilespmem:s23], [sflag:$0x5], $0x80, s22, s22, $0xb8;
	[tilespmem:$0x1CF80] =	vst v63  }
0x88: {  	_ =	swait.ge [sflag:s21], $0x4000  }
0x89: {  	[sflag:s21] =	ssyncset.done $0x0  }
0x8a: {  	s31 =	simm.s32 $0x200;
	[sflag:s21] =	ssyncadd.s32 $0xFFFFC000  }
0x8b: {  	[tilespmem:s23], [sflag:$0x2] =	stream.indirect.gather [hbm4b:s0+s22], $0x80, s31, s22, $0xb8;
	[tilespmem:$0x1CF80] =	vst v63  }
0x8c: {  	_ = 	snop  }
0x8d: {  	[spmem:s4] =	stream.indirect.scatter.add.f32 [tilespmem:s29], [sflag:$0x5], $0x1, s2, s22, $0xb8;
	[tilespmem:$0x1CF80] =	vst v63  }
0x8e: {  	_ =	swait.ge [sflag:s21], $0x80  }
0x8f: {  	[sflag:s21] =	ssyncset.done $0x0  }
0x90: {  	[sflag:s21] =	ssyncadd.s32 $0xFFFFFF80  }
0x91: {  	_ =	swait.ge [sflag:s1], $0x4000  }
0x92: {  	[sflag:s1] =	ssyncset.done $0x0  }
0x93: {  	[sflag:s1] =	ssyncadd.s32 $0xFFFFC000  }
0x94: {  	[spmem:s3] =	stream.indirect.scatter.add.f32 [tilespmem:s24], [sflag:$0x5], $0x80, s2, s22, $0xb8;
	[tilespmem:$0x1CF80] =	vst v63  }
0x95: {  	_ =	swait.ge [sflag:s21], $0x4000  }
0x96: {  	[sflag:s21] =	ssyncset.done $0x0  }
0x97: {  	s13 =	simm.s32 $0x300;
	[sflag:s21] =	ssyncadd.s32 $0xFFFFC000  }
0x98: {  	[tilespmem:s24], [sflag:$0x1] =	stream.indirect.gather [hbm4b:s0+s22], $0x80, s13, s22, $0xb8;
	[tilespmem:$0x1CF80] =	vst v63  }
0x99: {  	_ = 	snop  }
0x9a: {  	[spmem:s4] =	stream.indirect.scatter.add.f32 [tilespmem:s29], [sflag:$0x5], $0x1, s10, s22, $0xb8;
	[tilespmem:$0x1CF80] =	vst v63  }
0x9b: {  	_ =	swait.ge [sflag:s21], $0x80  }
0x9c: {  	[sflag:s21] =	ssyncset.done $0x0  }
0x9d: {  	[sflag:s21] =	ssyncadd.s32 $0xFFFFFF80  }
0x9e: {  	_ =	swait.ge [sflag:s30], $0x4000  }
0x9f: {  	[sflag:s30] =	ssyncset.done $0x0  }
0xa0: {  	[sflag:s30] =	ssyncadd.s32 $0xFFFFC000  }
0xa1: {  	[spmem:s3] =	stream.indirect.scatter.add.f32 [tilespmem:s23], [sflag:$0x5], $0x80, s10, s22, $0xb8;
	[tilespmem:$0x1CF80] =	vst v63  }
0xa2: {  	_ =	swait.ge [sflag:s21], $0x4000  }
0xa3: {  	[sflag:s21] =	ssyncset.done $0x0  }
0xa4: {  	s25 =	simm.s32 $0x400;
	[sflag:s21] =	ssyncadd.s32 $0xFFFFC000  }
0xa5: {  	[tilespmem:s23], [sflag:$0x2] =	stream.indirect.gather [hbm4b:s0+s22], $0x80, s25, s22, $0xb8;
	[tilespmem:$0x1CF80] =	vst v63  }
0xa6: {  	_ = 	snop  }
0xa7: {  	[spmem:s4] =	stream.indirect.scatter.add.f32 [tilespmem:s29], [sflag:$0x5], $0x1, s12, s22, $0xb8;
	[tilespmem:$0x1CF80] =	vst v63  }
0xa8: {  	_ =	swait.ge [sflag:s21], $0x80  }
0xa9: {  	[sflag:s21] =	ssyncset.done $0x0  }
0xaa: {  	[sflag:s21] =	ssyncadd.s32 $0xFFFFFF80  }
0xab: {  	_ =	swait.ge [sflag:s1], $0x4000  }
0xac: {  	[sflag:s1] =	ssyncset.done $0x0  }
0xad: {  	[sflag:s1] =	ssyncadd.s32 $0xFFFFC000  }
0xae: {  	[spmem:s3] =	stream.indirect.scatter.add.f32 [tilespmem:s24], [sflag:$0x5], $0x80, s12, s22, $0xb8;
	[tilespmem:$0x1CF80] =	vst v63  }
0xaf: {  	_ =	swait.ge [sflag:s21], $0x4000  }
0xb0: {  	[sflag:s21] =	ssyncset.done $0x0  }
0xb1: {  	s31 =	simm.s32 $0x500;
	[sflag:s21] =	ssyncadd.s32 $0xFFFFC000  }
0xb2: {  	[tilespmem:s24], [sflag:$0x1] =	stream.indirect.gather [hbm4b:s0+s22], $0x80, s31, s22, $0xb8;
	[tilespmem:$0x1CF80] =	vst v63  }
0xb3: {  	_ = 	snop  }
0xb4: {  	[spmem:s4] =	stream.indirect.scatter.add.f32 [tilespmem:s29], [sflag:$0x5], $0x1, s14, s22, $0xb8;
	[tilespmem:$0x1CF80] =	vst v63  }
0xb5: {  	_ =	swait.ge [sflag:s21], $0x80  }
0xb6: {  	[sflag:s21] =	ssyncset.done $0x0  }
0xb7: {  	[sflag:s21] =	ssyncadd.s32 $0xFFFFFF80  }
0xb8: {  	_ =	swait.ge [sflag:s30], $0x4000  }
0xb9: {  	[sflag:s30] =	ssyncset.done $0x0  }
0xba: {  	[sflag:s30] =	ssyncadd.s32 $0xFFFFC000  }
0xbb: {  	[spmem:s3] =	stream.indirect.scatter.add.f32 [tilespmem:s23], [sflag:$0x5], $0x80, s14, s22, $0xb8;
	[tilespmem:$0x1CF80] =	vst v63  }
0xbc: {  	_ =	swait.ge [sflag:s21], $0x4000  }
0xbd: {  	[sflag:s21] =	ssyncset.done $0x0  }
0xbe: {  	[sflag:s21] =	ssyncadd.s32 $0xFFFFC000  }
0xbf: {  	_ =	swait.ge [sflag:s15], $0x600  }
0xc0: {  	[sflag:s15] =	ssyncset.done $0x0  }
0xc1: {  	[sflag:s15] =	ssyncadd.s32 $0xFFFFFA00  }
0xc2: {  	[tilespmem:s23], [sflag:$0x2] =	stream.indirect.gather [hbm4b:s0+s22], $0x80, s26, s22, $0xb8;
	[tilespmem:$0x1CF80] =	vst v63  }
0xc3: {  	_ = 	snop  }
0xc4: {  	[spmem:s4] =	stream.indirect.scatter.add.f32 [tilespmem:s29], [sflag:$0x5], $0x1, s16, s22, $0xb8;
	[tilespmem:$0x1CF80] =	vst v63  }
0xc5: {  	_ =	swait.ge [sflag:s21], $0x80  }
0xc6: {  	[sflag:s21] =	ssyncset.done $0x0  }
0xc7: {  	[sflag:s21] =	ssyncadd.s32 $0xFFFFFF80  }
0xc8: {  	_ =	swait.ge [sflag:s1], $0x4000  }
0xc9: {  	[sflag:s1] =	ssyncset.done $0x0  }
0xca: {  	[sflag:s1] =	ssyncadd.s32 $0xFFFFC000  }
0xcb: {  	[spmem:s3] =	stream.indirect.scatter.add.f32 [tilespmem:s24], [sflag:$0x5], $0x80, s16, s22, $0xb8;
	[tilespmem:$0x1CF80] =	vst v63  }
0xcc: {  	_ =	swait.ge [sflag:s21], $0x4000  }
0xcd: {  	s25 =	rddreg [dreg:$0x7];
	[sflag:s21] =	ssyncset.done $0x0  }
0xce: {  	[sflag:s21] =	ssyncadd.s32 $0xFFFFC000;
	s9 =	sadd.s32 $0x0, s25  }
0xcf: {  	[tilespmem:s5], [sflag:$0x3] =	stream.linear.gather [hbm4b:s9+s5], $0x600, $0x38;
	[tilespmem:$0x1CF80] =	vst v63  }
0xd0: {  	s31 =	rddreg [dreg:$0x9]  }
0xd1: {  	[tilespmem:s24], [sflag:$0x1] =	stream.indirect.gather [hbm4b:s0+s22], $0x80, s31, s22, $0xb8;
	[tilespmem:$0x1CF80] =	vst v63  }
0xd2: {  	_ = 	snop  }
0xd3: {  	[spmem:s4] =	stream.indirect.scatter.add.f32 [tilespmem:s29], [sflag:$0x5], $0x1, s17, s22, $0xb8;
	[tilespmem:$0x1CF80] =	vst v63  }
0xd4: {  	_ =	swait.ge [sflag:s21], $0x80  }
0xd5: {  	[sflag:s21] =	ssyncset.done $0x0  }
0xd6: {  	[sflag:s21] =	ssyncadd.s32 $0xFFFFFF80  }
0xd7: {  	_ =	swait.ge [sflag:s30], $0x4000  }
0xd8: {  	[sflag:s30] =	ssyncset.done $0x0  }
0xd9: {  	[sflag:s30] =	ssyncadd.s32 $0xFFFFC000  }
0xda: {  	[spmem:s3] =	stream.indirect.scatter.add.f32 [tilespmem:s23], [sflag:$0x5], $0x80, s17, s22, $0xb8;
	[tilespmem:$0x1CF80] =	vst v63  }
0xdb: {  	_ =	swait.ge [sflag:s21], $0x4000  }
0xdc: {  	[sflag:s21] =	ssyncset.done $0x0  }
0xdd: {  	s25 =	rddreg [dreg:$0xa];
	[sflag:s21] =	ssyncadd.s32 $0xFFFFC000  }
0xde: {  	[tilespmem:s23], [sflag:$0x2] =	stream.indirect.gather [hbm4b:s0+s22], $0x80, s25, s22, $0xb8;
	[tilespmem:$0x1CF80] =	vst v63  }
0xdf: {  	_ = 	snop  }
0xe0: {  	[spmem:s4] =	stream.indirect.scatter.add.f32 [tilespmem:s29], [sflag:$0x5], $0x1, s18, s22, $0xb8;
	[tilespmem:$0x1CF80] =	vst v63  }
0xe1: {  	_ =	swait.ge [sflag:s21], $0x80  }
0xe2: {  	[sflag:s21] =	ssyncset.done $0x0  }
0xe3: {  	[sflag:s21] =	ssyncadd.s32 $0xFFFFFF80  }
0xe4: {  	_ =	swait.ge [sflag:s1], $0x4000  }
0xe5: {  	[sflag:s1] =	ssyncset.done $0x0  }
0xe6: {  	[sflag:s1] =	ssyncadd.s32 $0xFFFFC000  }
0xe7: {  	[spmem:s3] =	stream.indirect.scatter.add.f32 [tilespmem:s24], [sflag:$0x5], $0x80, s18, s22, $0xb8;
	[tilespmem:$0x1CF80] =	vst v63  }
0xe8: {  	_ =	swait.ge [sflag:s21], $0x4000  }
0xe9: {  	[sflag:s21] =	ssyncset.done $0x0  }
0xea: {  	s31 =	rddreg [dreg:$0xb];
	[sflag:s21] =	ssyncadd.s32 $0xFFFFC000  }
0xeb: {  	[tilespmem:s24], [sflag:$0x1] =	stream.indirect.gather [hbm4b:s0+s22], $0x80, s31, s22, $0xb8;
	[tilespmem:$0x1CF80] =	vst v63  }
0xec: {  	_ = 	snop  }
0xed: {  	[spmem:s4] =	stream.indirect.scatter.add.f32 [tilespmem:s29], [sflag:$0x5], $0x1, s6, s22, $0xb8;
	[tilespmem:$0x1CF80] =	vst v63  }
0xee: {  	_ =	swait.ge [sflag:s21], $0x80  }
0xef: {  	[sflag:s21] =	ssyncset.done $0x0  }
0xf0: {  	[sflag:s21] =	ssyncadd.s32 $0xFFFFFF80  }
0xf1: {  	_ =	swait.ge [sflag:s30], $0x4000  }
0xf2: {  	[sflag:s30] =	ssyncset.done $0x0  }
0xf3: {  	[sflag:s30] =	ssyncadd.s32 $0xFFFFC000  }
0xf4: {  	[spmem:s3] =	stream.indirect.scatter.add.f32 [tilespmem:s23], [sflag:$0x5], $0x80, s6, s22, $0xb8;
	[tilespmem:$0x1CF80] =	vst v63  }
0xf5: {  	_ =	swait.ge [sflag:s21], $0x4000  }
0xf6: {  	[sflag:s21] =	ssyncset.done $0x0  }
0xf7: {  	s25 =	rddreg [dreg:$0xc];
	[sflag:s21] =	ssyncadd.s32 $0xFFFFC000  }
0xf8: {  	[tilespmem:s23], [sflag:$0x2] =	stream.indirect.gather [hbm4b:s0+s22], $0x80, s25, s22, $0xb8;
	[tilespmem:$0x1CF80] =	vst v63  }
0xf9: {  	_ = 	snop  }
0xfa: {  	[spmem:s4] =	stream.indirect.scatter.add.f32 [tilespmem:s29], [sflag:$0x5], $0x1, s19, s22, $0xb8;
	[tilespmem:$0x1CF80] =	vst v63  }
0xfb: {  	_ =	swait.ge [sflag:s21], $0x80  }
0xfc: {  	[sflag:s21] =	ssyncset.done $0x0  }
0xfd: {  	[sflag:s21] =	ssyncadd.s32 $0xFFFFFF80  }
0xfe: {  	_ =	swait.ge [sflag:s1], $0x4000  }
0xff: {  	[sflag:s1] =	ssyncset.done $0x0  }
0x100: {  	[sflag:s1] =	ssyncadd.s32 $0xFFFFC000  }
0x101: {  	[spmem:s3] =	stream.indirect.scatter.add.f32 [tilespmem:s24], [sflag:$0x5], $0x80, s19, s22, $0xb8;
	[tilespmem:$0x1CF80] =	vst v63  }
0x102: {  	_ =	swait.ge [sflag:s21], $0x4000  }
0x103: {  	[sflag:s21] =	ssyncset.done $0x0  }
0x104: {  	s31 =	rddreg [dreg:$0xd];
	[sflag:s21] =	ssyncadd.s32 $0xFFFFC000  }
0x105: {  	[tilespmem:s24], [sflag:$0x1] =	stream.indirect.gather [hbm4b:s0+s22], $0x80, s31, s22, $0xb8;
	[tilespmem:$0x1CF80] =	vst v63  }
0x106: {  	_ = 	snop  }
0x107: {  	[spmem:s4] =	stream.indirect.scatter.add.f32 [tilespmem:s29], [sflag:$0x5], $0x1, s20, s22, $0xb8;
	[tilespmem:$0x1CF80] =	vst v63  }
0x108: {  	_ =	swait.ge [sflag:s21], $0x80  }
0x109: {  	[sflag:s21] =	ssyncset.done $0x0  }
0x10a: {  	[sflag:s21] =	ssyncadd.s32 $0xFFFFFF80  }
0x10b: {  	_ =	swait.ge [sflag:s30], $0x4000  }
0x10c: {  	[sflag:s30] =	ssyncset.done $0x0  }
0x10d: {  	[sflag:s30] =	ssyncadd.s32 $0xFFFFC000  }
0x10e: {  	[spmem:s3] =	stream.indirect.scatter.add.f32 [tilespmem:s23], [sflag:$0x5], $0x80, s20, s22, $0xb8;
	[tilespmem:$0x1CF80] =	vst v63  }
0x10f: {  	_ =	swait.ge [sflag:s21], $0x4000  }
0x110: {  	[sflag:s21] =	ssyncset.done $0x0  }
0x111: {  	[sflag:s21] =	ssyncadd.s32 $0xFFFFC000  }
0x112: {  	_ =	swait.ge [sflag:s7], $0x600  }
0x113: {  	[sflag:s7] =	ssyncset.done $0x0  }
0x114: {  	[sflag:s7] =	ssyncadd.s32 $0xFFFFFA00  }
0x115: {  	[tilespmem:s23], [sflag:$0x2] =	stream.indirect.gather [hbm4b:s0+s22], $0x80, s5, s22, $0xb8;
	[tilespmem:$0x1CF80] =	vst v63  }
0x116: {  	_ = 	snop  }
0x117: {  	[spmem:s4] =	stream.indirect.scatter.add.f32 [tilespmem:s29], [sflag:$0x5], $0x1, s8, s22, $0xb8;
	[tilespmem:$0x1CF80] =	vst v63  }
0x118: {  	_ =	swait.ge [sflag:s21], $0x80  }
0x119: {  	[sflag:s21] =	ssyncset.done $0x0  }
0x11a: {  	[sflag:s21] =	ssyncadd.s32 $0xFFFFFF80  }
0x11b: {  	_ =	swait.ge [sflag:s1], $0x4000  }
0x11c: {  	[sflag:s1] =	ssyncset.done $0x0  }
0x11d: {  	[sflag:s1] =	ssyncadd.s32 $0xFFFFC000  }
0x11e: {  	[spmem:s3] =	stream.indirect.scatter.add.f32 [tilespmem:s24], [sflag:$0x5], $0x80, s8, s22, $0xb8;
	[tilespmem:$0x1CF80] =	vst v63  }
0x11f: {  	s28 =	simm.s32 $0x300;
	s13 =	simm.s32 $0x500;
	_ =	swait.ge [sflag:s21], $0x4000  }
0x120: {  	s25 =	simm.s32 $0x180;
	s9 =	rddreg [dreg:$0x8];
	[sflag:s21] =	ssyncset.done $0x0  }
.LBB2_4:
0x121: {  	[sflag:s21] =	ssyncadd.s32 $0xFFFFC000;
	s9 =	sadd.s32 s25, s9  }
0x122: {  	[tilespmem:s26], [sflag:$0x4] =	stream.linear.gather [hbm4b:s9+s5], $0x600, $0x38;
	[tilespmem:$0x1CF80] =	vst v63  }
0x123: {  	_ = 	snop  }
0x124: {  	[tilespmem:s24], [sflag:$0x1] =	stream.indirect.gather [hbm4b:s0+s22], $0x80, s11, s22, $0xb8;
	[tilespmem:$0x1CF80] =	vst v63  }
0x125: {  	_ = 	snop  }
0x126: {  	[spmem:s4] =	stream.indirect.scatter.add.f32 [tilespmem:s29], [sflag:$0x5], $0x1, s22, s22, $0xb8;
	[tilespmem:$0x1CF80] =	vst v63  }
0x127: {  	_ =	swait.ge [sflag:s21], $0x80  }
0x128: {  	[sflag:s21] =	ssyncset.done $0x0  }
0x129: {  	[sflag:s21] =	ssyncadd.s32 $0xFFFFFF80  }
0x12a: {  	_ =	swait.ge [sflag:s30], $0x4000  }
0x12b: {  	[sflag:s30] =	ssyncset.done $0x0  }
0x12c: {  	[sflag:s30] =	ssyncadd.s32 $0xFFFFC000  }
0x12d: {  	[spmem:s3] =	stream.indirect.scatter.add.f32 [tilespmem:s23], [sflag:$0x5], $0x80, s22, s22, $0xb8;
	[tilespmem:$0x1CF80] =	vst v63  }
0x12e: {  	_ =	swait.ge [sflag:s21], $0x4000  }
0x12f: {  	[sflag:s21] =	ssyncset.done $0x0  }
0x130: {  	s11 =	simm.s32 $0x200;
	[sflag:s21] =	ssyncadd.s32 $0xFFFFC000  }
0x131: {  	[tilespmem:s23], [sflag:$0x2] =	stream.indirect.gather [hbm4b:s0+s22], $0x80, s11, s22, $0xb8;
	[tilespmem:$0x1CF80] =	vst v63  }
0x132: {  	_ = 	snop  }
0x133: {  	[spmem:s4] =	stream.indirect.scatter.add.f32 [tilespmem:s29], [sflag:$0x5], $0x1, s2, s22, $0xb8;
	[tilespmem:$0x1CF80] =	vst v63  }
0x134: {  	_ =	swait.ge [sflag:s21], $0x80  }
0x135: {  	[sflag:s21] =	ssyncset.done $0x0  }
0x136: {  	[sflag:s21] =	ssyncadd.s32 $0xFFFFFF80  }
0x137: {  	_ =	swait.ge [sflag:s1], $0x4000  }
0x138: {  	[sflag:s1] =	ssyncset.done $0x0  }
0x139: {  	[sflag:s1] =	ssyncadd.s32 $0xFFFFC000  }
0x13a: {  	[spmem:s3] =	stream.indirect.scatter.add.f32 [tilespmem:s24], [sflag:$0x5], $0x80, s2, s22, $0xb8;
	[tilespmem:$0x1CF80] =	vst v63  }
0x13b: {  	_ =	swait.ge [sflag:s21], $0x4000  }
0x13c: {  	[sflag:s21] =	ssyncset.done $0x0  }
0x13d: {  	s11 =	simm.s32 $0x300;
	[sflag:s21] =	ssyncadd.s32 $0xFFFFC000  }
0x13e: {  	[tilespmem:s24], [sflag:$0x1] =	stream.indirect.gather [hbm4b:s0+s22], $0x80, s11, s22, $0xb8;
	[tilespmem:$0x1CF80] =	vst v63  }
0x13f: {  	_ = 	snop  }
0x140: {  	[spmem:s4] =	stream.indirect.scatter.add.f32 [tilespmem:s29], [sflag:$0x5], $0x1, s10, s22, $0xb8;
	[tilespmem:$0x1CF80] =	vst v63  }
0x141: {  	_ =	swait.ge [sflag:s21], $0x80  }
0x142: {  	[sflag:s21] =	ssyncset.done $0x0  }
0x143: {  	[sflag:s21] =	ssyncadd.s32 $0xFFFFFF80  }
0x144: {  	_ =	swait.ge [sflag:s30], $0x4000  }
0x145: {  	[sflag:s30] =	ssyncset.done $0x0  }
0x146: {  	[sflag:s30] =	ssyncadd.s32 $0xFFFFC000  }
0x147: {  	[spmem:s3] =	stream.indirect.scatter.add.f32 [tilespmem:s23], [sflag:$0x5], $0x80, s10, s22, $0xb8;
	[tilespmem:$0x1CF80] =	vst v63  }
0x148: {  	_ =	swait.ge [sflag:s21], $0x4000  }
0x149: {  	[sflag:s21] =	ssyncset.done $0x0  }
0x14a: {  	s11 =	simm.s32 $0x400;
	[sflag:s21] =	ssyncadd.s32 $0xFFFFC000  }
0x14b: {  	[tilespmem:s23], [sflag:$0x2] =	stream.indirect.gather [hbm4b:s0+s22], $0x80, s11, s22, $0xb8;
	[tilespmem:$0x1CF80] =	vst v63  }
0x14c: {  	_ = 	snop  }
0x14d: {  	[spmem:s4] =	stream.indirect.scatter.add.f32 [tilespmem:s29], [sflag:$0x5], $0x1, s12, s22, $0xb8;
	[tilespmem:$0x1CF80] =	vst v63  }
0x14e: {  	_ =	swait.ge [sflag:s21], $0x80  }
0x14f: {  	[sflag:s21] =	ssyncset.done $0x0  }
0x150: {  	[sflag:s21] =	ssyncadd.s32 $0xFFFFFF80  }
0x151: {  	_ =	swait.ge [sflag:s1], $0x4000  }
0x152: {  	[sflag:s1] =	ssyncset.done $0x0  }
0x153: {  	[sflag:s1] =	ssyncadd.s32 $0xFFFFC000  }
0x154: {  	[spmem:s3] =	stream.indirect.scatter.add.f32 [tilespmem:s24], [sflag:$0x5], $0x80, s12, s22, $0xb8;
	[tilespmem:$0x1CF80] =	vst v63  }
0x155: {  	_ =	swait.ge [sflag:s21], $0x4000  }
0x156: {  	[sflag:s21] =	ssyncset.done $0x0  }
0x157: {  	[sflag:s21] =	ssyncadd.s32 $0xFFFFC000  }
0x158: {  	[tilespmem:s24], [sflag:$0x1] =	stream.indirect.gather [hbm4b:s0+s22], $0x80, s13, s22, $0xb8;
	[tilespmem:$0x1CF80] =	vst v63  }
0x159: {  	_ = 	snop  }
0x15a: {  	[spmem:s4] =	stream.indirect.scatter.add.f32 [tilespmem:s29], [sflag:$0x5], $0x1, s14, s22, $0xb8;
	[tilespmem:$0x1CF80] =	vst v63  }
0x15b: {  	_ =	swait.ge [sflag:s21], $0x80  }
0x15c: {  	[sflag:s21] =	ssyncset.done $0x0  }
0x15d: {  	[sflag:s21] =	ssyncadd.s32 $0xFFFFFF80  }
0x15e: {  	_ =	swait.ge [sflag:s30], $0x4000  }
0x15f: {  	[sflag:s30] =	ssyncset.done $0x0  }
0x160: {  	[sflag:s30] =	ssyncadd.s32 $0xFFFFC000  }
0x161: {  	[spmem:s3] =	stream.indirect.scatter.add.f32 [tilespmem:s23], [sflag:$0x5], $0x80, s14, s22, $0xb8;
	[tilespmem:$0x1CF80] =	vst v63  }
0x162: {  	_ =	swait.ge [sflag:s21], $0x4000  }
0x163: {  	[sflag:s21] =	ssyncset.done $0x0  }
0x164: {  	[sflag:s21] =	ssyncadd.s32 $0xFFFFC000  }
0x165: {  	_ =	swait.ge [sflag:s15], $0x600  }
0x166: {  	[sflag:s15] =	ssyncset.done $0x0  }
0x167: {  	[sflag:s15] =	ssyncadd.s32 $0xFFFFFA00  }
0x168: {  	[tilespmem:s23], [sflag:$0x2] =	stream.indirect.gather [hbm4b:s0+s22], $0x80, s26, s22, $0xb8;
	[tilespmem:$0x1CF80] =	vst v63  }
0x169: {  	_ = 	snop  }
0x16a: {  	[spmem:s4] =	stream.indirect.scatter.add.f32 [tilespmem:s29], [sflag:$0x5], $0x1, s16, s22, $0xb8;
	[tilespmem:$0x1CF80] =	vst v63  }
0x16b: {  	_ =	swait.ge [sflag:s21], $0x80  }
0x16c: {  	[sflag:s21] =	ssyncset.done $0x0  }
0x16d: {  	[sflag:s21] =	ssyncadd.s32 $0xFFFFFF80  }
0x16e: {  	_ =	swait.ge [sflag:s1], $0x4000  }
0x16f: {  	[sflag:s1] =	ssyncset.done $0x0  }
0x170: {  	[sflag:s1] =	ssyncadd.s32 $0xFFFFC000  }
0x171: {  	[spmem:s3] =	stream.indirect.scatter.add.f32 [tilespmem:s24], [sflag:$0x5], $0x80, s16, s22, $0xb8;
	[tilespmem:$0x1CF80] =	vst v63  }
0x172: {  	_ =	swait.ge [sflag:s21], $0x4000  }
0x173: {  	s11 =	rddreg [dreg:$0x7];
	[sflag:s21] =	ssyncset.done $0x0  }
0x174: {  	[sflag:s21] =	ssyncadd.s32 $0xFFFFC000;
	s9 =	sadd.s32 s25, s11  }
0x175: {  	[tilespmem:s5], [sflag:$0x3] =	stream.linear.gather [hbm4b:s9+s5], $0x600, $0x38;
	[tilespmem:$0x1CF80] =	vst v63  }
0x176: {  	s11 =	rddreg [dreg:$0x9]  }
0x177: {  	[tilespmem:s24], [sflag:$0x1] =	stream.indirect.gather [hbm4b:s0+s22], $0x80, s11, s22, $0xb8;
	[tilespmem:$0x1CF80] =	vst v63  }
0x178: {  	_ = 	snop  }
0x179: {  	[spmem:s4] =	stream.indirect.scatter.add.f32 [tilespmem:s29], [sflag:$0x5], $0x1, s17, s22, $0xb8;
	[tilespmem:$0x1CF80] =	vst v63  }
0x17a: {  	_ =	swait.ge [sflag:s21], $0x80  }
0x17b: {  	[sflag:s21] =	ssyncset.done $0x0  }
0x17c: {  	[sflag:s21] =	ssyncadd.s32 $0xFFFFFF80  }
0x17d: {  	_ =	swait.ge [sflag:s30], $0x4000  }
0x17e: {  	[sflag:s30] =	ssyncset.done $0x0  }
0x17f: {  	[sflag:s30] =	ssyncadd.s32 $0xFFFFC000  }
0x180: {  	[spmem:s3] =	stream.indirect.scatter.add.f32 [tilespmem:s23], [sflag:$0x5], $0x80, s17, s22, $0xb8;
	[tilespmem:$0x1CF80] =	vst v63  }
0x181: {  	_ =	swait.ge [sflag:s21], $0x4000  }
0x182: {  	s31 =	smov.u32 s28;
	[sflag:s21] =	ssyncset.done $0x0  }
0x183: {  	s25 =	smov.u32 s31;
	s31 =	rddreg [dreg:$0xa];
	[sflag:s21] =	ssyncadd.s32 $0xFFFFC000  }
0x184: {  	[tilespmem:s23], [sflag:$0x2] =	stream.indirect.gather [hbm4b:s0+s22], $0x80, s31, s22, $0xb8;
	[tilespmem:$0x1CF80] =	vst v63  }
0x185: {  	_ = 	snop  }
0x186: {  	[spmem:s4] =	stream.indirect.scatter.add.f32 [tilespmem:s29], [sflag:$0x5], $0x1, s18, s22, $0xb8;
	[tilespmem:$0x1CF80] =	vst v63  }
0x187: {  	_ =	swait.ge [sflag:s21], $0x80  }
0x188: {  	[sflag:s21] =	ssyncset.done $0x0  }
0x189: {  	[sflag:s21] =	ssyncadd.s32 $0xFFFFFF80  }
0x18a: {  	_ =	swait.ge [sflag:s1], $0x4000  }
0x18b: {  	[sflag:s1] =	ssyncset.done $0x0  }
0x18c: {  	[sflag:s1] =	ssyncadd.s32 $0xFFFFC000  }
0x18d: {  	[spmem:s3] =	stream.indirect.scatter.add.f32 [tilespmem:s24], [sflag:$0x5], $0x80, s18, s22, $0xb8;
	[tilespmem:$0x1CF80] =	vst v63  }
0x18e: {  	_ =	swait.ge [sflag:s21], $0x4000  }
0x18f: {  	[sflag:s21] =	ssyncset.done $0x0  }
0x190: {  	s31 =	rddreg [dreg:$0xb];
	[sflag:s21] =	ssyncadd.s32 $0xFFFFC000  }
0x191: {  	[tilespmem:s24], [sflag:$0x1] =	stream.indirect.gather [hbm4b:s0+s22], $0x80, s31, s22, $0xb8;
	[tilespmem:$0x1CF80] =	vst v63  }
0x192: {  	_ = 	snop  }
0x193: {  	[spmem:s4] =	stream.indirect.scatter.add.f32 [tilespmem:s29], [sflag:$0x5], $0x1, s6, s22, $0xb8;
	[tilespmem:$0x1CF80] =	vst v63  }
0x194: {  	_ =	swait.ge [sflag:s21], $0x80  }
0x195: {  	[sflag:s21] =	ssyncset.done $0x0  }
0x196: {  	[sflag:s21] =	ssyncadd.s32 $0xFFFFFF80  }
0x197: {  	_ =	swait.ge [sflag:s30], $0x4000  }
0x198: {  	[sflag:s30] =	ssyncset.done $0x0  }
0x199: {  	[sflag:s30] =	ssyncadd.s32 $0xFFFFC000  }
0x19a: {  	[spmem:s3] =	stream.indirect.scatter.add.f32 [tilespmem:s23], [sflag:$0x5], $0x80, s6, s22, $0xb8;
	[tilespmem:$0x1CF80] =	vst v63  }
0x19b: {  	_ =	swait.ge [sflag:s21], $0x4000  }
0x19c: {  	[sflag:s21] =	ssyncset.done $0x0  }
0x19d: {  	s31 =	rddreg [dreg:$0xc];
	[sflag:s21] =	ssyncadd.s32 $0xFFFFC000  }
0x19e: {  	[tilespmem:s23], [sflag:$0x2] =	stream.indirect.gather [hbm4b:s0+s22], $0x80, s31, s22, $0xb8;
	[tilespmem:$0x1CF80] =	vst v63  }
0x19f: {  	_ = 	snop  }
0x1a0: {  	[spmem:s4] =	stream.indirect.scatter.add.f32 [tilespmem:s29], [sflag:$0x5], $0x1, s19, s22, $0xb8;
	[tilespmem:$0x1CF80] =	vst v63  }
0x1a1: {  	_ =	swait.ge [sflag:s21], $0x80  }
0x1a2: {  	[sflag:s21] =	ssyncset.done $0x0  }
0x1a3: {  	[sflag:s21] =	ssyncadd.s32 $0xFFFFFF80  }
0x1a4: {  	_ =	swait.ge [sflag:s1], $0x4000  }
0x1a5: {  	[sflag:s1] =	ssyncset.done $0x0  }
0x1a6: {  	[sflag:s1] =	ssyncadd.s32 $0xFFFFC000  }
0x1a7: {  	[spmem:s3] =	stream.indirect.scatter.add.f32 [tilespmem:s24], [sflag:$0x5], $0x80, s19, s22, $0xb8;
	[tilespmem:$0x1CF80] =	vst v63  }
0x1a8: {  	_ =	swait.ge [sflag:s21], $0x4000  }
0x1a9: {  	[sflag:s21] =	ssyncset.done $0x0  }
0x1aa: {  	s31 =	rddreg [dreg:$0xd];
	[sflag:s21] =	ssyncadd.s32 $0xFFFFC000  }
0x1ab: {  	[tilespmem:s24], [sflag:$0x1] =	stream.indirect.gather [hbm4b:s0+s22], $0x80, s31, s22, $0xb8;
	[tilespmem:$0x1CF80] =	vst v63  }
0x1ac: {  	_ = 	snop  }
0x1ad: {  	[spmem:s4] =	stream.indirect.scatter.add.f32 [tilespmem:s29], [sflag:$0x5], $0x1, s20, s22, $0xb8;
	[tilespmem:$0x1CF80] =	vst v63  }
0x1ae: {  	_ =	swait.ge [sflag:s21], $0x80  }
0x1af: {  	[sflag:s21] =	ssyncset.done $0x0  }
0x1b0: {  	[sflag:s21] =	ssyncadd.s32 $0xFFFFFF80  }
0x1b1: {  	_ =	swait.ge [sflag:s30], $0x4000  }
0x1b2: {  	[sflag:s30] =	ssyncset.done $0x0  }
0x1b3: {  	[sflag:s30] =	ssyncadd.s32 $0xFFFFC000  }
0x1b4: {  	[spmem:s3] =	stream.indirect.scatter.add.f32 [tilespmem:s23], [sflag:$0x5], $0x80, s20, s22, $0xb8;
	[tilespmem:$0x1CF80] =	vst v63  }
0x1b5: {  	_ =	swait.ge [sflag:s21], $0x4000  }
0x1b6: {  	[sflag:s21] =	ssyncset.done $0x0  }
0x1b7: {  	[sflag:s21] =	ssyncadd.s32 $0xFFFFC000  }
0x1b8: {  	_ =	swait.ge [sflag:s7], $0x600  }
0x1b9: {  	[sflag:s7] =	ssyncset.done $0x0  }
0x1ba: {  	[sflag:s7] =	ssyncadd.s32 $0xFFFFFA00  }
0x1bb: {  	[tilespmem:s23], [sflag:$0x2] =	stream.indirect.gather [hbm4b:s0+s22], $0x80, s5, s22, $0xb8;
	[tilespmem:$0x1CF80] =	vst v63  }
0x1bc: {  	_ = 	snop  }
0x1bd: {  	[spmem:s4] =	stream.indirect.scatter.add.f32 [tilespmem:s29], [sflag:$0x5], $0x1, s8, s22, $0xb8;
	[tilespmem:$0x1CF80] =	vst v63  }
0x1be: {  	_ =	swait.ge [sflag:s21], $0x80  }
0x1bf: {  	[sflag:s21] =	ssyncset.done $0x0  }
0x1c0: {  	[sflag:s21] =	ssyncadd.s32 $0xFFFFFF80  }
0x1c1: {  	p1 =	sne.s32 s28, $0x780;
	_ =	swait.ge [sflag:s1], $0x4000  }
.Ltmp1:
0x1c2: {  	[sflag:s1] =	ssyncset.done $0x0;
	(pc) =	sbr.rel @p1 .LBB2_4-.Ltmp1, $4  }
0x1c3: {  	[sflag:s1] =	ssyncadd.s32 $0xFFFFC000  }
0x1c4: {  	[spmem:s3] =	stream.indirect.scatter.add.f32 [tilespmem:s24], [sflag:$0x5], $0x80, s8, s22, $0xb8;
	[tilespmem:$0x1CF80] =	vst v63  }
0x1c5: {  	s28 =	sadd.s32 $0x180, s28;
	_ =	swait.ge [sflag:s21], $0x4000  }
0x1c6: {  	s11 =	simm.s32 $0x100;
	s9 =	rddreg [dreg:$0x8];
	[sflag:s21] =	ssyncset.done $0x0  }
0x1c7: {  	[sflag:s21] =	ssyncadd.s32 $0xFFFFC000;
	s9 =	sadd.s32 s25, s9  }
0x1c8: {  	[tilespmem:s26], [sflag:$0x4] =	stream.linear.gather [hbm4b:s9+s5], $0x600, $0x38;
	[tilespmem:$0x1CF80] =	vst v63  }
0x1c9: {  	_ = 	snop  }
0x1ca: {  	[tilespmem:s24], [sflag:$0x1] =	stream.indirect.gather [hbm4b:s0+s22], $0x80, s11, s22, $0xb8;
	[tilespmem:$0x1CF80] =	vst v63  }
0x1cb: {  	_ = 	snop  }
0x1cc: {  	[spmem:s4] =	stream.indirect.scatter.add.f32 [tilespmem:s29], [sflag:$0x5], $0x1, s22, s22, $0xb8;
	[tilespmem:$0x1CF80] =	vst v63  }
0x1cd: {  	_ =	swait.ge [sflag:s21], $0x80  }
0x1ce: {  	[sflag:s21] =	ssyncset.done $0x0  }
0x1cf: {  	[sflag:s21] =	ssyncadd.s32 $0xFFFFFF80  }
0x1d0: {  	_ =	swait.ge [sflag:s30], $0x4000  }
0x1d1: {  	[sflag:s30] =	ssyncset.done $0x0  }
0x1d2: {  	[sflag:s30] =	ssyncadd.s32 $0xFFFFC000  }
0x1d3: {  	[spmem:s3] =	stream.indirect.scatter.add.f32 [tilespmem:s23], [sflag:$0x5], $0x80, s22, s22, $0xb8;
	[tilespmem:$0x1CF80] =	vst v63  }
0x1d4: {  	_ =	swait.ge [sflag:s21], $0x4000  }
0x1d5: {  	[sflag:s21] =	ssyncset.done $0x0  }
0x1d6: {  	s28 =	simm.s32 $0x200;
	[sflag:s21] =	ssyncadd.s32 $0xFFFFC000  }
0x1d7: {  	[tilespmem:s23], [sflag:$0x2] =	stream.indirect.gather [hbm4b:s0+s22], $0x80, s28, s22, $0xb8;
	[tilespmem:$0x1CF80] =	vst v63  }
0x1d8: {  	_ = 	snop  }
0x1d9: {  	[spmem:s4] =	stream.indirect.scatter.add.f32 [tilespmem:s29], [sflag:$0x5], $0x1, s2, s22, $0xb8;
	[tilespmem:$0x1CF80] =	vst v63  }
0x1da: {  	_ =	swait.ge [sflag:s21], $0x80  }
0x1db: {  	[sflag:s21] =	ssyncset.done $0x0  }
0x1dc: {  	[sflag:s21] =	ssyncadd.s32 $0xFFFFFF80  }
0x1dd: {  	_ =	swait.ge [sflag:s1], $0x4000  }
0x1de: {  	[sflag:s1] =	ssyncset.done $0x0  }
0x1df: {  	[sflag:s1] =	ssyncadd.s32 $0xFFFFC000  }
0x1e0: {  	[spmem:s3] =	stream.indirect.scatter.add.f32 [tilespmem:s24], [sflag:$0x5], $0x80, s2, s22, $0xb8;
	[tilespmem:$0x1CF80] =	vst v63  }
0x1e1: {  	_ =	swait.ge [sflag:s21], $0x4000  }
0x1e2: {  	[sflag:s21] =	ssyncset.done $0x0  }
0x1e3: {  	s13 =	simm.s32 $0x300;
	[sflag:s21] =	ssyncadd.s32 $0xFFFFC000  }
0x1e4: {  	[tilespmem:s24], [sflag:$0x1] =	stream.indirect.gather [hbm4b:s0+s22], $0x80, s13, s22, $0xb8;
	[tilespmem:$0x1CF80] =	vst v63  }
0x1e5: {  	_ = 	snop  }
0x1e6: {  	[spmem:s4] =	stream.indirect.scatter.add.f32 [tilespmem:s29], [sflag:$0x5], $0x1, s10, s22, $0xb8;
	[tilespmem:$0x1CF80] =	vst v63  }
0x1e7: {  	_ =	swait.ge [sflag:s21], $0x80  }
0x1e8: {  	[sflag:s21] =	ssyncset.done $0x0  }
0x1e9: {  	[sflag:s21] =	ssyncadd.s32 $0xFFFFFF80  }
0x1ea: {  	_ =	swait.ge [sflag:s30], $0x4000  }
0x1eb: {  	[sflag:s30] =	ssyncset.done $0x0  }
0x1ec: {  	[sflag:s30] =	ssyncadd.s32 $0xFFFFC000  }
0x1ed: {  	[spmem:s3] =	stream.indirect.scatter.add.f32 [tilespmem:s23], [sflag:$0x5], $0x80, s10, s22, $0xb8;
	[tilespmem:$0x1CF80] =	vst v63  }
0x1ee: {  	_ =	swait.ge [sflag:s21], $0x4000  }
0x1ef: {  	[sflag:s21] =	ssyncset.done $0x0  }
0x1f0: {  	s31 =	simm.s32 $0x400;
	[sflag:s21] =	ssyncadd.s32 $0xFFFFC000  }
0x1f1: {  	[tilespmem:s23], [sflag:$0x2] =	stream.indirect.gather [hbm4b:s0+s22], $0x80, s31, s22, $0xb8;
	[tilespmem:$0x1CF80] =	vst v63  }
0x1f2: {  	_ = 	snop  }
0x1f3: {  	[spmem:s4] =	stream.indirect.scatter.add.f32 [tilespmem:s29], [sflag:$0x5], $0x1, s12, s22, $0xb8;
	[tilespmem:$0x1CF80] =	vst v63  }
0x1f4: {  	_ =	swait.ge [sflag:s21], $0x80  }
0x1f5: {  	[sflag:s21] =	ssyncset.done $0x0  }
0x1f6: {  	[sflag:s21] =	ssyncadd.s32 $0xFFFFFF80  }
0x1f7: {  	_ =	swait.ge [sflag:s1], $0x4000  }
0x1f8: {  	[sflag:s1] =	ssyncset.done $0x0  }
0x1f9: {  	[sflag:s1] =	ssyncadd.s32 $0xFFFFC000  }
0x1fa: {  	[spmem:s3] =	stream.indirect.scatter.add.f32 [tilespmem:s24], [sflag:$0x5], $0x80, s12, s22, $0xb8;
	[tilespmem:$0x1CF80] =	vst v63  }
0x1fb: {  	_ =	swait.ge [sflag:s21], $0x4000  }
0x1fc: {  	[sflag:s21] =	ssyncset.done $0x0  }
0x1fd: {  	s11 =	simm.s32 $0x500;
	[sflag:s21] =	ssyncadd.s32 $0xFFFFC000  }
0x1fe: {  	[tilespmem:s24], [sflag:$0x1] =	stream.indirect.gather [hbm4b:s0+s22], $0x80, s11, s22, $0xb8;
	[tilespmem:$0x1CF80] =	vst v63  }
0x1ff: {  	_ = 	snop  }
0x200: {  	[spmem:s4] =	stream.indirect.scatter.add.f32 [tilespmem:s29], [sflag:$0x5], $0x1, s14, s22, $0xb8;
	[tilespmem:$0x1CF80] =	vst v63  }
0x201: {  	_ =	swait.ge [sflag:s21], $0x80  }
0x202: {  	[sflag:s21] =	ssyncset.done $0x0  }
0x203: {  	[sflag:s21] =	ssyncadd.s32 $0xFFFFFF80  }
0x204: {  	_ =	swait.ge [sflag:s30], $0x4000  }
0x205: {  	[sflag:s30] =	ssyncset.done $0x0  }
0x206: {  	[sflag:s30] =	ssyncadd.s32 $0xFFFFC000  }
0x207: {  	[spmem:s3] =	stream.indirect.scatter.add.f32 [tilespmem:s23], [sflag:$0x5], $0x80, s14, s22, $0xb8;
	[tilespmem:$0x1CF80] =	vst v63  }
0x208: {  	_ =	swait.ge [sflag:s21], $0x4000  }
0x209: {  	[sflag:s21] =	ssyncset.done $0x0  }
0x20a: {  	[sflag:s21] =	ssyncadd.s32 $0xFFFFC000  }
0x20b: {  	_ =	swait.ge [sflag:s15], $0x600  }
0x20c: {  	[sflag:s15] =	ssyncset.done $0x0  }
0x20d: {  	[sflag:s15] =	ssyncadd.s32 $0xFFFFFA00  }
0x20e: {  	[tilespmem:s23], [sflag:$0x2] =	stream.indirect.gather [hbm4b:s0+s22], $0x80, s26, s22, $0xb8;
	[tilespmem:$0x1CF80] =	vst v63  }
0x20f: {  	_ = 	snop  }
0x210: {  	[spmem:s4] =	stream.indirect.scatter.add.f32 [tilespmem:s29], [sflag:$0x5], $0x1, s16, s22, $0xb8;
	[tilespmem:$0x1CF80] =	vst v63  }
0x211: {  	_ =	swait.ge [sflag:s21], $0x80  }
0x212: {  	[sflag:s21] =	ssyncset.done $0x0  }
0x213: {  	[sflag:s21] =	ssyncadd.s32 $0xFFFFFF80  }
0x214: {  	_ =	swait.ge [sflag:s1], $0x4000  }
0x215: {  	[sflag:s1] =	ssyncset.done $0x0  }
0x216: {  	[sflag:s1] =	ssyncadd.s32 $0xFFFFC000  }
0x217: {  	[spmem:s3] =	stream.indirect.scatter.add.f32 [tilespmem:s24], [sflag:$0x5], $0x80, s16, s22, $0xb8;
	[tilespmem:$0x1CF80] =	vst v63  }
0x218: {  	_ =	swait.ge [sflag:s21], $0x4000  }
0x219: {  	s11 =	rddreg [dreg:$0x7];
	[sflag:s21] =	ssyncset.done $0x0  }
0x21a: {  	[sflag:s21] =	ssyncadd.s32 $0xFFFFC000;
	s9 =	sadd.s32 s25, s11  }
0x21b: {  	[tilespmem:s5], [sflag:$0x3] =	stream.linear.gather [hbm4b:s9+s5], $0x600, $0x38;
	[tilespmem:$0x1CF80] =	vst v63  }
0x21c: {  	s11 =	rddreg [dreg:$0x9]  }
0x21d: {  	[tilespmem:s24], [sflag:$0x1] =	stream.indirect.gather [hbm4b:s0+s22], $0x80, s11, s22, $0xb8;
	[tilespmem:$0x1CF80] =	vst v63  }
0x21e: {  	_ = 	snop  }
0x21f: {  	[spmem:s4] =	stream.indirect.scatter.add.f32 [tilespmem:s29], [sflag:$0x5], $0x1, s17, s22, $0xb8;
	[tilespmem:$0x1CF80] =	vst v63  }
0x220: {  	_ =	swait.ge [sflag:s21], $0x80  }
0x221: {  	[sflag:s21] =	ssyncset.done $0x0  }
0x222: {  	[sflag:s21] =	ssyncadd.s32 $0xFFFFFF80  }
0x223: {  	_ =	swait.ge [sflag:s30], $0x4000  }
0x224: {  	[sflag:s30] =	ssyncset.done $0x0  }
0x225: {  	[sflag:s30] =	ssyncadd.s32 $0xFFFFC000  }
0x226: {  	[spmem:s3] =	stream.indirect.scatter.add.f32 [tilespmem:s23], [sflag:$0x5], $0x80, s17, s22, $0xb8;
	[tilespmem:$0x1CF80] =	vst v63  }
0x227: {  	_ =	swait.ge [sflag:s21], $0x4000  }
0x228: {  	[sflag:s21] =	ssyncset.done $0x0  }
0x229: {  	s11 =	rddreg [dreg:$0xa];
	[sflag:s21] =	ssyncadd.s32 $0xFFFFC000  }
0x22a: {  	[tilespmem:s23], [sflag:$0x2] =	stream.indirect.gather [hbm4b:s0+s22], $0x80, s11, s22, $0xb8;
	[tilespmem:$0x1CF80] =	vst v63  }
0x22b: {  	_ = 	snop  }
0x22c: {  	[spmem:s4] =	stream.indirect.scatter.add.f32 [tilespmem:s29], [sflag:$0x5], $0x1, s18, s22, $0xb8;
	[tilespmem:$0x1CF80] =	vst v63  }
0x22d: {  	_ =	swait.ge [sflag:s21], $0x80  }
0x22e: {  	[sflag:s21] =	ssyncset.done $0x0  }
0x22f: {  	[sflag:s21] =	ssyncadd.s32 $0xFFFFFF80  }
0x230: {  	_ =	swait.ge [sflag:s1], $0x4000  }
0x231: {  	[sflag:s1] =	ssyncset.done $0x0  }
0x232: {  	[sflag:s1] =	ssyncadd.s32 $0xFFFFC000  }
0x233: {  	[spmem:s3] =	stream.indirect.scatter.add.f32 [tilespmem:s24], [sflag:$0x5], $0x80, s18, s22, $0xb8;
	[tilespmem:$0x1CF80] =	vst v63  }
0x234: {  	_ =	swait.ge [sflag:s21], $0x4000  }
0x235: {  	[sflag:s21] =	ssyncset.done $0x0  }
0x236: {  	s11 =	rddreg [dreg:$0xb];
	[sflag:s21] =	ssyncadd.s32 $0xFFFFC000  }
0x237: {  	[tilespmem:s24], [sflag:$0x1] =	stream.indirect.gather [hbm4b:s0+s22], $0x80, s11, s22, $0xb8;
	[tilespmem:$0x1CF80] =	vst v63  }
0x238: {  	_ = 	snop  }
0x239: {  	[spmem:s4] =	stream.indirect.scatter.add.f32 [tilespmem:s29], [sflag:$0x5], $0x1, s6, s22, $0xb8;
	[tilespmem:$0x1CF80] =	vst v63  }
0x23a: {  	_ =	swait.ge [sflag:s21], $0x80  }
0x23b: {  	[sflag:s21] =	ssyncset.done $0x0  }
0x23c: {  	[sflag:s21] =	ssyncadd.s32 $0xFFFFFF80  }
0x23d: {  	_ =	swait.ge [sflag:s30], $0x4000  }
0x23e: {  	[sflag:s30] =	ssyncset.done $0x0  }
0x23f: {  	[sflag:s30] =	ssyncadd.s32 $0xFFFFC000  }
0x240: {  	[spmem:s3] =	stream.indirect.scatter.add.f32 [tilespmem:s23], [sflag:$0x5], $0x80, s6, s22, $0xb8;
	[tilespmem:$0x1CF80] =	vst v63  }
0x241: {  	_ =	swait.ge [sflag:s21], $0x4000  }
0x242: {  	[sflag:s21] =	ssyncset.done $0x0  }
0x243: {  	s11 =	rddreg [dreg:$0xc];
	[sflag:s21] =	ssyncadd.s32 $0xFFFFC000  }
0x244: {  	[tilespmem:s23], [sflag:$0x2] =	stream.indirect.gather [hbm4b:s0+s22], $0x80, s11, s22, $0xb8;
	[tilespmem:$0x1CF80] =	vst v63  }
0x245: {  	_ = 	snop  }
0x246: {  	[spmem:s4] =	stream.indirect.scatter.add.f32 [tilespmem:s29], [sflag:$0x5], $0x1, s19, s22, $0xb8;
	[tilespmem:$0x1CF80] =	vst v63  }
0x247: {  	_ =	swait.ge [sflag:s21], $0x80  }
0x248: {  	[sflag:s21] =	ssyncset.done $0x0  }
0x249: {  	[sflag:s21] =	ssyncadd.s32 $0xFFFFFF80  }
0x24a: {  	_ =	swait.ge [sflag:s1], $0x4000  }
0x24b: {  	[sflag:s1] =	ssyncset.done $0x0  }
0x24c: {  	[sflag:s1] =	ssyncadd.s32 $0xFFFFC000  }
0x24d: {  	[spmem:s3] =	stream.indirect.scatter.add.f32 [tilespmem:s24], [sflag:$0x5], $0x80, s19, s22, $0xb8;
	[tilespmem:$0x1CF80] =	vst v63  }
0x24e: {  	_ =	swait.ge [sflag:s21], $0x4000  }
0x24f: {  	[sflag:s21] =	ssyncset.done $0x0  }
0x250: {  	s11 =	rddreg [dreg:$0xd];
	[sflag:s21] =	ssyncadd.s32 $0xFFFFC000  }
0x251: {  	[tilespmem:s24], [sflag:$0x1] =	stream.indirect.gather [hbm4b:s0+s22], $0x80, s11, s22, $0xb8;
	[tilespmem:$0x1CF80] =	vst v63  }
0x252: {  	_ = 	snop  }
0x253: {  	[spmem:s4] =	stream.indirect.scatter.add.f32 [tilespmem:s29], [sflag:$0x5], $0x1, s20, s22, $0xb8;
	[tilespmem:$0x1CF80] =	vst v63  }
0x254: {  	_ =	swait.ge [sflag:s21], $0x80  }
0x255: {  	[sflag:s21] =	ssyncset.done $0x0  }
0x256: {  	[sflag:s21] =	ssyncadd.s32 $0xFFFFFF80  }
0x257: {  	_ =	swait.ge [sflag:s30], $0x4000  }
0x258: {  	[sflag:s30] =	ssyncset.done $0x0  }
0x259: {  	[sflag:s30] =	ssyncadd.s32 $0xFFFFC000  }
0x25a: {  	[spmem:s3] =	stream.indirect.scatter.add.f32 [tilespmem:s23], [sflag:$0x5], $0x80, s20, s22, $0xb8;
	[tilespmem:$0x1CF80] =	vst v63  }
0x25b: {  	_ =	swait.ge [sflag:s21], $0x4000  }
0x25c: {  	[sflag:s21] =	ssyncset.done $0x0  }
0x25d: {  	[sflag:s21] =	ssyncadd.s32 $0xFFFFC000  }
0x25e: {  	_ =	swait.ge [sflag:s7], $0x600  }
0x25f: {  	[sflag:s7] =	ssyncset.done $0x0  }
0x260: {  	[sflag:s7] =	ssyncadd.s32 $0xFFFFFA00  }
0x261: {  	[tilespmem:s23], [sflag:$0x2] =	stream.indirect.gather [hbm4b:s0+s22], $0x80, s5, s22, $0xb8;
	[tilespmem:$0x1CF80] =	vst v63  }
0x262: {  	_ = 	snop  }
0x263: {  	[spmem:s4] =	stream.indirect.scatter.add.f32 [tilespmem:s29], [sflag:$0x5], $0x1, s8, s22, $0xb8;
	[tilespmem:$0x1CF80] =	vst v63  }
0x264: {  	_ =	swait.ge [sflag:s21], $0x80  }
0x265: {  	[sflag:s21] =	ssyncset.done $0x0  }
0x266: {  	[sflag:s21] =	ssyncadd.s32 $0xFFFFFF80  }
0x267: {  	_ =	swait.ge [sflag:s1], $0x4000  }
0x268: {  	[sflag:s1] =	ssyncset.done $0x0  }
0x269: {  	[sflag:s1] =	ssyncadd.s32 $0xFFFFC000  }
0x26a: {  	[spmem:s3] =	stream.indirect.scatter.add.f32 [tilespmem:s24], [sflag:$0x5], $0x80, s8, s22, $0xb8;
	[tilespmem:$0x1CF80] =	vst v63  }
0x26b: {  	_ =	swait.ge [sflag:s21], $0x4000  }
0x26c: {  	[sflag:s21] =	ssyncset.done $0x0  }
0x26d: {  	s25 =	simm.s32 $0x100;
	[sflag:s21] =	ssyncadd.s32 $0xFFFFC000  }
0x26e: {  	[tilespmem:s24], [sflag:$0x1] =	stream.indirect.gather [hbm4b:s0+s22], $0x80, s25, s22, $0xb8;
	[tilespmem:$0x1CF80] =	vst v63  }
0x26f: {  	_ = 	snop  }
0x270: {  	[spmem:s4] =	stream.indirect.scatter.add.f32 [tilespmem:s29], [sflag:$0x5], $0x1, s22, s22, $0xb8;
	[tilespmem:$0x1CF80] =	vst v63  }
0x271: {  	_ =	swait.ge [sflag:s21], $0x80  }
0x272: {  	[sflag:s21] =	ssyncset.done $0x0  }
0x273: {  	[sflag:s21] =	ssyncadd.s32 $0xFFFFFF80  }
0x274: {  	_ =	swait.ge [sflag:s30], $0x4000  }
0x275: {  	[sflag:s30] =	ssyncset.done $0x0  }
0x276: {  	[sflag:s30] =	ssyncadd.s32 $0xFFFFC000  }
0x277: {  	[spmem:s3] =	stream.indirect.scatter.add.f32 [tilespmem:s23], [sflag:$0x5], $0x80, s22, s22, $0xb8;
	[tilespmem:$0x1CF80] =	vst v63  }
0x278: {  	_ =	swait.ge [sflag:s21], $0x4000  }
0x279: {  	[sflag:s21] =	ssyncset.done $0x0  }
0x27a: {  	[sflag:s21] =	ssyncadd.s32 $0xFFFFC000  }
0x27b: {  	[tilespmem:s23], [sflag:$0x2] =	stream.indirect.gather [hbm4b:s0+s22], $0x80, s28, s22, $0xb8;
	[tilespmem:$0x1CF80] =	vst v63  }
0x27c: {  	_ = 	snop  }
0x27d: {  	[spmem:s4] =	stream.indirect.scatter.add.f32 [tilespmem:s29], [sflag:$0x5], $0x1, s2, s22, $0xb8;
	[tilespmem:$0x1CF80] =	vst v63  }
0x27e: {  	_ =	swait.ge [sflag:s21], $0x80  }
0x27f: {  	[sflag:s21] =	ssyncset.done $0x0  }
0x280: {  	[sflag:s21] =	ssyncadd.s32 $0xFFFFFF80  }
0x281: {  	_ =	swait.ge [sflag:s1], $0x4000  }
0x282: {  	[sflag:s1] =	ssyncset.done $0x0  }
0x283: {  	[sflag:s1] =	ssyncadd.s32 $0xFFFFC000  }
0x284: {  	[spmem:s3] =	stream.indirect.scatter.add.f32 [tilespmem:s24], [sflag:$0x5], $0x80, s2, s22, $0xb8;
	[tilespmem:$0x1CF80] =	vst v63  }
0x285: {  	_ =	swait.ge [sflag:s21], $0x4000  }
0x286: {  	[sflag:s21] =	ssyncset.done $0x0  }
0x287: {  	[sflag:s21] =	ssyncadd.s32 $0xFFFFC000  }
0x288: {  	[tilespmem:s24], [sflag:$0x1] =	stream.indirect.gather [hbm4b:s0+s22], $0x80, s13, s22, $0xb8;
	[tilespmem:$0x1CF80] =	vst v63  }
0x289: {  	_ = 	snop  }
0x28a: {  	[spmem:s4] =	stream.indirect.scatter.add.f32 [tilespmem:s29], [sflag:$0x5], $0x1, s10, s22, $0xb8;
	[tilespmem:$0x1CF80] =	vst v63  }
0x28b: {  	_ =	swait.ge [sflag:s21], $0x80  }
0x28c: {  	[sflag:s21] =	ssyncset.done $0x0  }
0x28d: {  	[sflag:s21] =	ssyncadd.s32 $0xFFFFFF80  }
0x28e: {  	_ =	swait.ge [sflag:s30], $0x4000  }
0x28f: {  	[sflag:s30] =	ssyncset.done $0x0  }
0x290: {  	[sflag:s30] =	ssyncadd.s32 $0xFFFFC000  }
0x291: {  	[spmem:s3] =	stream.indirect.scatter.add.f32 [tilespmem:s23], [sflag:$0x5], $0x80, s10, s22, $0xb8;
	[tilespmem:$0x1CF80] =	vst v63  }
0x292: {  	_ =	swait.ge [sflag:s21], $0x4000  }
0x293: {  	[sflag:s21] =	ssyncset.done $0x0  }
0x294: {  	[sflag:s21] =	ssyncadd.s32 $0xFFFFC000  }
0x295: {  	[tilespmem:s23], [sflag:$0x2] =	stream.indirect.gather [hbm4b:s0+s22], $0x80, s31, s22, $0xb8;
	[tilespmem:$0x1CF80] =	vst v63  }
0x296: {  	_ = 	snop  }
0x297: {  	[spmem:s4] =	stream.indirect.scatter.add.f32 [tilespmem:s29], [sflag:$0x5], $0x1, s12, s22, $0xb8;
	[tilespmem:$0x1CF80] =	vst v63  }
0x298: {  	_ =	swait.ge [sflag:s21], $0x80  }
0x299: {  	[sflag:s21] =	ssyncset.done $0x0  }
0x29a: {  	[sflag:s21] =	ssyncadd.s32 $0xFFFFFF80  }
0x29b: {  	_ =	swait.ge [sflag:s1], $0x4000  }
0x29c: {  	[sflag:s1] =	ssyncset.done $0x0  }
0x29d: {  	[sflag:s1] =	ssyncadd.s32 $0xFFFFC000  }
0x29e: {  	[spmem:s3] =	stream.indirect.scatter.add.f32 [tilespmem:s24], [sflag:$0x5], $0x80, s12, s22, $0xb8;
	[tilespmem:$0x1CF80] =	vst v63  }
0x29f: {  	_ =	swait.ge [sflag:s21], $0x4000  }
0x2a0: {  	[sflag:s21] =	ssyncset.done $0x0  }
0x2a1: {  	s11 =	simm.s32 $0x500;
	[sflag:s21] =	ssyncadd.s32 $0xFFFFC000  }
0x2a2: {  	[tilespmem:s24], [sflag:$0x1] =	stream.indirect.gather [hbm4b:s0+s22], $0x80, s11, s22, $0xb8;
	[tilespmem:$0x1CF80] =	vst v63  }
0x2a3: {  	_ = 	snop  }
0x2a4: {  	[spmem:s4] =	stream.indirect.scatter.add.f32 [tilespmem:s29], [sflag:$0x5], $0x1, s14, s22, $0xb8;
	[tilespmem:$0x1CF80] =	vst v63  }
0x2a5: {  	_ =	swait.ge [sflag:s21], $0x80  }
0x2a6: {  	[sflag:s21] =	ssyncset.done $0x0  }
0x2a7: {  	[sflag:s21] =	ssyncadd.s32 $0xFFFFFF80  }
0x2a8: {  	_ =	swait.ge [sflag:s30], $0x4000  }
0x2a9: {  	[sflag:s30] =	ssyncset.done $0x0  }
0x2aa: {  	[sflag:s30] =	ssyncadd.s32 $0xFFFFC000  }
0x2ab: {  	[spmem:s3] =	stream.indirect.scatter.add.f32 [tilespmem:s23], [sflag:$0x5], $0x80, s14, s22, $0xb8;
	[tilespmem:$0x1CF80] =	vst v63  }
0x2ac: {  	_ =	swait.ge [sflag:s21], $0x4000  }
0x2ad: {  	[sflag:s21] =	ssyncset.done $0x0  }
0x2ae: {  	[sflag:s21] =	ssyncadd.s32 $0xFFFFC000  }
0x2af: {  	[spmem:s4] =	stream.indirect.scatter.add.f32 [tilespmem:s29], [sflag:$0x5], $0x1, s16, s22, $0xb8;
	[tilespmem:$0x1CF80] =	vst v63  }
0x2b0: {  	_ =	swait.ge [sflag:s21], $0x80  }
0x2b1: {  	[sflag:s21] =	ssyncset.done $0x0  }
0x2b2: {  	[sflag:s21] =	ssyncadd.s32 $0xFFFFFF80  }
0x2b3: {  	_ =	swait.ge [sflag:s1], $0x4000  }
0x2b4: {  	[sflag:s1] =	ssyncset.done $0x0  }
0x2b5: {  	[sflag:s1] =	ssyncadd.s32 $0xFFFFC000  }
0x2b6: {  	[spmem:s3] =	stream.indirect.scatter.add.f32 [tilespmem:s24], [sflag:$0x5], $0x80, s16, s22, $0xb8;
	[tilespmem:$0x1CF80] =	vst v63  }
0x2b7: {  	_ =	swait.ge [sflag:s21], $0x4000  }
0x2b8: {  	s9 =	simm.s32 @!p0 $0x0;
	[sflag:s21] =	ssyncset.done $0x0  }
0x2b9: {  	s11 =	simm.s32 @!p0 $0x600;
	s25 =	rddreg [dreg:$0x19];
	[sflag:s21] =	ssyncadd.s32 $0xFFFFC000  }
0x2ba: {  	[tilespmem:s11], [sflag:$0x5] =	stream.linear.gather @!p0 [hbm4b:s25+s9], $0x100, $0x38;
	[tilespmem:$0x1CF80] =	vst v63  }
0x2bb: {  	s9 =	simm.s32 @!p0 $0x5  }
0x2bc: {  	_ =	swait.ge @!p0 [sflag:s9], $0x100  }
0x2bd: {  	[sflag:s9] =	ssyncset.done @!p0 $0x0  }
0x2be: {  	s28 =	simm.s32 @!p0 $0xC00;
	s25 =	simm.s32 @!p0 $0x80;
	[sflag:s9] =	ssyncadd.s32 @!p0 $0xFFFFFF00  }
0x2bf: {  	[tilespmem:s28], [sflag:$0x1] =	stream.indirect.gather @!p0 [hbm4b:s0+s25], $0x80, s11, s25, $0xb8;
	[tilespmem:$0x1CF80] =	vst v63  }
0x2c0: {  	s11 =	simm.s32 @!p0 $0x1  }
0x2c1: {  	_ =	swait.ge @!p0 [sflag:s11], $0x4000  }
0x2c2: {  	[sflag:s11] =	ssyncset.done @!p0 $0x0  }
0x2c3: {  	[sflag:s11] =	ssyncadd.s32 @!p0 $0xFFFFC000;
	s11 =	simm.s32 @!p0 $0x680  }
0x2c4: {  	[spmem:s3] =	stream.indirect.scatter.add.f32 @!p0 [tilespmem:s28], [sflag:$0x5], $0x80, s11, s25, $0xb8;
	[tilespmem:$0x1CF80] =	vst v63  }
0x2c5: {  	_ =	swait.ge @!p0 [sflag:s9], $0x4000  }
0x2c6: {  	[sflag:s9] =	ssyncset.done @!p0 $0x0  }
0x2c7: {  	s28 =	simm.s32 @!p0 $0x8C00;
	[sflag:s9] =	ssyncadd.s32 @!p0 $0xFFFFC000  }
0x2c8: {  	[spmem:s4] =	stream.indirect.scatter.add.f32 @!p0 [tilespmem:s28], [sflag:$0x5], $0x1, s11, s25, $0xb8;
	[tilespmem:$0x1CF80] =	vst v63  }
0x2c9: {  	_ =	swait.ge @!p0 [sflag:s9], $0x80  }
0x2ca: {  	[sflag:s9] =	ssyncset.done @!p0 $0x0  }
0x2cb: {  	[sflag:s9] =	ssyncadd.s32 @!p0 $0xFFFFFF80  }
0x2cc: {  	s13 =	stileid.u32;
	[bflag:$0x0] =	sbarrier.arrive $0xFFFF  }
0x2cd: {  	s9 =	sshll.u32 s13, $0x6;
	s31 =	rddreg [dreg:$0xf]  }
0x2ce: {  	s9 =	sor.u32 $0x1C05, s9;
	s28 =	rddreg [dreg:$0x1a];
	s25 =	sshrl.u32 s31, $0x3  }
0x2cf: {  	[hbm:s28], [sflag:s9] =	dma.local [spmem:s25], $0x2800  }
0x2d0: {  	_ =	swait.ge [sflag:s21], $0x2800  }
0x2d1: {  	s13 =	rddreg [dreg:$0x10]  }
0x2d2: {  	s28 =	simm.s32 $0x10;
	[sflag:s21] =	ssyncset.done $0x0;
	s25 =	rddreg [dreg:$0x1b]  }
0x2d3: {  	[sflag:s21] =	ssyncadd.s32 $0xFFFFD800;
	s11 =	sshrl.u32 s13, $0x3;
	s13 =	simm.s32 $0x20  }
0x2d4: {  	[hbm:s25@s13], [sflag:s9] =	dma.strided [spmem:s11@s28], $0x50, s1, $0x10   }
0x2d5: {  	_ =	swait.ge [sflag:s21], $0x50  }
0x2d6: {  	s25 =	rddreg [dreg:$0x1d]  }
0x2d7: {  	s28 =	rddreg [dreg:$0x1c];
	s11 =	sadd.s32 $0x1, s25  }
0x2d8: {  	p1 =	sne.s32 s11, s28  }
.Ltmp2:
0x2d9: {  	_ = 	snop;
	(pc) =	sbr.rel @p1 .LBB2_1-.Ltmp2, $3  }
0x2da: {  	_ =	sdelay $0x1  }
0x2db: {  	[sflag:s21] =	ssyncset.done $0x0  }
0x2dc: {  	[sflag:s21] =	ssyncadd.s32 $0xFFFFFFB0  }
0x2dd: {  	_ =	sfence.sel $0x180000  }
0x2de: {  	[bflag:$0x0] =	sbarrier.arrive $0xFFFF  }
0x2df: {  	_ =	strace $0x90000047  }
0x2e0: {  	s0 =	stileid.u32;
	[bflag:$0x2] =	sbarrier.arrive $0xFFFF  }
0x2e1: {  	p0 =	sne.s32 s0, $0x0;
	s0 =	rddreg [dreg:$0x6]  }
0x2e2: {  	s0 =	sadd.s32 @!p0 $0x100000, s0  }
0x2e3: {  	[sflag:s0] =	ssyncadd.tile.s32 @!p0 $0x1;
	_ =	shalt  }
.Lfunc_end2:
_tile_overlayer_lowered:
.L_overlay_start_2:
0x2e4: {  	(tag) =	ssettag $0x2  }
0x2e5: {  	s0 =	rddreg [dreg:$0x0];
	s2 =	stileid.u32  }
0x2e6: {  	s1 =	rddreg [dreg:$0x1];
	p0 =	sne.s32 s2, $0x0  }
0x2e7: {  	s3 =	rddreg [dreg:$0x2];
	[bflag:$0x3] =	sbarrier.arrive $0xFFFF;
	s2 =	simm.s32 @!p0 $0x1C05  }
0x2e8: {  	[timem:s3], [sflag:s2] =	dma.local @!p0 [hbm:s0], s1  }
0x2e9: {  	s0 =	simm.s32 @!p0 $0x5  }
0x2ea: {  	_ =	swait.ge @!p0 [sflag:s0], s1  }
0x2eb: {  	s1 =	ssub.s32 @!p0 $0x0, s1;
	[sflag:s0] =	ssyncset.done @!p0 $0x0  }
0x2ec: {  	[sflag:s0] =	ssyncadd.s32 @!p0 s1  }
0x2ed: {  	[bflag:$0x3] =	sbarrier.arrive $0xFFFF  }
0x2ee: {  	_ =	shalt  }

</sc_bundles>
